<compile_context>
chip_gen: v7x
topology: tpu7x:2x2x1
jax: 0.10.2.dev20260603
libtpu: 0.0.44.dev20260713+nightly
codegen_flags: <defaults>
</compile_context>

<pallas_src>
import functools

import jax
import jax.numpy as jnp
from jax import lax
from jax.experimental import pallas as pl
from jax.experimental.pallas import tpu as pltpu
from jax.experimental.pallas import tpu_sc as plsc

NBANDS = 10
NQ = 2
GROUP = 8
NW = 32
NC = 2


def _sc_unpack_body(pb_hbm, tb_hbm, m_hbm, out_hbm,
                    pb_v, tb_v, m_v, y_v, tw_v, th_v, pw_v, ph_v, cdm_v):
    n = m_hbm.shape[0]
    npa = n // NW
    ng = (npa + 15) // 16
    lim = npa * 4 - 1
    w = lax.axis_index("s") * NC + lax.axis_index("c")
    off4 = pl.multiple_of(w * npa * 4, 8)
    offa = pl.multiple_of(w * npa, 8)
    pltpu.sync_copy(pb_hbm.at[pl.ds(off4, npa * 4)], pb_v)
    pltpu.sync_copy(tb_hbm.at[pl.ds(off4, npa * 4)], tb_v)
    pltpu.sync_copy(m_hbm.at[pl.ds(offa, npa)], m_v.at[pl.ds(0, npa)])
    lanes = lax.iota(jnp.int32, 16)

    @pl.loop(0, ng, unroll=4)
    def _(i):
        base = lanes * 4 + i * 64

        def fld(ref, c):
            return plsc.load_gather(ref, [jnp.minimum(base + c, lim)])

        px1, py1, px2, py2 = (fld(pb_v, c) for c in range(4))
        tx1, ty1, tx2, ty2 = (fld(tb_v, c) for c in range(4))
        pw = px2 - px1
        ph = py2 - py1
        pcx = px1 + pw * 0.5
        pcy = py1 + ph * 0.5
        tw = tx2 - tx1
        th = ty2 - ty1
        tcx = tx1 + tw * 0.5
        tcy = ty1 + th * 0.5
        m16 = m_v[pl.ds(i * 16, 16)]
        dx = pcx - tcx
        dy = pcy - tcy
        cdm = (dx * dx + dy * dy) * m16
        sl = pl.ds(i * 16, 16)
        y_v[sl] = tcy
        tw_v[sl] = tw
        th_v[sl] = th
        pw_v[sl] = pw
        ph_v[sl] = ph
        cdm_v[sl] = cdm

    for r, src in enumerate((y_v, tw_v, th_v, pw_v, ph_v, m_v, cdm_v)):
        pltpu.sync_copy(src.at[pl.ds(0, npa)],
                        out_hbm.at[pl.ds(pl.multiple_of(r * n + w * npa, 8),
                                         npa)])


def _sc_unpack(pb_flat, tb_flat, m_flat):
    n = m_flat.shape[0]
    npa = n // NW
    ngw = ((npa + 15) // 16) * 16
    mesh = plsc.VectorSubcoreMesh(core_axis_name="c", subcore_axis_name="s")
    fn = functools.partial(
        pl.kernel, mesh=mesh, interpret=False,
        compiler_params=pltpu.CompilerParams(needs_layout_passes=False),
        out_type=jax.ShapeDtypeStruct((7 * n,), jnp.float32),
        scratch_types=[
            pltpu.VMEM((npa * 4,), jnp.float32),
            pltpu.VMEM((npa * 4,), jnp.float32),
            pltpu.VMEM((ngw,), jnp.float32),
            pltpu.VMEM((ngw,), jnp.float32),
            pltpu.VMEM((ngw,), jnp.float32),
            pltpu.VMEM((ngw,), jnp.float32),
            pltpu.VMEM((ngw,), jnp.float32),
            pltpu.VMEM((ngw,), jnp.float32),
            pltpu.VMEM((ngw,), jnp.float32),
        ],
    )(_sc_unpack_body)
    return fn(pb_flat, tb_flat, m_flat)


def _tc_body(tss_ref, *refs):
    scores_refs = refs[0:NQ]
    sc_ref = refs[NQ]
    out_ref = refs[NQ + 1]
    (ws_s, lc_s, ls_s, ymin_s, ymax_s,
     cnt_s, sw_s, sww_s, sh_s, shh_s) = refs[NQ + 2:]
    k = pl.program_id(0)
    nc_chunks = ws_s.shape[0]
    npa = ws_s.shape[1]
    p0 = nc_chunks // NQ
    p12 = nc_chunks // GROUP

    @pl.when(k == 0)
    def _init():
        lc_s[0] = 0.0
        ls_s[0] = 0.0
        ymin_s[0] = jnp.inf
        ymax_s[0] = -jnp.inf
        for b in range(NBANDS):
            cnt_s[b] = 0.0
            sw_s[b] = 0.0
            sww_s[b] = 0.0
            sh_s[b] = 0.0
            shh_s[b] = 0.0

    @pl.when(k < p0)
    def _phase0():
        ones = jnp.ones((scores_refs[0].shape[2], 8), jnp.float32)
        sub = npa // 1400
        for q in range(NQ):
            c = k + q * p0
            for j in range(sub):
                sl = slice(j * 1400, (j + 1) * 1400)
                ws8 = jax.lax.dot_general(
                    scores_refs[q][0, sl, :], ones, (((1,), (0,)), ((), ())),
                    preferred_element_type=jnp.float32)
                ws_s[c, pl.ds(j * 1400, 1400)] = jnp.swapaxes(ws8, 0, 1)[0]

        @pl.when(k == 0)
        def _minmax():
            y = sc_ref[0]
            m = sc_ref[5]
            ymin_s[0] = jnp.minimum(
                ymin_s[0], jnp.min(jnp.where(m > 0, y, jnp.inf)))
            ymax_s[0] = jnp.maximum(
                ymax_s[0], jnp.max(jnp.where(m > 0, y, -jnp.inf)))

    def _bands(rows):
        y = sc_ref[0, rows, :]
        rng = ymax_s[0] - ymin_s[0]
        ynorm = (y - ymin_s[0]) / (rng + 1e-6)
        band = jnp.clip((ynorm * NBANDS).astype(jnp.int32), 0, NBANDS - 1)
        return jnp.where(rng < 1e-6, jnp.zeros_like(band), band)

    @pl.when(jnp.logical_and(k >= p0, k < p0 + p12))
    def _phase1():
        rows = pl.ds((k - p0) * GROUP, GROUP)
        band = _bands(rows)
        m = sc_ref[5, rows, :]
        tw = sc_ref[1, rows, :]
        th = sc_ref[2, rows, :]
        tw2 = tw * tw
        th2 = th * th
        for b in range(NBANDS):
            sel = jnp.where(band == b, m, 0.0)
            cnt_s[b] += jnp.sum(sel)
            sw_s[b] += jnp.sum(tw * sel)
            sww_s[b] += jnp.sum(tw2 * sel)
            sh_s[b] += jnp.sum(th * sel)
            shh_s[b] += jnp.sum(th2 * sel)

    @pl.when(k >= p0 + p12)
    def _phase2():
        g = k - p0 - p12
        rows = pl.ds(g * GROUP, GROUP)
        band = _bands(rows)
        shape = band.shape
        cnt_e = jnp.zeros(shape, jnp.float32)
        sw_e = jnp.zeros(shape, jnp.float32)
        sww_e = jnp.zeros(shape, jnp.float32)
        sh_e = jnp.zeros(shape, jnp.float32)
        shh_e = jnp.zeros(shape, jnp.float32)
        for b in range(NBANDS):
            hit = band == b
            cnt_e = jnp.where(hit, cnt_s[b], cnt_e)
            sw_e = jnp.where(hit, sw_s[b], sw_e)
            sww_e = jnp.where(hit, sww_s[b], sww_e)
            sh_e = jnp.where(hit, sh_s[b], sh_e)
            shh_e = jnp.where(hit, shh_s[b], shh_e)

        cmax = jnp.maximum(cnt_e, 1.0)
        cm1 = jnp.maximum(cnt_e - 1.0, 1.0)
        mean_w = sw_e / cmax
        mean_h = sh_e / cmax
        std_w = jnp.sqrt(jnp.maximum(
            (sww_e - cnt_e * mean_w * mean_w) / cm1, 0.0)) + 1e-6
        std_h = jnp.sqrt(jnp.maximum(
            (shh_e - cnt_e * mean_h * mean_h) / cm1, 0.0)) + 1e-6
        ub_w = mean_w + 3.0 * std_w
        lb_w = jnp.maximum(mean_w - 3.0 * std_w, 0.0)
        ub_h = mean_h + 3.0 * std_h
        lb_h = jnp.maximum(mean_h - 3.0 * std_h, 0.0)

        pw = sc_ref[3, rows, :]
        phh = sc_ref[4, rows, :]
        m = sc_ref[5, rows, :]
        lw = jnp.where(pw > ub_w, (pw - ub_w) ** 2,
                       jnp.where(pw < lb_w, (lb_w - pw) ** 2, 0.0))
        lh = jnp.where(phh > ub_h, (phh - ub_h) ** 2,
                       jnp.where(phh < lb_h, (lb_h - phh) ** 2, 0.0))
        loss = jnp.where(cnt_e >= 2.0, lw + lh, 0.0)
        ws_rows = ws_s[pl.ds(g * GROUP, GROUP), :]
        ls_s[0] += jnp.sum(loss * m * ws_rows)
        lc_s[0] += jnp.sum(sc_ref[6, rows, :] * ws_rows)

        @pl.when(k == pl.num_programs(0) - 1)
        def _finish():
            out_ref[0] = (lc_s[0] + ls_s[0]) / tss_ref[0]


def kernel(pred_dist, pred_bboxes, anchor_points, target_bboxes,
           target_scores, target_scores_sum, fg_mask):
    B, A, C = target_scores.shape
    n = B * A
    npa = n // NW
    nc_chunks = NW
    p0 = nc_chunks // NQ
    p12 = nc_chunks // GROUP
    per_row = nc_chunks // B
    half = A // per_row

    m_flat = fg_mask.astype(jnp.float32).reshape(n)
    scout = _sc_unpack(pred_bboxes.reshape(-1), target_bboxes.reshape(-1),
                       m_flat).reshape(7, nc_chunks, npa)
    tss = target_scores_sum.reshape(1)

    def _smap(q):
        def _map(k):
            c = jnp.minimum(k, p0 - 1) + q * p0
            return (c // per_row, c % per_row, 0)
        return _map

    def _scout_map(k):
        return (0, 0, 0)

    score_specs = [pl.BlockSpec((1, half, C), _smap(q)) for q in range(NQ)]

    loss = pl.pallas_call(
        _tc_body,
        grid=(p0 + 2 * p12,),
        in_specs=([pl.BlockSpec(memory_space=pltpu.SMEM)]
                  + score_specs
                  + [pl.BlockSpec((7, nc_chunks, npa), _scout_map)]),
        out_specs=pl.BlockSpec(memory_space=pltpu.SMEM),
        out_shape=jax.ShapeDtypeStruct((1,), jnp.float32),
        scratch_shapes=[
            pltpu.VMEM((nc_chunks, npa), jnp.float32),
            pltpu.SMEM((1,), jnp.float32),
            pltpu.SMEM((1,), jnp.float32),
            pltpu.SMEM((1,), jnp.float32),
            pltpu.SMEM((1,), jnp.float32),
            pltpu.SMEM((NBANDS,), jnp.float32),
            pltpu.SMEM((NBANDS,), jnp.float32),
            pltpu.SMEM((NBANDS,), jnp.float32),
            pltpu.SMEM((NBANDS,), jnp.float32),
            pltpu.SMEM((NBANDS,), jnp.float32),
        ],
        interpret=False,
    )(tss, *([target_scores] * NQ), scout)

    loss_bbox = loss[0].reshape(())
    loss_dfl = jnp.zeros((), dtype=jnp.float32)
    return (loss_bbox, loss_dfl)

# --- scband reference (transcript-rebuilt; emitter-appended) ---
"""Pipeline reference for scband-psddnbbox-loss-43757126812326 (READ-ONLY COPY).

The authoritative reference and input builder live on the scoring server;
editing this copy changes nothing except your own understanding.
"""

import jax, jax.numpy as jnp
import numpy as np

NUM_BANDS = 10


def xyxy2xywh(boxes):
    x1, y1, x2, y2 = boxes[..., 0], boxes[..., 1], boxes[..., 2], boxes[..., 3]
    w = x2 - x1
    h = y2 - y1
    return jnp.stack([x1 + w / 2, y1 + h / 2, w, h], axis=-1)


def _size_loss_3sigma(pred_sizes, target_sizes, y, weight, mask, num_bands=NUM_BANDS):
    y_min = jnp.where(mask > 0, y, jnp.inf).min()
    y_max = jnp.where(mask > 0, y, -jnp.inf).max()
    y_norm = (y - y_min) / (y_max - y_min + 1e-06)
    band = jnp.clip((y_norm * num_bands).astype(jnp.int32), 0, num_bands - 1)
    band = jnp.where(y_max - y_min < 1e-06, jnp.zeros_like(band), band)
    counts = jax.ops.segment_sum(mask, band, num_segments=num_bands)

    def stats(v):
        s = jax.ops.segment_sum(v * mask, band, num_segments=num_bands)
        sq = jax.ops.segment_sum(v * v * mask, band, num_segments=num_bands)
        mean = s / jnp.maximum(counts, 1.0)
        var = (sq - counts * mean * mean) / jnp.maximum(counts - 1.0, 1.0)
        std = jnp.sqrt(jnp.maximum(var, 0.0)) + 1e-06
        return mean, std

    mean_w, std_w = stats(target_sizes[:, 0])
    mean_h, std_h = stats(target_sizes[:, 1])
    ub_w = (mean_w + 3 * std_w)[band]
    lb_w = jnp.clip(mean_w - 3 * std_w, 0.0)[band]
    ub_h = (mean_h + 3 * std_h)[band]
    lb_h = jnp.clip(mean_h - 3 * std_h, 0.0)[band]
    pw = pred_sizes[:, 0]
    ph = pred_sizes[:, 1]
    lw = jnp.where(pw > ub_w, (pw - ub_w) ** 2, jnp.where(pw < lb_w, (lb_w - pw) ** 2, 0.0))
    lh = jnp.where(ph > ub_h, (ph - ub_h) ** 2, jnp.where(ph < lb_h, (lb_h - ph) ** 2, 0.0))
    valid = (counts >= 2.0)[band]
    loss = jnp.where(valid, lw + lh, 0.0)[:, None]
    return (loss * weight).sum()


def setup_inputs(seed: int = 0):
    key = jax.random.key(seed)
    ks = jax.random.split(key, 6)
    B, A, C, RM = 16, 8400, 80, 16
    pred_dist = jax.random.normal(ks[0], (B, A, 4 * RM), dtype=jnp.float32)
    pred_bboxes = jax.random.uniform(ks[1], (B, A, 4), dtype=jnp.float32) * 640.0
    anchor_points = jax.random.uniform(ks[2], (A, 2), dtype=jnp.float32) * 640.0
    target_bboxes = jax.random.uniform(ks[3], (B, A, 4), dtype=jnp.float32) * 640.0
    target_scores = jax.random.uniform(ks[4], (B, A, C), dtype=jnp.float32)
    target_scores_sum = jnp.ones((), dtype=jnp.float32)
    fg_mask = jax.random.randint(ks[5], (B, A), 0, 2).astype(bool)
    return {"pred_dist": pred_dist, "pred_bboxes": pred_bboxes, "anchor_points": anchor_points,
            "target_bboxes": target_bboxes, "target_scores": target_scores,
            "target_scores_sum": target_scores_sum, "fg_mask": fg_mask}


def reference(pred_dist, pred_bboxes, anchor_points, target_bboxes, target_scores, target_scores_sum, fg_mask):
    m = fg_mask.reshape(-1).astype(jnp.float32)
    weight = (target_scores.sum(-1).reshape(-1) * m)[:, None]
    pred_pos = pred_bboxes.reshape(-1, 4)
    tgt_pos = target_bboxes.reshape(-1, 4)
    pred_xywh = xyxy2xywh(pred_pos)
    tgt_xywh = xyxy2xywh(tgt_pos)
    pc = pred_xywh[:, :2]
    tc = tgt_xywh[:, :2]
    loss_center = (((pc - tc) ** 2).sum(axis=1, keepdims=True) * weight).sum() / target_scores_sum
    loss_size = _size_loss_3sigma(pred_xywh[:, 2:], tgt_xywh[:, 2:], tc[:, 1], weight, m) / target_scores_sum
    loss_bbox = loss_center + loss_size
    loss_dfl = jnp.zeros((), dtype=jnp.float32)
    return (loss_bbox, loss_dfl)

if __name__ == "__main__":
    import jax
    _d = setup_inputs()
    print(jax.jit(kernel)(*tuple(_d.values())))

</pallas_src>

<mosaic_0001>
#map = affine_map<(d0, d1) -> (0)>
module attributes {stable_mosaic.version = 14 : i64} {
  func.func @_sc_unpack_body(%arg0: i32, %arg1: i32, %arg2: memref<537600xf32, #tpu.memory_space<hbm>>, %arg3: memref<537600xf32, #tpu.memory_space<hbm>>, %arg4: memref<134400xf32, #tpu.memory_space<hbm>>, %arg5: memref<940800xf32, #tpu.memory_space<hbm>>, %arg6: memref<16800xf32, #tpu.memory_space<vmem>>, %arg7: memref<16800xf32, #tpu.memory_space<vmem>>, %arg8: memref<4208xf32, #tpu.memory_space<vmem>>, %arg9: memref<4208xf32, #tpu.memory_space<vmem>>, %arg10: memref<4208xf32, #tpu.memory_space<vmem>>, %arg11: memref<4208xf32, #tpu.memory_space<vmem>>, %arg12: memref<4208xf32, #tpu.memory_space<vmem>>, %arg13: memref<4208xf32, #tpu.memory_space<vmem>>, %arg14: memref<4208xf32, #tpu.memory_space<vmem>>) attributes {dimension_semantics = [#tpu.dimension_semantics<core_parallel>, #tpu.dimension_semantics<subcore_parallel>], iteration_bounds = array<i64: 2, 16>, scalar_prefetch = 0 : i64, scratch_operands = 9 : i64, tpu.core_type = #tpu.core_type<sc_vector_subcore>, window_params = [{transform_indices = #map}, {transform_indices = #map}, {transform_indices = #map}, {transform_indices = #map}]} {
    %mul3A = arith.constant 2 : i32
    %mul3A_0 = arith.muli %arg1, %mul3A : i32
    %add3A = arith.addi %mul3A_0, %arg0 : i32
    %mul3A_1 = arith.constant 4200 : i32
    %mul3A_2 = arith.muli %add3A, %mul3A_1 : i32
    %mul3A_3 = arith.constant 4 : i32
    %mul3A_4 = arith.muli %mul3A_2, %mul3A_3 : i32
    %multiple_of3A = tpu.assume_multiple %mul3A_4, 8 : i32
    %mul3A_5 = arith.constant 4200 : i32
    %mul3A_6 = arith.muli %add3A, %mul3A_5 : i32
    %multiple_of3A_7 = tpu.assume_multiple %mul3A_6, 8 : i32
    "tpu.region"() ({
      %run_scoped3A = tpu.sem_alloc : memref<!tpu.dma_semaphore, #tpu.memory_space<semaphore_mem>>
      %dma_start3A = tpu.memref_slice %arg2[%multiple_of3A] : memref<537600xf32, #tpu.memory_space<hbm>> -> memref<16800xf32, #tpu.memory_space<hbm>>
      %dma_start3A_381 = tpu.memref_slice %arg2[%multiple_of3A] : memref<537600xf32, #tpu.memory_space<hbm>> -> memref<16800xf32, #tpu.memory_space<hbm>>
      tpu.enqueue_dma source(%dma_start3A_381 : memref<16800xf32, #tpu.memory_space<hbm>>) target(%arg6 : memref<16800xf32, #tpu.memory_space<vmem>>) target_semaphore(%run_scoped3A : memref<!tpu.dma_semaphore, #tpu.memory_space<semaphore_mem>>)
      %dma_wait3A = tpu.memref_slice %arg2[%multiple_of3A] : memref<537600xf32, #tpu.memory_space<hbm>> -> memref<16800xf32, #tpu.memory_space<hbm>>
      %dma_wait3A_382 = tpu.memref_slice %arg2[%multiple_of3A] : memref<537600xf32, #tpu.memory_space<hbm>> -> memref<16800xf32, #tpu.memory_space<hbm>>
      tpu.wait_dma2 semaphore(%run_scoped3A : memref<!tpu.dma_semaphore, #tpu.memory_space<semaphore_mem>>) src(%dma_wait3A_382 : memref<16800xf32, #tpu.memory_space<hbm>>) dst(%arg6 : memref<16800xf32, #tpu.memory_space<vmem>>)
      tpu.yield
    }) : () -> ()
    "tpu.region"() ({
      %run_scoped3A = tpu.sem_alloc : memref<!tpu.dma_semaphore, #tpu.memory_space<semaphore_mem>>
      %dma_start3A = tpu.memref_slice %arg3[%multiple_of3A] : memref<537600xf32, #tpu.memory_space<hbm>> -> memref<16800xf32, #tpu.memory_space<hbm>>
      %dma_start3A_381 = tpu.memref_slice %arg3[%multiple_of3A] : memref<537600xf32, #tpu.memory_space<hbm>> -> memref<16800xf32, #tpu.memory_space<hbm>>
      tpu.enqueue_dma source(%dma_start3A_381 : memref<16800xf32, #tpu.memory_space<hbm>>) target(%arg7 : memref<16800xf32, #tpu.memory_space<vmem>>) target_semaphore(%run_scoped3A : memref<!tpu.dma_semaphore, #tpu.memory_space<semaphore_mem>>)
      %dma_wait3A = tpu.memref_slice %arg3[%multiple_of3A] : memref<537600xf32, #tpu.memory_space<hbm>> -> memref<16800xf32, #tpu.memory_space<hbm>>
      %dma_wait3A_382 = tpu.memref_slice %arg3[%multiple_of3A] : memref<537600xf32, #tpu.memory_space<hbm>> -> memref<16800xf32, #tpu.memory_space<hbm>>
      tpu.wait_dma2 semaphore(%run_scoped3A : memref<!tpu.dma_semaphore, #tpu.memory_space<semaphore_mem>>) src(%dma_wait3A_382 : memref<16800xf32, #tpu.memory_space<hbm>>) dst(%arg7 : memref<16800xf32, #tpu.memory_space<vmem>>)
      tpu.yield
    }) : () -> ()
    "tpu.region"() ({
      %run_scoped3A = tpu.sem_alloc : memref<!tpu.dma_semaphore, #tpu.memory_space<semaphore_mem>>
      %dma_start3A = arith.constant 0 : i32
      %dma_start3A_381 = tpu.memref_slice %arg8[%dma_start3A] : memref<4208xf32, #tpu.memory_space<vmem>> -> memref<4200xf32, #tpu.memory_space<vmem>>
      %dma_start3A_382 = tpu.memref_slice %arg4[%multiple_of3A_7] : memref<134400xf32, #tpu.memory_space<hbm>> -> memref<4200xf32, #tpu.memory_space<hbm>>
      %dma_start3A_383 = arith.constant 0 : i32
      %dma_start3A_384 = tpu.memref_slice %arg8[%dma_start3A_383] : memref<4208xf32, #tpu.memory_space<vmem>> -> memref<4200xf32, #tpu.memory_space<vmem>>
      %dma_start3A_385 = tpu.memref_slice %arg4[%multiple_of3A_7] : memref<134400xf32, #tpu.memory_space<hbm>> -> memref<4200xf32, #tpu.memory_space<hbm>>
      tpu.enqueue_dma source(%dma_start3A_385 : memref<4200xf32, #tpu.memory_space<hbm>>) target(%dma_start3A_384 : memref<4200xf32, #tpu.memory_space<vmem>>) target_semaphore(%run_scoped3A : memref<!tpu.dma_semaphore, #tpu.memory_space<semaphore_mem>>)
      %dma_wait3A = arith.constant 0 : i32
      %dma_wait3A_386 = tpu.memref_slice %arg8[%dma_wait3A] : memref<4208xf32, #tpu.memory_space<vmem>> -> memref<4200xf32, #tpu.memory_space<vmem>>
      %dma_wait3A_387 = tpu.memref_slice %arg4[%multiple_of3A_7] : memref<134400xf32, #tpu.memory_space<hbm>> -> memref<4200xf32, #tpu.memory_space<hbm>>
      %dma_wait3A_388 = arith.constant 0 : i32
      %dma_wait3A_389 = tpu.memref_slice %arg8[%dma_wait3A_388] : memref<4208xf32, #tpu.memory_space<vmem>> -> memref<4200xf32, #tpu.memory_space<vmem>>
      %dma_wait3A_390 = tpu.memref_slice %arg4[%multiple_of3A_7] : memref<134400xf32, #tpu.memory_space<hbm>> -> memref<4200xf32, #tpu.memory_space<hbm>>
      tpu.wait_dma2 semaphore(%run_scoped3A : memref<!tpu.dma_semaphore, #tpu.memory_space<semaphore_mem>>) src(%dma_wait3A_390 : memref<4200xf32, #tpu.memory_space<hbm>>) dst(%dma_wait3A_389 : memref<4200xf32, #tpu.memory_space<vmem>>)
      tpu.yield
    }) : () -> ()
    %iota3A = tpu.iota {dimensions = array<i32: 0>} : vector<16xi32>
    %scan3A = arith.constant 0 : i32
    %scan3A_8 = arith.constant 260 : i32
    %scan3A_9 = arith.addi %scan3A, %scan3A_8 : i32
    %scan3A_10 = arith.constant 4 : i32
    scf.for %scan3A_381 = %scan3A to %scan3A_9 step %scan3A_10  : i32 {
      %mul3A_382 = arith.constant 1 : i32
      %mul3A_383 = arith.muli %scan3A_381, %mul3A_382 : i32
      %add3A_384 = arith.constant 0 : i32
      %add3A_385 = arith.addi %add3A_384, %mul3A_383 : i32
      %mul3A_386 = arith.constant 4 : i32
      %mul3A_387 = vector.broadcast %mul3A_386 : i32 to vector<16xi32>
      %mul3A_388 = arith.muli %iota3A, %mul3A_387 : vector<16xi32>
      %mul3A_389 = arith.constant 64 : i32
      %mul3A_390 = arith.muli %add3A_385, %mul3A_389 : i32
      %add3A_391 = vector.broadcast %mul3A_390 : i32 to vector<16xi32>
      %add3A_392 = arith.addi %mul3A_388, %add3A_391 : vector<16xi32>
      %add3A_393 = arith.constant 0 : i32
      %add3A_394 = vector.broadcast %add3A_393 : i32 to vector<16xi32>
      %add3A_395 = arith.addi %add3A_392, %add3A_394 : vector<16xi32>
      %min3A_396 = arith.constant 16799 : i32
      %min3A_397 = vector.broadcast %min3A_396 : i32 to vector<16xi32>
      %min3A_398 = arith.minsi %add3A_395, %min3A_397 : vector<16xi32>
      %gather3A_399 = tpu.vector_load_idx %arg6[%min3A_398] : memref<16800xf32, #tpu.memory_space<vmem>>[vector<16xi32>], vector<16xf32>,
      %add3A_400 = arith.constant 1 : i32
      %add3A_401 = vector.broadcast %add3A_400 : i32 to vector<16xi32>
      %add3A_402 = arith.addi %add3A_392, %add3A_401 : vector<16xi32>
      %min3A_403 = arith.constant 16799 : i32
      %min3A_404 = vector.broadcast %min3A_403 : i32 to vector<16xi32>
      %min3A_405 = arith.minsi %add3A_402, %min3A_404 : vector<16xi32>
      %gather3A_406 = tpu.vector_load_idx %arg6[%min3A_405] : memref<16800xf32, #tpu.memory_space<vmem>>[vector<16xi32>], vector<16xf32>,
      %add3A_407 = arith.constant 2 : i32
      %add3A_408 = vector.broadcast %add3A_407 : i32 to vector<16xi32>
      %add3A_409 = arith.addi %add3A_392, %add3A_408 : vector<16xi32>
      %min3A_410 = arith.constant 16799 : i32
      %min3A_411 = vector.broadcast %min3A_410 : i32 to vector<16xi32>
      %min3A_412 = arith.minsi %add3A_409, %min3A_411 : vector<16xi32>
      %gather3A_413 = tpu.vector_load_idx %arg6[%min3A_412] : memref<16800xf32, #tpu.memory_space<vmem>>[vector<16xi32>], vector<16xf32>,
      %add3A_414 = arith.constant 3 : i32
      %add3A_415 = vector.broadcast %add3A_414 : i32 to vector<16xi32>
      %add3A_416 = arith.addi %add3A_392, %add3A_415 : vector<16xi32>
      %min3A_417 = arith.constant 16799 : i32
      %min3A_418 = vector.broadcast %min3A_417 : i32 to vector<16xi32>
      %min3A_419 = arith.minsi %add3A_416, %min3A_418 : vector<16xi32>
      %gather3A_420 = tpu.vector_load_idx %arg6[%min3A_419] : memref<16800xf32, #tpu.memory_space<vmem>>[vector<16xi32>], vector<16xf32>,
      %add3A_421 = arith.constant 0 : i32
      %add3A_422 = vector.broadcast %add3A_421 : i32 to vector<16xi32>
      %add3A_423 = arith.addi %add3A_392, %add3A_422 : vector<16xi32>
      %min3A_424 = arith.constant 16799 : i32
      %min3A_425 = vector.broadcast %min3A_424 : i32 to vector<16xi32>
      %min3A_426 = arith.minsi %add3A_423, %min3A_425 : vector<16xi32>
      %gather3A_427 = tpu.vector_load_idx %arg7[%min3A_426] : memref<16800xf32, #tpu.memory_space<vmem>>[vector<16xi32>], vector<16xf32>,
      %add3A_428 = arith.constant 1 : i32
      %add3A_429 = vector.broadcast %add3A_428 : i32 to vector<16xi32>
      %add3A_430 = arith.addi %add3A_392, %add3A_429 : vector<16xi32>
      %min3A_431 = arith.constant 16799 : i32
      %min3A_432 = vector.broadcast %min3A_431 : i32 to vector<16xi32>
      %min3A_433 = arith.minsi %add3A_430, %min3A_432 : vector<16xi32>
      %gather3A_434 = tpu.vector_load_idx %arg7[%min3A_433] : memref<16800xf32, #tpu.memory_space<vmem>>[vector<16xi32>], vector<16xf32>,
      %add3A_435 = arith.constant 2 : i32
      %add3A_436 = vector.broadcast %add3A_435 : i32 to vector<16xi32>
      %add3A_437 = arith.addi %add3A_392, %add3A_436 : vector<16xi32>
      %min3A_438 = arith.constant 16799 : i32
      %min3A_439 = vector.broadcast %min3A_438 : i32 to vector<16xi32>
      %min3A_440 = arith.minsi %add3A_437, %min3A_439 : vector<16xi32>
      %gather3A_441 = tpu.vector_load_idx %arg7[%min3A_440] : memref<16800xf32, #tpu.memory_space<vmem>>[vector<16xi32>], vector<16xf32>,
      %add3A_442 = arith.constant 3 : i32
      %add3A_443 = vector.broadcast %add3A_442 : i32 to vector<16xi32>
      %add3A_444 = arith.addi %add3A_392, %add3A_443 : vector<16xi32>
      %min3A_445 = arith.constant 16799 : i32
      %min3A_446 = vector.broadcast %min3A_445 : i32 to vector<16xi32>
      %min3A_447 = arith.minsi %add3A_444, %min3A_446 : vector<16xi32>
      %gather3A_448 = tpu.vector_load_idx %arg7[%min3A_447] : memref<16800xf32, #tpu.memory_space<vmem>>[vector<16xi32>], vector<16xf32>,
      %sub3A_449 = arith.subf %gather3A_413, %gather3A_399 : vector<16xf32>
      %sub3A_450 = arith.subf %gather3A_420, %gather3A_406 : vector<16xf32>
      %mul3A_451 = arith.constant 5.000000e-01 : f32
      %mul3A_452 = vector.broadcast %mul3A_451 : f32 to vector<16xf32>
      %mul3A_453 = arith.mulf %sub3A_449, %mul3A_452 : vector<16xf32>
      %add3A_454 = arith.addf %gather3A_399, %mul3A_453 : vector<16xf32>
      %mul3A_455 = arith.constant 5.000000e-01 : f32
      %mul3A_456 = vector.broadcast %mul3A_455 : f32 to vector<16xf32>
      %mul3A_457 = arith.mulf %sub3A_450, %mul3A_456 : vector<16xf32>
      %add3A_458 = arith.addf %gather3A_406, %mul3A_457 : vector<16xf32>
      %sub3A_459 = arith.subf %gather3A_441, %gather3A_427 : vector<16xf32>
      %sub3A_460 = arith.subf %gather3A_448, %gather3A_434 : vector<16xf32>
      %mul3A_461 = arith.constant 5.000000e-01 : f32
      %mul3A_462 = vector.broadcast %mul3A_461 : f32 to vector<16xf32>
      %mul3A_463 = arith.mulf %sub3A_459, %mul3A_462 : vector<16xf32>
      %add3A_464 = arith.addf %gather3A_427, %mul3A_463 : vector<16xf32>
      %mul3A_465 = arith.constant 5.000000e-01 : f32
      %mul3A_466 = vector.broadcast %mul3A_465 : f32 to vector<16xf32>
      %mul3A_467 = arith.mulf %sub3A_460, %mul3A_466 : vector<16xf32>
      %add3A_468 = arith.addf %gather3A_434, %mul3A_467 : vector<16xf32>
      %mul3A_469 = arith.constant 16 : i32
      %mul3A_470 = arith.muli %add3A_385, %mul3A_469 : i32
      %get3A_471 = arith.index_cast %mul3A_470 : i32 to index
      %get3A_472 = tpu.vector_load %arg8[%get3A_471] {strides = array<i32>} : memref<4208xf32, #tpu.memory_space<vmem>>, vector<16xf32>,
      %sub3A_473 = arith.subf %add3A_454, %add3A_464 : vector<16xf32>
      %sub3A_474 = arith.subf %add3A_458, %add3A_468 : vector<16xf32>
      %mul3A_475 = arith.mulf %sub3A_473, %sub3A_473 : vector<16xf32>
      %mul3A_476 = arith.mulf %sub3A_474, %sub3A_474 : vector<16xf32>
      %add3A_477 = arith.addf %mul3A_475, %mul3A_476 : vector<16xf32>
      %mul3A_478 = arith.mulf %add3A_477, %get3A_472 : vector<16xf32>
      %mul3A_479 = arith.constant 16 : i32
      %mul3A_480 = arith.muli %add3A_385, %mul3A_479 : i32
      %swap3A_481 = arith.index_cast %mul3A_480 : i32 to index
      %swap3A_482 = tpu.vector_load %arg9[%swap3A_481] {strides = array<i32>} : memref<4208xf32, #tpu.memory_space<vmem>>, vector<16xf32>,
      tpu.vector_store %arg9[%swap3A_481], %add3A_468 {strides = array<i32>} : memref<4208xf32, #tpu.memory_space<vmem>>, vector<16xf32>,
      %swap3A_483 = arith.index_cast %mul3A_480 : i32 to index
      %swap3A_484 = tpu.vector_load %arg10[%swap3A_483] {strides = array<i32>} : memref<4208xf32, #tpu.memory_space<vmem>>, vector<16xf32>,
      tpu.vector_store %arg10[%swap3A_483], %sub3A_459 {strides = array<i32>} : memref<4208xf32, #tpu.memory_space<vmem>>, vector<16xf32>,
      %swap3A_485 = arith.index_cast %mul3A_480 : i32 to index
      %swap3A_486 = tpu.vector_load %arg11[%swap3A_485] {strides = array<i32>} : memref<4208xf32, #tpu.memory_space<vmem>>, vector<16xf32>,
      tpu.vector_store %arg11[%swap3A_485], %sub3A_460 {strides = array<i32>} : memref<4208xf32, #tpu.memory_space<vmem>>, vector<16xf32>,
      %swap3A_487 = arith.index_cast %mul3A_480 : i32 to index
      %swap3A_488 = tpu.vector_load %arg12[%swap3A_487] {strides = array<i32>} : memref<4208xf32, #tpu.memory_space<vmem>>, vector<16xf32>,
      tpu.vector_store %arg12[%swap3A_487], %sub3A_449 {strides = array<i32>} : memref<4208xf32, #tpu.memory_space<vmem>>, vector<16xf32>,
      %swap3A_489 = arith.index_cast %mul3A_480 : i32 to index
      %swap3A_490 = tpu.vector_load %arg13[%swap3A_489] {strides = array<i32>} : memref<4208xf32, #tpu.memory_space<vmem>>, vector<16xf32>,
      tpu.vector_store %arg13[%swap3A_489], %sub3A_450 {strides = array<i32>} : memref<4208xf32, #tpu.memory_space<vmem>>, vector<16xf32>,
      %swap3A_491 = arith.index_cast %mul3A_480 : i32 to index
      %swap3A_492 = tpu.vector_load %arg14[%swap3A_491] {strides = array<i32>} : memref<4208xf32, #tpu.memory_space<vmem>>, vector<16xf32>,
      tpu.vector_store %arg14[%swap3A_491], %mul3A_478 {strides = array<i32>} : memref<4208xf32, #tpu.memory_space<vmem>>, vector<16xf32>,
      %scan3A_493 = arith.constant 1 : i32
      %scan3A_494 = arith.addi %scan3A_381, %scan3A_493 : i32
      %mul3A_495 = arith.constant 1 : i32
      %mul3A_496 = arith.muli %scan3A_494, %mul3A_495 : i32
      %add3A_497 = arith.constant 0 : i32
      %add3A_498 = arith.addi %add3A_497, %mul3A_496 : i32
      %mul3A_499 = arith.constant 4 : i32
      %mul3A_500 = vector.broadcast %mul3A_499 : i32 to vector<16xi32>
      %mul3A_501 = arith.muli %iota3A, %mul3A_500 : vector<16xi32>
      %mul3A_502 = arith.constant 64 : i32
      %mul3A_503 = arith.muli %add3A_498, %mul3A_502 : i32
      %add3A_504 = vector.broadcast %mul3A_503 : i32 to vector<16xi32>
      %add3A_505 = arith.addi %mul3A_501, %add3A_504 : vector<16xi32>
      %add3A_506 = arith.constant 0 : i32
      %add3A_507 = vector.broadcast %add3A_506 : i32 to vector<16xi32>
      %add3A_508 = arith.addi %add3A_505, %add3A_507 : vector<16xi32>
      %min3A_509 = arith.constant 16799 : i32
      %min3A_510 = vector.broadcast %min3A_509 : i32 to vector<16xi32>
      %min3A_511 = arith.minsi %add3A_508, %min3A_510 : vector<16xi32>
      %gather3A_512 = tpu.vector_load_idx %arg6[%min3A_511] : memref<16800xf32, #tpu.memory_space<vmem>>[vector<16xi32>], vector<16xf32>,
      %add3A_513 = arith.constant 1 : i32
      %add3A_514 = vector.broadcast %add3A_513 : i32 to vector<16xi32>
      %add3A_515 = arith.addi %add3A_505, %add3A_514 : vector<16xi32>
      %min3A_516 = arith.constant 16799 : i32
      %min3A_517 = vector.broadcast %min3A_516 : i32 to vector<16xi32>
      %min3A_518 = arith.minsi %add3A_515, %min3A_517 : vector<16xi32>
      %gather3A_519 = tpu.vector_load_idx %arg6[%min3A_518] : memref<16800xf32, #tpu.memory_space<vmem>>[vector<16xi32>], vector<16xf32>,
      %add3A_520 = arith.constant 2 : i32
      %add3A_521 = vector.broadcast %add3A_520 : i32 to vector<16xi32>
      %add3A_522 = arith.addi %add3A_505, %add3A_521 : vector<16xi32>
      %min3A_523 = arith.constant 16799 : i32
      %min3A_524 = vector.broadcast %min3A_523 : i32 to vector<16xi32>
      %min3A_525 = arith.minsi %add3A_522, %min3A_524 : vector<16xi32>
      %gather3A_526 = tpu.vector_load_idx %arg6[%min3A_525] : memref<16800xf32, #tpu.memory_space<vmem>>[vector<16xi32>], vector<16xf32>,
      %add3A_527 = arith.constant 3 : i32
      %add3A_528 = vector.broadcast %add3A_527 : i32 to vector<16xi32>
      %add3A_529 = arith.addi %add3A_505, %add3A_528 : vector<16xi32>
      %min3A_530 = arith.constant 16799 : i32
      %min3A_531 = vector.broadcast %min3A_530 : i32 to vector<16xi32>
      %min3A_532 = arith.minsi %add3A_529, %min3A_531 : vector<16xi32>
      %gather3A_533 = tpu.vector_load_idx %arg6[%min3A_532] : memref<16800xf32, #tpu.memory_space<vmem>>[vector<16xi32>], vector<16xf32>,
      %add3A_534 = arith.constant 0 : i32
      %add3A_535 = vector.broadcast %add3A_534 : i32 to vector<16xi32>
      %add3A_536 = arith.addi %add3A_505, %add3A_535 : vector<16xi32>
      %min3A_537 = arith.constant 16799 : i32
      %min3A_538 = vector.broadcast %min3A_537 : i32 to vector<16xi32>
      %min3A_539 = arith.minsi %add3A_536, %min3A_538 : vector<16xi32>
      %gather3A_540 = tpu.vector_load_idx %arg7[%min3A_539] : memref<16800xf32, #tpu.memory_space<vmem>>[vector<16xi32>], vector<16xf32>,
      %add3A_541 = arith.constant 1 : i32
      %add3A_542 = vector.broadcast %add3A_541 : i32 to vector<16xi32>
      %add3A_543 = arith.addi %add3A_505, %add3A_542 : vector<16xi32>
      %min3A_544 = arith.constant 16799 : i32
      %min3A_545 = vector.broadcast %min3A_544 : i32 to vector<16xi32>
      %min3A_546 = arith.minsi %add3A_543, %min3A_545 : vector<16xi32>
      %gather3A_547 = tpu.vector_load_idx %arg7[%min3A_546] : memref<16800xf32, #tpu.memory_space<vmem>>[vector<16xi32>], vector<16xf32>,
      %add3A_548 = arith.constant 2 : i32
      %add3A_549 = vector.broadcast %add3A_548 : i32 to vector<16xi32>
      %add3A_550 = arith.addi %add3A_505, %add3A_549 : vector<16xi32>
      %min3A_551 = arith.constant 16799 : i32
      %min3A_552 = vector.broadcast %min3A_551 : i32 to vector<16xi32>
      %min3A_553 = arith.minsi %add3A_550, %min3A_552 : vector<16xi32>
      %gather3A_554 = tpu.vector_load_idx %arg7[%min3A_553] : memref<16800xf32, #tpu.memory_space<vmem>>[vector<16xi32>], vector<16xf32>,
      %add3A_555 = arith.constant 3 : i32
      %add3A_556 = vector.broadcast %add3A_555 : i32 to vector<16xi32>
      %add3A_557 = arith.addi %add3A_505, %add3A_556 : vector<16xi32>
      %min3A_558 = arith.constant 16799 : i32
      %min3A_559 = vector.broadcast %min3A_558 : i32 to vector<16xi32>
      %min3A_560 = arith.minsi %add3A_557, %min3A_559 : vector<16xi32>
      %gather3A_561 = tpu.vector_load_idx %arg7[%min3A_560] : memref<16800xf32, #tpu.memory_space<vmem>>[vector<16xi32>], vector<16xf32>,
      %sub3A_562 = arith.subf %gather3A_526, %gather3A_512 : vector<16xf32>
      %sub3A_563 = arith.subf %gather3A_533, %gather3A_519 : vector<16xf32>
      %mul3A_564 = arith.constant 5.000000e-01 : f32
      %mul3A_565 = vector.broadcast %mul3A_564 : f32 to vector<16xf32>
      %mul3A_566 = arith.mulf %sub3A_562, %mul3A_565 : vector<16xf32>
      %add3A_567 = arith.addf %gather3A_512, %mul3A_566 : vector<16xf32>
      %mul3A_568 = arith.constant 5.000000e-01 : f32
      %mul3A_569 = vector.broadcast %mul3A_568 : f32 to vector<16xf32>
      %mul3A_570 = arith.mulf %sub3A_563, %mul3A_569 : vector<16xf32>
      %add3A_571 = arith.addf %gather3A_519, %mul3A_570 : vector<16xf32>
      %sub3A_572 = arith.subf %gather3A_554, %gather3A_540 : vector<16xf32>
      %sub3A_573 = arith.subf %gather3A_561, %gather3A_547 : vector<16xf32>
      %mul3A_574 = arith.constant 5.000000e-01 : f32
      %mul3A_575 = vector.broadcast %mul3A_574 : f32 to vector<16xf32>
      %mul3A_576 = arith.mulf %sub3A_572, %mul3A_575 : vector<16xf32>
      %add3A_577 = arith.addf %gather3A_540, %mul3A_576 : vector<16xf32>
      %mul3A_578 = arith.constant 5.000000e-01 : f32
      %mul3A_579 = vector.broadcast %mul3A_578 : f32 to vector<16xf32>
      %mul3A_580 = arith.mulf %sub3A_573, %mul3A_579 : vector<16xf32>
      %add3A_581 = arith.addf %gather3A_547, %mul3A_580 : vector<16xf32>
      %mul3A_582 = arith.constant 16 : i32
      %mul3A_583 = arith.muli %add3A_498, %mul3A_582 : i32
      %get3A_584 = arith.index_cast %mul3A_583 : i32 to index
      %get3A_585 = tpu.vector_load %arg8[%get3A_584] {strides = array<i32>} : memref<4208xf32, #tpu.memory_space<vmem>>, vector<16xf32>,
      %sub3A_586 = arith.subf %add3A_567, %add3A_577 : vector<16xf32>
      %sub3A_587 = arith.subf %add3A_571, %add3A_581 : vector<16xf32>
      %mul3A_588 = arith.mulf %sub3A_586, %sub3A_586 : vector<16xf32>
      %mul3A_589 = arith.mulf %sub3A_587, %sub3A_587 : vector<16xf32>
      %add3A_590 = arith.addf %mul3A_588, %mul3A_589 : vector<16xf32>
      %mul3A_591 = arith.mulf %add3A_590, %get3A_585 : vector<16xf32>
      %mul3A_592 = arith.constant 16 : i32
      %mul3A_593 = arith.muli %add3A_498, %mul3A_592 : i32
      %swap3A_594 = arith.index_cast %mul3A_593 : i32 to index
      %swap3A_595 = tpu.vector_load %arg9[%swap3A_594] {strides = array<i32>} : memref<4208xf32, #tpu.memory_space<vmem>>, vector<16xf32>,
      tpu.vector_store %arg9[%swap3A_594], %add3A_581 {strides = array<i32>} : memref<4208xf32, #tpu.memory_space<vmem>>, vector<16xf32>,
      %swap3A_596 = arith.index_cast %mul3A_593 : i32 to index
      %swap3A_597 = tpu.vector_load %arg10[%swap3A_596] {strides = array<i32>} : memref<4208xf32, #tpu.memory_space<vmem>>, vector<16xf32>,
      tpu.vector_store %arg10[%swap3A_596], %sub3A_572 {strides = array<i32>} : memref<4208xf32, #tpu.memory_space<vmem>>, vector<16xf32>,
      %swap3A_598 = arith.index_cast %mul3A_593 : i32 to index
      %swap3A_599 = tpu.vector_load %arg11[%swap3A_598] {strides = array<i32>} : memref<4208xf32, #tpu.memory_space<vmem>>, vector<16xf32>,
      tpu.vector_store %arg11[%swap3A_598], %sub3A_573 {strides = array<i32>} : memref<4208xf32, #tpu.memory_space<vmem>>, vector<16xf32>,
      %swap3A_600 = arith.index_cast %mul3A_593 : i32 to index
      %swap3A_601 = tpu.vector_load %arg12[%swap3A_600] {strides = array<i32>} : memref<4208xf32, #tpu.memory_space<vmem>>, vector<16xf32>,
      tpu.vector_store %arg12[%swap3A_600], %sub3A_562 {strides = array<i32>} : memref<4208xf32, #tpu.memory_space<vmem>>, vector<16xf32>,
      %swap3A_602 = arith.index_cast %mul3A_593 : i32 to index
      %swap3A_603 = tpu.vector_load %arg13[%swap3A_602] {strides = array<i32>} : memref<4208xf32, #tpu.memory_space<vmem>>, vector<16xf32>,
      tpu.vector_store %arg13[%swap3A_602], %sub3A_563 {strides = array<i32>} : memref<4208xf32, #tpu.memory_space<vmem>>, vector<16xf32>,
      %swap3A_604 = arith.index_cast %mul3A_593 : i32 to index
      %swap3A_605 = tpu.vector_load %arg14[%swap3A_604] {strides = array<i32>} : memref<4208xf32, #tpu.memory_space<vmem>>, vector<16xf32>,
      tpu.vector_store %arg14[%swap3A_604], %mul3A_591 {strides = array<i32>} : memref<4208xf32, #tpu.memory_space<vmem>>, vector<16xf32>,
      %scan3A_606 = arith.constant 2 : i32
      %scan3A_607 = arith.addi %scan3A_381, %scan3A_606 : i32
      %mul3A_608 = arith.constant 1 : i32
      %mul3A_609 = arith.muli %scan3A_607, %mul3A_608 : i32
      %add3A_610 = arith.constant 0 : i32
      %add3A_611 = arith.addi %add3A_610, %mul3A_609 : i32
      %mul3A_612 = arith.constant 4 : i32
      %mul3A_613 = vector.broadcast %mul3A_612 : i32 to vector<16xi32>
      %mul3A_614 = arith.muli %iota3A, %mul3A_613 : vector<16xi32>
      %mul3A_615 = arith.constant 64 : i32
      %mul3A_616 = arith.muli %add3A_611, %mul3A_615 : i32
      %add3A_617 = vector.broadcast %mul3A_616 : i32 to vector<16xi32>
      %add3A_618 = arith.addi %mul3A_614, %add3A_617 : vector<16xi32>
      %add3A_619 = arith.constant 0 : i32
      %add3A_620 = vector.broadcast %add3A_619 : i32 to vector<16xi32>
      %add3A_621 = arith.addi %add3A_618, %add3A_620 : vector<16xi32>
      %min3A_622 = arith.constant 16799 : i32
      %min3A_623 = vector.broadcast %min3A_622 : i32 to vector<16xi32>
      %min3A_624 = arith.minsi %add3A_621, %min3A_623 : vector<16xi32>
      %gather3A_625 = tpu.vector_load_idx %arg6[%min3A_624] : memref<16800xf32, #tpu.memory_space<vmem>>[vector<16xi32>], vector<16xf32>,
      %add3A_626 = arith.constant 1 : i32
      %add3A_627 = vector.broadcast %add3A_626 : i32 to vector<16xi32>
      %add3A_628 = arith.addi %add3A_618, %add3A_627 : vector<16xi32>
      %min3A_629 = arith.constant 16799 : i32
      %min3A_630 = vector.broadcast %min3A_629 : i32 to vector<16xi32>
      %min3A_631 = arith.minsi %add3A_628, %min3A_630 : vector<16xi32>
      %gather3A_632 = tpu.vector_load_idx %arg6[%min3A_631] : memref<16800xf32, #tpu.memory_space<vmem>>[vector<16xi32>], vector<16xf32>,
      %add3A_633 = arith.constant 2 : i32
      %add3A_634 = vector.broadcast %add3A_633 : i32 to vector<16xi32>
      %add3A_635 = arith.addi %add3A_618, %add3A_634 : vector<16xi32>
      %min3A_636 = arith.constant 16799 : i32
      %min3A_637 = vector.broadcast %min3A_636 : i32 to vector<16xi32>
      %min3A_638 = arith.minsi %add3A_635, %min3A_637 : vector<16xi32>
      %gather3A_639 = tpu.vector_load_idx %arg6[%min3A_638] : memref<16800xf32, #tpu.memory_space<vmem>>[vector<16xi32>], vector<16xf32>,
      %add3A_640 = arith.constant 3 : i32
      %add3A_641 = vector.broadcast %add3A_640 : i32 to vector<16xi32>
      %add3A_642 = arith.addi %add3A_618, %add3A_641 : vector<16xi32>
      %min3A_643 = arith.constant 16799 : i32
      %min3A_644 = vector.broadcast %min3A_643 : i32 to vector<16xi32>
      %min3A_645 = arith.minsi %add3A_642, %min3A_644 : vector<16xi32>
      %gather3A_646 = tpu.vector_load_idx %arg6[%min3A_645] : memref<16800xf32, #tpu.memory_space<vmem>>[vector<16xi32>], vector<16xf32>,
      %add3A_647 = arith.constant 0 : i32
      %add3A_648 = vector.broadcast %add3A_647 : i32 to vector<16xi32>
      %add3A_649 = arith.addi %add3A_618, %add3A_648 : vector<16xi32>
      %min3A_650 = arith.constant 16799 : i32
      %min3A_651 = vector.broadcast %min3A_650 : i32 to vector<16xi32>
      %min3A_652 = arith.minsi %add3A_649, %min3A_651 : vector<16xi32>
      %gather3A_653 = tpu.vector_load_idx %arg7[%min3A_652] : memref<16800xf32, #tpu.memory_space<vmem>>[vector<16xi32>], vector<16xf32>,
      %add3A_654 = arith.constant 1 : i32
      %add3A_655 = vector.broadcast %add3A_654 : i32 to vector<16xi32>
      %add3A_656 = arith.addi %add3A_618, %add3A_655 : vector<16xi32>
      %min3A_657 = arith.constant 16799 : i32
      %min3A_658 = vector.broadcast %min3A_657 : i32 to vector<16xi32>
      %min3A_659 = arith.minsi %add3A_656, %min3A_658 : vector<16xi32>
      %gather3A_660 = tpu.vector_load_idx %arg7[%min3A_659] : memref<16800xf32, #tpu.memory_space<vmem>>[vector<16xi32>], vector<16xf32>,
      %add3A_661 = arith.constant 2 : i32
      %add3A_662 = vector.broadcast %add3A_661 : i32 to vector<16xi32>
      %add3A_663 = arith.addi %add3A_618, %add3A_662 : vector<16xi32>
      %min3A_664 = arith.constant 16799 : i32
      %min3A_665 = vector.broadcast %min3A_664 : i32 to vector<16xi32>
      %min3A_666 = arith.minsi %add3A_663, %min3A_665 : vector<16xi32>
      %gather3A_667 = tpu.vector_load_idx %arg7[%min3A_666] : memref<16800xf32, #tpu.memory_space<vmem>>[vector<16xi32>], vector<16xf32>,
      %add3A_668 = arith.constant 3 : i32
      %add3A_669 = vector.broadcast %add3A_668 : i32 to vector<16xi32>
      %add3A_670 = arith.addi %add3A_618, %add3A_669 : vector<16xi32>
      %min3A_671 = arith.constant 16799 : i32
      %min3A_672 = vector.broadcast %min3A_671 : i32 to vector<16xi32>
      %min3A_673 = arith.minsi %add3A_670, %min3A_672 : vector<16xi32>
      %gather3A_674 = tpu.vector_load_idx %arg7[%min3A_673] : memref<16800xf32, #tpu.memory_space<vmem>>[vector<16xi32>], vector<16xf32>,
      %sub3A_675 = arith.subf %gather3A_639, %gather3A_625 : vector<16xf32>
      %sub3A_676 = arith.subf %gather3A_646, %gather3A_632 : vector<16xf32>
      %mul3A_677 = arith.constant 5.000000e-01 : f32
      %mul3A_678 = vector.broadcast %mul3A_677 : f32 to vector<16xf32>
      %mul3A_679 = arith.mulf %sub3A_675, %mul3A_678 : vector<16xf32>
      %add3A_680 = arith.addf %gather3A_625, %mul3A_679 : vector<16xf32>
      %mul3A_681 = arith.constant 5.000000e-01 : f32
      %mul3A_682 = vector.broadcast %mul3A_681 : f32 to vector<16xf32>
      %mul3A_683 = arith.mulf %sub3A_676, %mul3A_682 : vector<16xf32>
      %add3A_684 = arith.addf %gather3A_632, %mul3A_683 : vector<16xf32>
      %sub3A_685 = arith.subf %gather3A_667, %gather3A_653 : vector<16xf32>
      %sub3A_686 = arith.subf %gather3A_674, %gather3A_660 : vector<16xf32>
      %mul3A_687 = arith.constant 5.000000e-01 : f32
      %mul3A_688 = vector.broadcast %mul3A_687 : f32 to vector<16xf32>
      %mul3A_689 = arith.mulf %sub3A_685, %mul3A_688 : vector<16xf32>
      %add3A_690 = arith.addf %gather3A_653, %mul3A_689 : vector<16xf32>
      %mul3A_691 = arith.constant 5.000000e-01 : f32
      %mul3A_692 = vector.broadcast %mul3A_691 : f32 to vector<16xf32>
      %mul3A_693 = arith.mulf %sub3A_686, %mul3A_692 : vector<16xf32>
      %add3A_694 = arith.addf %gather3A_660, %mul3A_693 : vector<16xf32>
      %mul3A_695 = arith.constant 16 : i32
      %mul3A_696 = arith.muli %add3A_611, %mul3A_695 : i32
      %get3A_697 = arith.index_cast %mul3A_696 : i32 to index
      %get3A_698 = tpu.vector_load %arg8[%get3A_697] {strides = array<i32>} : memref<4208xf32, #tpu.memory_space<vmem>>, vector<16xf32>,
      %sub3A_699 = arith.subf %add3A_680, %add3A_690 : vector<16xf32>
      %sub3A_700 = arith.subf %add3A_684, %add3A_694 : vector<16xf32>
      %mul3A_701 = arith.mulf %sub3A_699, %sub3A_699 : vector<16xf32>
      %mul3A_702 = arith.mulf %sub3A_700, %sub3A_700 : vector<16xf32>
      %add3A_703 = arith.addf %mul3A_701, %mul3A_702 : vector<16xf32>
      %mul3A_704 = arith.mulf %add3A_703, %get3A_698 : vector<16xf32>
      %mul3A_705 = arith.constant 16 : i32
      %mul3A_706 = arith.muli %add3A_611, %mul3A_705 : i32
      %swap3A_707 = arith.index_cast %mul3A_706 : i32 to index
      %swap3A_708 = tpu.vector_load %arg9[%swap3A_707] {strides = array<i32>} : memref<4208xf32, #tpu.memory_space<vmem>>, vector<16xf32>,
      tpu.vector_store %arg9[%swap3A_707], %add3A_694 {strides = array<i32>} : memref<4208xf32, #tpu.memory_space<vmem>>, vector<16xf32>,
      %swap3A_709 = arith.index_cast %mul3A_706 : i32 to index
      %swap3A_710 = tpu.vector_load %arg10[%swap3A_709] {strides = array<i32>} : memref<4208xf32, #tpu.memory_space<vmem>>, vector<16xf32>,
      tpu.vector_store %arg10[%swap3A_709], %sub3A_685 {strides = array<i32>} : memref<4208xf32, #tpu.memory_space<vmem>>, vector<16xf32>,
      %swap3A_711 = arith.index_cast %mul3A_706 : i32 to index
      %swap3A_712 = tpu.vector_load %arg11[%swap3A_711] {strides = array<i32>} : memref<4208xf32, #tpu.memory_space<vmem>>, vector<16xf32>,
      tpu.vector_store %arg11[%swap3A_711], %sub3A_686 {strides = array<i32>} : memref<4208xf32, #tpu.memory_space<vmem>>, vector<16xf32>,
      %swap3A_713 = arith.index_cast %mul3A_706 : i32 to index
      %swap3A_714 = tpu.vector_load %arg12[%swap3A_713] {strides = array<i32>} : memref<4208xf32, #tpu.memory_space<vmem>>, vector<16xf32>,
      tpu.vector_store %arg12[%swap3A_713], %sub3A_675 {strides = array<i32>} : memref<4208xf32, #tpu.memory_space<vmem>>, vector<16xf32>,
      %swap3A_715 = arith.index_cast %mul3A_706 : i32 to index
      %swap3A_716 = tpu.vector_load %arg13[%swap3A_715] {strides = array<i32>} : memref<4208xf32, #tpu.memory_space<vmem>>, vector<16xf32>,
      tpu.vector_store %arg13[%swap3A_715], %sub3A_676 {strides = array<i32>} : memref<4208xf32, #tpu.memory_space<vmem>>, vector<16xf32>,
      %swap3A_717 = arith.index_cast %mul3A_706 : i32 to index
      %swap3A_718 = tpu.vector_load %arg14[%swap3A_717] {strides = array<i32>} : memref<4208xf32, #tpu.memory_space<vmem>>, vector<16xf32>,
      tpu.vector_store %arg14[%swap3A_717], %mul3A_704 {strides = array<i32>} : memref<4208xf32, #tpu.memory_space<vmem>>, vector<16xf32>,
      %scan3A_719 = arith.constant 3 : i32
      %scan3A_720 = arith.addi %scan3A_381, %scan3A_719 : i32
      %mul3A_721 = arith.constant 1 : i32
      %mul3A_722 = arith.muli %scan3A_720, %mul3A_721 : i32
      %add3A_723 = arith.constant 0 : i32
      %add3A_724 = arith.addi %add3A_723, %mul3A_722 : i32
      %mul3A_725 = arith.constant 4 : i32
      %mul3A_726 = vector.broadcast %mul3A_725 : i32 to vector<16xi32>
      %mul3A_727 = arith.muli %iota3A, %mul3A_726 : vector<16xi32>
      %mul3A_728 = arith.constant 64 : i32
      %mul3A_729 = arith.muli %add3A_724, %mul3A_728 : i32
      %add3A_730 = vector.broadcast %mul3A_729 : i32 to vector<16xi32>
      %add3A_731 = arith.addi %mul3A_727, %add3A_730 : vector<16xi32>
      %add3A_732 = arith.constant 0 : i32
      %add3A_733 = vector.broadcast %add3A_732 : i32 to vector<16xi32>
      %add3A_734 = arith.addi %add3A_731, %add3A_733 : vector<16xi32>
      %min3A_735 = arith.constant 16799 : i32
      %min3A_736 = vector.broadcast %min3A_735 : i32 to vector<16xi32>
      %min3A_737 = arith.minsi %add3A_734, %min3A_736 : vector<16xi32>
      %gather3A_738 = tpu.vector_load_idx %arg6[%min3A_737] : memref<16800xf32, #tpu.memory_space<vmem>>[vector<16xi32>], vector<16xf32>,
      %add3A_739 = arith.constant 1 : i32
      %add3A_740 = vector.broadcast %add3A_739 : i32 to vector<16xi32>
      %add3A_741 = arith.addi %add3A_731, %add3A_740 : vector<16xi32>
      %min3A_742 = arith.constant 16799 : i32
      %min3A_743 = vector.broadcast %min3A_742 : i32 to vector<16xi32>
      %min3A_744 = arith.minsi %add3A_741, %min3A_743 : vector<16xi32>
      %gather3A_745 = tpu.vector_load_idx %arg6[%min3A_744] : memref<16800xf32, #tpu.memory_space<vmem>>[vector<16xi32>], vector<16xf32>,
      %add3A_746 = arith.constant 2 : i32
      %add3A_747 = vector.broadcast %add3A_746 : i32 to vector<16xi32>
      %add3A_748 = arith.addi %add3A_731, %add3A_747 : vector<16xi32>
      %min3A_749 = arith.constant 16799 : i32
      %min3A_750 = vector.broadcast %min3A_749 : i32 to vector<16xi32>
      %min3A_751 = arith.minsi %add3A_748, %min3A_750 : vector<16xi32>
      %gather3A_752 = tpu.vector_load_idx %arg6[%min3A_751] : memref<16800xf32, #tpu.memory_space<vmem>>[vector<16xi32>], vector<16xf32>,
      %add3A_753 = arith.constant 3 : i32
      %add3A_754 = vector.broadcast %add3A_753 : i32 to vector<16xi32>
      %add3A_755 = arith.addi %add3A_731, %add3A_754 : vector<16xi32>
      %min3A_756 = arith.constant 16799 : i32
      %min3A_757 = vector.broadcast %min3A_756 : i32 to vector<16xi32>
      %min3A_758 = arith.minsi %add3A_755, %min3A_757 : vector<16xi32>
      %gather3A_759 = tpu.vector_load_idx %arg6[%min3A_758] : memref<16800xf32, #tpu.memory_space<vmem>>[vector<16xi32>], vector<16xf32>,
      %add3A_760 = arith.constant 0 : i32
      %add3A_761 = vector.broadcast %add3A_760 : i32 to vector<16xi32>
      %add3A_762 = arith.addi %add3A_731, %add3A_761 : vector<16xi32>
      %min3A_763 = arith.constant 16799 : i32
      %min3A_764 = vector.broadcast %min3A_763 : i32 to vector<16xi32>
      %min3A_765 = arith.minsi %add3A_762, %min3A_764 : vector<16xi32>
      %gather3A_766 = tpu.vector_load_idx %arg7[%min3A_765] : memref<16800xf32, #tpu.memory_space<vmem>>[vector<16xi32>], vector<16xf32>,
      %add3A_767 = arith.constant 1 : i32
      %add3A_768 = vector.broadcast %add3A_767 : i32 to vector<16xi32>
      %add3A_769 = arith.addi %add3A_731, %add3A_768 : vector<16xi32>
      %min3A_770 = arith.constant 16799 : i32
      %min3A_771 = vector.broadcast %min3A_770 : i32 to vector<16xi32>
      %min3A_772 = arith.minsi %add3A_769, %min3A_771 : vector<16xi32>
      %gather3A_773 = tpu.vector_load_idx %arg7[%min3A_772] : memref<16800xf32, #tpu.memory_space<vmem>>[vector<16xi32>], vector<16xf32>,
      %add3A_774 = arith.constant 2 : i32
      %add3A_775 = vector.broadcast %add3A_774 : i32 to vector<16xi32>
      %add3A_776 = arith.addi %add3A_731, %add3A_775 : vector<16xi32>
      %min3A_777 = arith.constant 16799 : i32
      %min3A_778 = vector.broadcast %min3A_777 : i32 to vector<16xi32>
      %min3A_779 = arith.minsi %add3A_776, %min3A_778 : vector<16xi32>
      %gather3A_780 = tpu.vector_load_idx %arg7[%min3A_779] : memref<16800xf32, #tpu.memory_space<vmem>>[vector<16xi32>], vector<16xf32>,
      %add3A_781 = arith.constant 3 : i32
      %add3A_782 = vector.broadcast %add3A_781 : i32 to vector<16xi32>
      %add3A_783 = arith.addi %add3A_731, %add3A_782 : vector<16xi32>
      %min3A_784 = arith.constant 16799 : i32
      %min3A_785 = vector.broadcast %min3A_784 : i32 to vector<16xi32>
      %min3A_786 = arith.minsi %add3A_783, %min3A_785 : vector<16xi32>
      %gather3A_787 = tpu.vector_load_idx %arg7[%min3A_786] : memref<16800xf32, #tpu.memory_space<vmem>>[vector<16xi32>], vector<16xf32>,
      %sub3A_788 = arith.subf %gather3A_752, %gather3A_738 : vector<16xf32>
      %sub3A_789 = arith.subf %gather3A_759, %gather3A_745 : vector<16xf32>
      %mul3A_790 = arith.constant 5.000000e-01 : f32
      %mul3A_791 = vector.broadcast %mul3A_790 : f32 to vector<16xf32>
      %mul3A_792 = arith.mulf %sub3A_788, %mul3A_791 : vector<16xf32>
      %add3A_793 = arith.addf %gather3A_738, %mul3A_792 : vector<16xf32>
      %mul3A_794 = arith.constant 5.000000e-01 : f32
      %mul3A_795 = vector.broadcast %mul3A_794 : f32 to vector<16xf32>
      %mul3A_796 = arith.mulf %sub3A_789, %mul3A_795 : vector<16xf32>
      %add3A_797 = arith.addf %gather3A_745, %mul3A_796 : vector<16xf32>
      %sub3A_798 = arith.subf %gather3A_780, %gather3A_766 : vector<16xf32>
      %sub3A_799 = arith.subf %gather3A_787, %gather3A_773 : vector<16xf32>
      %mul3A_800 = arith.constant 5.000000e-01 : f32
      %mul3A_801 = vector.broadcast %mul3A_800 : f32 to vector<16xf32>
      %mul3A_802 = arith.mulf %sub3A_798, %mul3A_801 : vector<16xf32>
      %add3A_803 = arith.addf %gather3A_766, %mul3A_802 : vector<16xf32>
      %mul3A_804 = arith.constant 5.000000e-01 : f32
      %mul3A_805 = vector.broadcast %mul3A_804 : f32 to vector<16xf32>
      %mul3A_806 = arith.mulf %sub3A_799, %mul3A_805 : vector<16xf32>
      %add3A_807 = arith.addf %gather3A_773, %mul3A_806 : vector<16xf32>
      %mul3A_808 = arith.constant 16 : i32
      %mul3A_809 = arith.muli %add3A_724, %mul3A_808 : i32
      %get3A_810 = arith.index_cast %mul3A_809 : i32 to index
      %get3A_811 = tpu.vector_load %arg8[%get3A_810] {strides = array<i32>} : memref<4208xf32, #tpu.memory_space<vmem>>, vector<16xf32>,
      %sub3A_812 = arith.subf %add3A_793, %add3A_803 : vector<16xf32>
      %sub3A_813 = arith.subf %add3A_797, %add3A_807 : vector<16xf32>
      %mul3A_814 = arith.mulf %sub3A_812, %sub3A_812 : vector<16xf32>
      %mul3A_815 = arith.mulf %sub3A_813, %sub3A_813 : vector<16xf32>
      %add3A_816 = arith.addf %mul3A_814, %mul3A_815 : vector<16xf32>
      %mul3A_817 = arith.mulf %add3A_816, %get3A_811 : vector<16xf32>
      %mul3A_818 = arith.constant 16 : i32
      %mul3A_819 = arith.muli %add3A_724, %mul3A_818 : i32
      %swap3A_820 = arith.index_cast %mul3A_819 : i32 to index
      %swap3A_821 = tpu.vector_load %arg9[%swap3A_820] {strides = array<i32>} : memref<4208xf32, #tpu.memory_space<vmem>>, vector<16xf32>,
      tpu.vector_store %arg9[%swap3A_820], %add3A_807 {strides = array<i32>} : memref<4208xf32, #tpu.memory_space<vmem>>, vector<16xf32>,
      %swap3A_822 = arith.index_cast %mul3A_819 : i32 to index
      %swap3A_823 = tpu.vector_load %arg10[%swap3A_822] {strides = array<i32>} : memref<4208xf32, #tpu.memory_space<vmem>>, vector<16xf32>,
      tpu.vector_store %arg10[%swap3A_822], %sub3A_798 {strides = array<i32>} : memref<4208xf32, #tpu.memory_space<vmem>>, vector<16xf32>,
      %swap3A_824 = arith.index_cast %mul3A_819 : i32 to index
      %swap3A_825 = tpu.vector_load %arg11[%swap3A_824] {strides = array<i32>} : memref<4208xf32, #tpu.memory_space<vmem>>, vector<16xf32>,
      tpu.vector_store %arg11[%swap3A_824], %sub3A_799 {strides = array<i32>} : memref<4208xf32, #tpu.memory_space<vmem>>, vector<16xf32>,
      %swap3A_826 = arith.index_cast %mul3A_819 : i32 to index
      %swap3A_827 = tpu.vector_load %arg12[%swap3A_826] {strides = array<i32>} : memref<4208xf32, #tpu.memory_space<vmem>>, vector<16xf32>,
      tpu.vector_store %arg12[%swap3A_826], %sub3A_788 {strides = array<i32>} : memref<4208xf32, #tpu.memory_space<vmem>>, vector<16xf32>,
      %swap3A_828 = arith.index_cast %mul3A_819 : i32 to index
      %swap3A_829 = tpu.vector_load %arg13[%swap3A_828] {strides = array<i32>} : memref<4208xf32, #tpu.memory_space<vmem>>, vector<16xf32>,
      tpu.vector_store %arg13[%swap3A_828], %sub3A_789 {strides = array<i32>} : memref<4208xf32, #tpu.memory_space<vmem>>, vector<16xf32>,
      %swap3A_830 = arith.index_cast %mul3A_819 : i32 to index
      %swap3A_831 = tpu.vector_load %arg14[%swap3A_830] {strides = array<i32>} : memref<4208xf32, #tpu.memory_space<vmem>>, vector<16xf32>,
      tpu.vector_store %arg14[%swap3A_830], %mul3A_817 {strides = array<i32>} : memref<4208xf32, #tpu.memory_space<vmem>>, vector<16xf32>,
    }
    %scan3A_11 = arith.constant 260 : i32
    %scan3A_12 = arith.addi %scan3A, %scan3A_11 : i32
    %mul3A_13 = arith.constant 1 : i32
    %mul3A_14 = arith.muli %scan3A_12, %mul3A_13 : i32
    %add3A_15 = arith.constant 0 : i32
    %add3A_16 = arith.addi %add3A_15, %mul3A_14 : i32
    %mul3A_17 = arith.constant 4 : i32
    %mul3A_18 = vector.broadcast %mul3A_17 : i32 to vector<16xi32>
    %mul3A_19 = arith.muli %iota3A, %mul3A_18 : vector<16xi32>
    %mul3A_20 = arith.constant 64 : i32
    %mul3A_21 = arith.muli %add3A_16, %mul3A_20 : i32
    %add3A_22 = vector.broadcast %mul3A_21 : i32 to vector<16xi32>
    %add3A_23 = arith.addi %mul3A_19, %add3A_22 : vector<16xi32>
    %add3A_24 = arith.constant 0 : i32
    %add3A_25 = vector.broadcast %add3A_24 : i32 to vector<16xi32>
    %add3A_26 = arith.addi %add3A_23, %add3A_25 : vector<16xi32>
    %min3A = arith.constant 16799 : i32
    %min3A_27 = vector.broadcast %min3A : i32 to vector<16xi32>
    %min3A_28 = arith.minsi %add3A_26, %min3A_27 : vector<16xi32>
    %gather3A = tpu.vector_load_idx %arg6[%min3A_28] : memref<16800xf32, #tpu.memory_space<vmem>>[vector<16xi32>], vector<16xf32>,
    %add3A_29 = arith.constant 1 : i32
    %add3A_30 = vector.broadcast %add3A_29 : i32 to vector<16xi32>
    %add3A_31 = arith.addi %add3A_23, %add3A_30 : vector<16xi32>
    %min3A_32 = arith.constant 16799 : i32
    %min3A_33 = vector.broadcast %min3A_32 : i32 to vector<16xi32>
    %min3A_34 = arith.minsi %add3A_31, %min3A_33 : vector<16xi32>
    %gather3A_35 = tpu.vector_load_idx %arg6[%min3A_34] : memref<16800xf32, #tpu.memory_space<vmem>>[vector<16xi32>], vector<16xf32>,
    %add3A_36 = arith.constant 2 : i32
    %add3A_37 = vector.broadcast %add3A_36 : i32 to vector<16xi32>
    %add3A_38 = arith.addi %add3A_23, %add3A_37 : vector<16xi32>
    %min3A_39 = arith.constant 16799 : i32
    %min3A_40 = vector.broadcast %min3A_39 : i32 to vector<16xi32>
    %min3A_41 = arith.minsi %add3A_38, %min3A_40 : vector<16xi32>
    %gather3A_42 = tpu.vector_load_idx %arg6[%min3A_41] : memref<16800xf32, #tpu.memory_space<vmem>>[vector<16xi32>], vector<16xf32>,
    %add3A_43 = arith.constant 3 : i32
    %add3A_44 = vector.broadcast %add3A_43 : i32 to vector<16xi32>
    %add3A_45 = arith.addi %add3A_23, %add3A_44 : vector<16xi32>
    %min3A_46 = arith.constant 16799 : i32
    %min3A_47 = vector.broadcast %min3A_46 : i32 to vector<16xi32>
    %min3A_48 = arith.minsi %add3A_45, %min3A_47 : vector<16xi32>
    %gather3A_49 = tpu.vector_load_idx %arg6[%min3A_48] : memref<16800xf32, #tpu.memory_space<vmem>>[vector<16xi32>], vector<16xf32>,
    %add3A_50 = arith.constant 0 : i32
    %add3A_51 = vector.broadcast %add3A_50 : i32 to vector<16xi32>
    %add3A_52 = arith.addi %add3A_23, %add3A_51 : vector<16xi32>
    %min3A_53 = arith.constant 16799 : i32
    %min3A_54 = vector.broadcast %min3A_53 : i32 to vector<16xi32>
    %min3A_55 = arith.minsi %add3A_52, %min3A_54 : vector<16xi32>
    %gather3A_56 = tpu.vector_load_idx %arg7[%min3A_55] : memref<16800xf32, #tpu.memory_space<vmem>>[vector<16xi32>], vector<16xf32>,
    %add3A_57 = arith.constant 1 : i32
    %add3A_58 = vector.broadcast %add3A_57 : i32 to vector<16xi32>
    %add3A_59 = arith.addi %add3A_23, %add3A_58 : vector<16xi32>
    %min3A_60 = arith.constant 16799 : i32
    %min3A_61 = vector.broadcast %min3A_60 : i32 to vector<16xi32>
    %min3A_62 = arith.minsi %add3A_59, %min3A_61 : vector<16xi32>
    %gather3A_63 = tpu.vector_load_idx %arg7[%min3A_62] : memref<16800xf32, #tpu.memory_space<vmem>>[vector<16xi32>], vector<16xf32>,
    %add3A_64 = arith.constant 2 : i32
    %add3A_65 = vector.broadcast %add3A_64 : i32 to vector<16xi32>
    %add3A_66 = arith.addi %add3A_23, %add3A_65 : vector<16xi32>
    %min3A_67 = arith.constant 16799 : i32
    %min3A_68 = vector.broadcast %min3A_67 : i32 to vector<16xi32>
    %min3A_69 = arith.minsi %add3A_66, %min3A_68 : vector<16xi32>
    %gather3A_70 = tpu.vector_load_idx %arg7[%min3A_69] : memref<16800xf32, #tpu.memory_space<vmem>>[vector<16xi32>], vector<16xf32>,
    %add3A_71 = arith.constant 3 : i32
    %add3A_72 = vector.broadcast %add3A_71 : i32 to vector<16xi32>
    %add3A_73 = arith.addi %add3A_23, %add3A_72 : vector<16xi32>
    %min3A_74 = arith.constant 16799 : i32
    %min3A_75 = vector.broadcast %min3A_74 : i32 to vector<16xi32>
    %min3A_76 = arith.minsi %add3A_73, %min3A_75 : vector<16xi32>
    %gather3A_77 = tpu.vector_load_idx %arg7[%min3A_76] : memref<16800xf32, #tpu.memory_space<vmem>>[vector<16xi32>], vector<16xf32>,
    %sub3A = arith.subf %gather3A_42, %gather3A : vector<16xf32>
    %sub3A_78 = arith.subf %gather3A_49, %gather3A_35 : vector<16xf32>
    %mul3A_79 = arith.constant 5.000000e-01 : f32
    %mul3A_80 = vector.broadcast %mul3A_79 : f32 to vector<16xf32>
    %mul3A_81 = arith.mulf %sub3A, %mul3A_80 : vector<16xf32>
    %add3A_82 = arith.addf %gather3A, %mul3A_81 : vector<16xf32>
    %mul3A_83 = arith.constant 5.000000e-01 : f32
    %mul3A_84 = vector.broadcast %mul3A_83 : f32 to vector<16xf32>
    %mul3A_85 = arith.mulf %sub3A_78, %mul3A_84 : vector<16xf32>
    %add3A_86 = arith.addf %gather3A_35, %mul3A_85 : vector<16xf32>
    %sub3A_87 = arith.subf %gather3A_70, %gather3A_56 : vector<16xf32>
    %sub3A_88 = arith.subf %gather3A_77, %gather3A_63 : vector<16xf32>
    %mul3A_89 = arith.constant 5.000000e-01 : f32
    %mul3A_90 = vector.broadcast %mul3A_89 : f32 to vector<16xf32>
    %mul3A_91 = arith.mulf %sub3A_87, %mul3A_90 : vector<16xf32>
    %add3A_92 = arith.addf %gather3A_56, %mul3A_91 : vector<16xf32>
    %mul3A_93 = arith.constant 5.000000e-01 : f32
    %mul3A_94 = vector.broadcast %mul3A_93 : f32 to vector<16xf32>
    %mul3A_95 = arith.mulf %sub3A_88, %mul3A_94 : vector<16xf32>
    %add3A_96 = arith.addf %gather3A_63, %mul3A_95 : vector<16xf32>
    %mul3A_97 = arith.constant 16 : i32
    %mul3A_98 = arith.muli %add3A_16, %mul3A_97 : i32
    %get3A = arith.index_cast %mul3A_98 : i32 to index
    %get3A_99 = tpu.vector_load %arg8[%get3A] {strides = array<i32>} : memref<4208xf32, #tpu.memory_space<vmem>>, vector<16xf32>,
    %sub3A_100 = arith.subf %add3A_82, %add3A_92 : vector<16xf32>
    %sub3A_101 = arith.subf %add3A_86, %add3A_96 : vector<16xf32>
    %mul3A_102 = arith.mulf %sub3A_100, %sub3A_100 : vector<16xf32>
    %mul3A_103 = arith.mulf %sub3A_101, %sub3A_101 : vector<16xf32>
    %add3A_104 = arith.addf %mul3A_102, %mul3A_103 : vector<16xf32>
    %mul3A_105 = arith.mulf %add3A_104, %get3A_99 : vector<16xf32>
    %mul3A_106 = arith.constant 16 : i32
    %mul3A_107 = arith.muli %add3A_16, %mul3A_106 : i32
    %swap3A = arith.index_cast %mul3A_107 : i32 to index
    %swap3A_108 = tpu.vector_load %arg9[%swap3A] {strides = array<i32>} : memref<4208xf32, #tpu.memory_space<vmem>>, vector<16xf32>,
    tpu.vector_store %arg9[%swap3A], %add3A_96 {strides = array<i32>} : memref<4208xf32, #tpu.memory_space<vmem>>, vector<16xf32>,
    %swap3A_109 = arith.index_cast %mul3A_107 : i32 to index
    %swap3A_110 = tpu.vector_load %arg10[%swap3A_109] {strides = array<i32>} : memref<4208xf32, #tpu.memory_space<vmem>>, vector<16xf32>,
    tpu.vector_store %arg10[%swap3A_109], %sub3A_87 {strides = array<i32>} : memref<4208xf32, #tpu.memory_space<vmem>>, vector<16xf32>,
    %swap3A_111 = arith.index_cast %mul3A_107 : i32 to index
    %swap3A_112 = tpu.vector_load %arg11[%swap3A_111] {strides = array<i32>} : memref<4208xf32, #tpu.memory_space<vmem>>, vector<16xf32>,
    tpu.vector_store %arg11[%swap3A_111], %sub3A_88 {strides = array<i32>} : memref<4208xf32, #tpu.memory_space<vmem>>, vector<16xf32>,
    %swap3A_113 = arith.index_cast %mul3A_107 : i32 to index
    %swap3A_114 = tpu.vector_load %arg12[%swap3A_113] {strides = array<i32>} : memref<4208xf32, #tpu.memory_space<vmem>>, vector<16xf32>,
    tpu.vector_store %arg12[%swap3A_113], %sub3A {strides = array<i32>} : memref<4208xf32, #tpu.memory_space<vmem>>, vector<16xf32>,
    %swap3A_115 = arith.index_cast %mul3A_107 : i32 to index
    %swap3A_116 = tpu.vector_load %arg13[%swap3A_115] {strides = array<i32>} : memref<4208xf32, #tpu.memory_space<vmem>>, vector<16xf32>,
    tpu.vector_store %arg13[%swap3A_115], %sub3A_78 {strides = array<i32>} : memref<4208xf32, #tpu.memory_space<vmem>>, vector<16xf32>,
    %swap3A_117 = arith.index_cast %mul3A_107 : i32 to index
    %swap3A_118 = tpu.vector_load %arg14[%swap3A_117] {strides = array<i32>} : memref<4208xf32, #tpu.memory_space<vmem>>, vector<16xf32>,
    tpu.vector_store %arg14[%swap3A_117], %mul3A_105 {strides = array<i32>} : memref<4208xf32, #tpu.memory_space<vmem>>, vector<16xf32>,
    %scan3A_119 = arith.constant 261 : i32
    %scan3A_120 = arith.addi %scan3A, %scan3A_119 : i32
    %mul3A_121 = arith.constant 1 : i32
    %mul3A_122 = arith.muli %scan3A_120, %mul3A_121 : i32
    %add3A_123 = arith.constant 0 : i32
    %add3A_124 = arith.addi %add3A_123, %mul3A_122 : i32
    %mul3A_125 = arith.constant 4 : i32
    %mul3A_126 = vector.broadcast %mul3A_125 : i32 to vector<16xi32>
    %mul3A_127 = arith.muli %iota3A, %mul3A_126 : vector<16xi32>
    %mul3A_128 = arith.constant 64 : i32
    %mul3A_129 = arith.muli %add3A_124, %mul3A_128 : i32
    %add3A_130 = vector.broadcast %mul3A_129 : i32 to vector<16xi32>
    %add3A_131 = arith.addi %mul3A_127, %add3A_130 : vector<16xi32>
    %add3A_132 = arith.constant 0 : i32
    %add3A_133 = vector.broadcast %add3A_132 : i32 to vector<16xi32>
    %add3A_134 = arith.addi %add3A_131, %add3A_133 : vector<16xi32>
    %min3A_135 = arith.constant 16799 : i32
    %min3A_136 = vector.broadcast %min3A_135 : i32 to vector<16xi32>
    %min3A_137 = arith.minsi %add3A_134, %min3A_136 : vector<16xi32>
    %gather3A_138 = tpu.vector_load_idx %arg6[%min3A_137] : memref<16800xf32, #tpu.memory_space<vmem>>[vector<16xi32>], vector<16xf32>,
    %add3A_139 = arith.constant 1 : i32
    %add3A_140 = vector.broadcast %add3A_139 : i32 to vector<16xi32>
    %add3A_141 = arith.addi %add3A_131, %add3A_140 : vector<16xi32>
    %min3A_142 = arith.constant 16799 : i32
    %min3A_143 = vector.broadcast %min3A_142 : i32 to vector<16xi32>
    %min3A_144 = arith.minsi %add3A_141, %min3A_143 : vector<16xi32>
    %gather3A_145 = tpu.vector_load_idx %arg6[%min3A_144] : memref<16800xf32, #tpu.memory_space<vmem>>[vector<16xi32>], vector<16xf32>,
    %add3A_146 = arith.constant 2 : i32
    %add3A_147 = vector.broadcast %add3A_146 : i32 to vector<16xi32>
    %add3A_148 = arith.addi %add3A_131, %add3A_147 : vector<16xi32>
    %min3A_149 = arith.constant 16799 : i32
    %min3A_150 = vector.broadcast %min3A_149 : i32 to vector<16xi32>
    %min3A_151 = arith.minsi %add3A_148, %min3A_150 : vector<16xi32>
    %gather3A_152 = tpu.vector_load_idx %arg6[%min3A_151] : memref<16800xf32, #tpu.memory_space<vmem>>[vector<16xi32>], vector<16xf32>,
    %add3A_153 = arith.constant 3 : i32
    %add3A_154 = vector.broadcast %add3A_153 : i32 to vector<16xi32>
    %add3A_155 = arith.addi %add3A_131, %add3A_154 : vector<16xi32>
    %min3A_156 = arith.constant 16799 : i32
    %min3A_157 = vector.broadcast %min3A_156 : i32 to vector<16xi32>
    %min3A_158 = arith.minsi %add3A_155, %min3A_157 : vector<16xi32>
    %gather3A_159 = tpu.vector_load_idx %arg6[%min3A_158] : memref<16800xf32, #tpu.memory_space<vmem>>[vector<16xi32>], vector<16xf32>,
    %add3A_160 = arith.constant 0 : i32
    %add3A_161 = vector.broadcast %add3A_160 : i32 to vector<16xi32>
    %add3A_162 = arith.addi %add3A_131, %add3A_161 : vector<16xi32>
    %min3A_163 = arith.constant 16799 : i32
    %min3A_164 = vector.broadcast %min3A_163 : i32 to vector<16xi32>
    %min3A_165 = arith.minsi %add3A_162, %min3A_164 : vector<16xi32>
    %gather3A_166 = tpu.vector_load_idx %arg7[%min3A_165] : memref<16800xf32, #tpu.memory_space<vmem>>[vector<16xi32>], vector<16xf32>,
    %add3A_167 = arith.constant 1 : i32
    %add3A_168 = vector.broadcast %add3A_167 : i32 to vector<16xi32>
    %add3A_169 = arith.addi %add3A_131, %add3A_168 : vector<16xi32>
    %min3A_170 = arith.constant 16799 : i32
    %min3A_171 = vector.broadcast %min3A_170 : i32 to vector<16xi32>
    %min3A_172 = arith.minsi %add3A_169, %min3A_171 : vector<16xi32>
    %gather3A_173 = tpu.vector_load_idx %arg7[%min3A_172] : memref<16800xf32, #tpu.memory_space<vmem>>[vector<16xi32>], vector<16xf32>,
    %add3A_174 = arith.constant 2 : i32
    %add3A_175 = vector.broadcast %add3A_174 : i32 to vector<16xi32>
    %add3A_176 = arith.addi %add3A_131, %add3A_175 : vector<16xi32>
    %min3A_177 = arith.constant 16799 : i32
    %min3A_178 = vector.broadcast %min3A_177 : i32 to vector<16xi32>
    %min3A_179 = arith.minsi %add3A_176, %min3A_178 : vector<16xi32>
    %gather3A_180 = tpu.vector_load_idx %arg7[%min3A_179] : memref<16800xf32, #tpu.memory_space<vmem>>[vector<16xi32>], vector<16xf32>,
    %add3A_181 = arith.constant 3 : i32
    %add3A_182 = vector.broadcast %add3A_181 : i32 to vector<16xi32>
    %add3A_183 = arith.addi %add3A_131, %add3A_182 : vector<16xi32>
    %min3A_184 = arith.constant 16799 : i32
    %min3A_185 = vector.broadcast %min3A_184 : i32 to vector<16xi32>
    %min3A_186 = arith.minsi %add3A_183, %min3A_185 : vector<16xi32>
    %gather3A_187 = tpu.vector_load_idx %arg7[%min3A_186] : memref<16800xf32, #tpu.memory_space<vmem>>[vector<16xi32>], vector<16xf32>,
    %sub3A_188 = arith.subf %gather3A_152, %gather3A_138 : vector<16xf32>
    %sub3A_189 = arith.subf %gather3A_159, %gather3A_145 : vector<16xf32>
    %mul3A_190 = arith.constant 5.000000e-01 : f32
    %mul3A_191 = vector.broadcast %mul3A_190 : f32 to vector<16xf32>
    %mul3A_192 = arith.mulf %sub3A_188, %mul3A_191 : vector<16xf32>
    %add3A_193 = arith.addf %gather3A_138, %mul3A_192 : vector<16xf32>
    %mul3A_194 = arith.constant 5.000000e-01 : f32
    %mul3A_195 = vector.broadcast %mul3A_194 : f32 to vector<16xf32>
    %mul3A_196 = arith.mulf %sub3A_189, %mul3A_195 : vector<16xf32>
    %add3A_197 = arith.addf %gather3A_145, %mul3A_196 : vector<16xf32>
    %sub3A_198 = arith.subf %gather3A_180, %gather3A_166 : vector<16xf32>
    %sub3A_199 = arith.subf %gather3A_187, %gather3A_173 : vector<16xf32>
    %mul3A_200 = arith.constant 5.000000e-01 : f32
    %mul3A_201 = vector.broadcast %mul3A_200 : f32 to vector<16xf32>
    %mul3A_202 = arith.mulf %sub3A_198, %mul3A_201 : vector<16xf32>
    %add3A_203 = arith.addf %gather3A_166, %mul3A_202 : vector<16xf32>
    %mul3A_204 = arith.constant 5.000000e-01 : f32
    %mul3A_205 = vector.broadcast %mul3A_204 : f32 to vector<16xf32>
    %mul3A_206 = arith.mulf %sub3A_199, %mul3A_205 : vector<16xf32>
    %add3A_207 = arith.addf %gather3A_173, %mul3A_206 : vector<16xf32>
    %mul3A_208 = arith.constant 16 : i32
    %mul3A_209 = arith.muli %add3A_124, %mul3A_208 : i32
    %get3A_210 = arith.index_cast %mul3A_209 : i32 to index
    %get3A_211 = tpu.vector_load %arg8[%get3A_210] {strides = array<i32>} : memref<4208xf32, #tpu.memory_space<vmem>>, vector<16xf32>,
    %sub3A_212 = arith.subf %add3A_193, %add3A_203 : vector<16xf32>
    %sub3A_213 = arith.subf %add3A_197, %add3A_207 : vector<16xf32>
    %mul3A_214 = arith.mulf %sub3A_212, %sub3A_212 : vector<16xf32>
    %mul3A_215 = arith.mulf %sub3A_213, %sub3A_213 : vector<16xf32>
    %add3A_216 = arith.addf %mul3A_214, %mul3A_215 : vector<16xf32>
    %mul3A_217 = arith.mulf %add3A_216, %get3A_211 : vector<16xf32>
    %mul3A_218 = arith.constant 16 : i32
    %mul3A_219 = arith.muli %add3A_124, %mul3A_218 : i32
    %swap3A_220 = arith.index_cast %mul3A_219 : i32 to index
    %swap3A_221 = tpu.vector_load %arg9[%swap3A_220] {strides = array<i32>} : memref<4208xf32, #tpu.memory_space<vmem>>, vector<16xf32>,
    tpu.vector_store %arg9[%swap3A_220], %add3A_207 {strides = array<i32>} : memref<4208xf32, #tpu.memory_space<vmem>>, vector<16xf32>,
    %swap3A_222 = arith.index_cast %mul3A_219 : i32 to index
    %swap3A_223 = tpu.vector_load %arg10[%swap3A_222] {strides = array<i32>} : memref<4208xf32, #tpu.memory_space<vmem>>, vector<16xf32>,
    tpu.vector_store %arg10[%swap3A_222], %sub3A_198 {strides = array<i32>} : memref<4208xf32, #tpu.memory_space<vmem>>, vector<16xf32>,
    %swap3A_224 = arith.index_cast %mul3A_219 : i32 to index
    %swap3A_225 = tpu.vector_load %arg11[%swap3A_224] {strides = array<i32>} : memref<4208xf32, #tpu.memory_space<vmem>>, vector<16xf32>,
    tpu.vector_store %arg11[%swap3A_224], %sub3A_199 {strides = array<i32>} : memref<4208xf32, #tpu.memory_space<vmem>>, vector<16xf32>,
    %swap3A_226 = arith.index_cast %mul3A_219 : i32 to index
    %swap3A_227 = tpu.vector_load %arg12[%swap3A_226] {strides = array<i32>} : memref<4208xf32, #tpu.memory_space<vmem>>, vector<16xf32>,
    tpu.vector_store %arg12[%swap3A_226], %sub3A_188 {strides = array<i32>} : memref<4208xf32, #tpu.memory_space<vmem>>, vector<16xf32>,
    %swap3A_228 = arith.index_cast %mul3A_219 : i32 to index
    %swap3A_229 = tpu.vector_load %arg13[%swap3A_228] {strides = array<i32>} : memref<4208xf32, #tpu.memory_space<vmem>>, vector<16xf32>,
    tpu.vector_store %arg13[%swap3A_228], %sub3A_189 {strides = array<i32>} : memref<4208xf32, #tpu.memory_space<vmem>>, vector<16xf32>,
    %swap3A_230 = arith.index_cast %mul3A_219 : i32 to index
    %swap3A_231 = tpu.vector_load %arg14[%swap3A_230] {strides = array<i32>} : memref<4208xf32, #tpu.memory_space<vmem>>, vector<16xf32>,
    tpu.vector_store %arg14[%swap3A_230], %mul3A_217 {strides = array<i32>} : memref<4208xf32, #tpu.memory_space<vmem>>, vector<16xf32>,
    %scan3A_232 = arith.constant 262 : i32
    %scan3A_233 = arith.addi %scan3A, %scan3A_232 : i32
    %mul3A_234 = arith.constant 1 : i32
    %mul3A_235 = arith.muli %scan3A_233, %mul3A_234 : i32
    %add3A_236 = arith.constant 0 : i32
    %add3A_237 = arith.addi %add3A_236, %mul3A_235 : i32
    %mul3A_238 = arith.constant 4 : i32
    %mul3A_239 = vector.broadcast %mul3A_238 : i32 to vector<16xi32>
    %mul3A_240 = arith.muli %iota3A, %mul3A_239 : vector<16xi32>
    %mul3A_241 = arith.constant 64 : i32
    %mul3A_242 = arith.muli %add3A_237, %mul3A_241 : i32
    %add3A_243 = vector.broadcast %mul3A_242 : i32 to vector<16xi32>
    %add3A_244 = arith.addi %mul3A_240, %add3A_243 : vector<16xi32>
    %add3A_245 = arith.constant 0 : i32
    %add3A_246 = vector.broadcast %add3A_245 : i32 to vector<16xi32>
    %add3A_247 = arith.addi %add3A_244, %add3A_246 : vector<16xi32>
    %min3A_248 = arith.constant 16799 : i32
    %min3A_249 = vector.broadcast %min3A_248 : i32 to vector<16xi32>
    %min3A_250 = arith.minsi %add3A_247, %min3A_249 : vector<16xi32>
    %gather3A_251 = tpu.vector_load_idx %arg6[%min3A_250] : memref<16800xf32, #tpu.memory_space<vmem>>[vector<16xi32>], vector<16xf32>,
    %add3A_252 = arith.constant 1 : i32
    %add3A_253 = vector.broadcast %add3A_252 : i32 to vector<16xi32>
    %add3A_254 = arith.addi %add3A_244, %add3A_253 : vector<16xi32>
    %min3A_255 = arith.constant 16799 : i32
    %min3A_256 = vector.broadcast %min3A_255 : i32 to vector<16xi32>
    %min3A_257 = arith.minsi %add3A_254, %min3A_256 : vector<16xi32>
    %gather3A_258 = tpu.vector_load_idx %arg6[%min3A_257] : memref<16800xf32, #tpu.memory_space<vmem>>[vector<16xi32>], vector<16xf32>,
    %add3A_259 = arith.constant 2 : i32
    %add3A_260 = vector.broadcast %add3A_259 : i32 to vector<16xi32>
    %add3A_261 = arith.addi %add3A_244, %add3A_260 : vector<16xi32>
    %min3A_262 = arith.constant 16799 : i32
    %min3A_263 = vector.broadcast %min3A_262 : i32 to vector<16xi32>
    %min3A_264 = arith.minsi %add3A_261, %min3A_263 : vector<16xi32>
    %gather3A_265 = tpu.vector_load_idx %arg6[%min3A_264] : memref<16800xf32, #tpu.memory_space<vmem>>[vector<16xi32>], vector<16xf32>,
    %add3A_266 = arith.constant 3 : i32
    %add3A_267 = vector.broadcast %add3A_266 : i32 to vector<16xi32>
    %add3A_268 = arith.addi %add3A_244, %add3A_267 : vector<16xi32>
    %min3A_269 = arith.constant 16799 : i32
    %min3A_270 = vector.broadcast %min3A_269 : i32 to vector<16xi32>
    %min3A_271 = arith.minsi %add3A_268, %min3A_270 : vector<16xi32>
    %gather3A_272 = tpu.vector_load_idx %arg6[%min3A_271] : memref<16800xf32, #tpu.memory_space<vmem>>[vector<16xi32>], vector<16xf32>,
    %add3A_273 = arith.constant 0 : i32
    %add3A_274 = vector.broadcast %add3A_273 : i32 to vector<16xi32>
    %add3A_275 = arith.addi %add3A_244, %add3A_274 : vector<16xi32>
    %min3A_276 = arith.constant 16799 : i32
    %min3A_277 = vector.broadcast %min3A_276 : i32 to vector<16xi32>
    %min3A_278 = arith.minsi %add3A_275, %min3A_277 : vector<16xi32>
    %gather3A_279 = tpu.vector_load_idx %arg7[%min3A_278] : memref<16800xf32, #tpu.memory_space<vmem>>[vector<16xi32>], vector<16xf32>,
    %add3A_280 = arith.constant 1 : i32
    %add3A_281 = vector.broadcast %add3A_280 : i32 to vector<16xi32>
    %add3A_282 = arith.addi %add3A_244, %add3A_281 : vector<16xi32>
    %min3A_283 = arith.constant 16799 : i32
    %min3A_284 = vector.broadcast %min3A_283 : i32 to vector<16xi32>
    %min3A_285 = arith.minsi %add3A_282, %min3A_284 : vector<16xi32>
    %gather3A_286 = tpu.vector_load_idx %arg7[%min3A_285] : memref<16800xf32, #tpu.memory_space<vmem>>[vector<16xi32>], vector<16xf32>,
    %add3A_287 = arith.constant 2 : i32
    %add3A_288 = vector.broadcast %add3A_287 : i32 to vector<16xi32>
    %add3A_289 = arith.addi %add3A_244, %add3A_288 : vector<16xi32>
    %min3A_290 = arith.constant 16799 : i32
    %min3A_291 = vector.broadcast %min3A_290 : i32 to vector<16xi32>
    %min3A_292 = arith.minsi %add3A_289, %min3A_291 : vector<16xi32>
    %gather3A_293 = tpu.vector_load_idx %arg7[%min3A_292] : memref<16800xf32, #tpu.memory_space<vmem>>[vector<16xi32>], vector<16xf32>,
    %add3A_294 = arith.constant 3 : i32
    %add3A_295 = vector.broadcast %add3A_294 : i32 to vector<16xi32>
    %add3A_296 = arith.addi %add3A_244, %add3A_295 : vector<16xi32>
    %min3A_297 = arith.constant 16799 : i32
    %min3A_298 = vector.broadcast %min3A_297 : i32 to vector<16xi32>
    %min3A_299 = arith.minsi %add3A_296, %min3A_298 : vector<16xi32>
    %gather3A_300 = tpu.vector_load_idx %arg7[%min3A_299] : memref<16800xf32, #tpu.memory_space<vmem>>[vector<16xi32>], vector<16xf32>,
    %sub3A_301 = arith.subf %gather3A_265, %gather3A_251 : vector<16xf32>
    %sub3A_302 = arith.subf %gather3A_272, %gather3A_258 : vector<16xf32>
    %mul3A_303 = arith.constant 5.000000e-01 : f32
    %mul3A_304 = vector.broadcast %mul3A_303 : f32 to vector<16xf32>
    %mul3A_305 = arith.mulf %sub3A_301, %mul3A_304 : vector<16xf32>
    %add3A_306 = arith.addf %gather3A_251, %mul3A_305 : vector<16xf32>
    %mul3A_307 = arith.constant 5.000000e-01 : f32
    %mul3A_308 = vector.broadcast %mul3A_307 : f32 to vector<16xf32>
    %mul3A_309 = arith.mulf %sub3A_302, %mul3A_308 : vector<16xf32>
    %add3A_310 = arith.addf %gather3A_258, %mul3A_309 : vector<16xf32>
    %sub3A_311 = arith.subf %gather3A_293, %gather3A_279 : vector<16xf32>
    %sub3A_312 = arith.subf %gather3A_300, %gather3A_286 : vector<16xf32>
    %mul3A_313 = arith.constant 5.000000e-01 : f32
    %mul3A_314 = vector.broadcast %mul3A_313 : f32 to vector<16xf32>
    %mul3A_315 = arith.mulf %sub3A_311, %mul3A_314 : vector<16xf32>
    %add3A_316 = arith.addf %gather3A_279, %mul3A_315 : vector<16xf32>
    %mul3A_317 = arith.constant 5.000000e-01 : f32
    %mul3A_318 = vector.broadcast %mul3A_317 : f32 to vector<16xf32>
    %mul3A_319 = arith.mulf %sub3A_312, %mul3A_318 : vector<16xf32>
    %add3A_320 = arith.addf %gather3A_286, %mul3A_319 : vector<16xf32>
    %mul3A_321 = arith.constant 16 : i32
    %mul3A_322 = arith.muli %add3A_237, %mul3A_321 : i32
    %get3A_323 = arith.index_cast %mul3A_322 : i32 to index
    %get3A_324 = tpu.vector_load %arg8[%get3A_323] {strides = array<i32>} : memref<4208xf32, #tpu.memory_space<vmem>>, vector<16xf32>,
    %sub3A_325 = arith.subf %add3A_306, %add3A_316 : vector<16xf32>
    %sub3A_326 = arith.subf %add3A_310, %add3A_320 : vector<16xf32>
    %mul3A_327 = arith.mulf %sub3A_325, %sub3A_325 : vector<16xf32>
    %mul3A_328 = arith.mulf %sub3A_326, %sub3A_326 : vector<16xf32>
    %add3A_329 = arith.addf %mul3A_327, %mul3A_328 : vector<16xf32>
    %mul3A_330 = arith.mulf %add3A_329, %get3A_324 : vector<16xf32>
    %mul3A_331 = arith.constant 16 : i32
    %mul3A_332 = arith.muli %add3A_237, %mul3A_331 : i32
    %swap3A_333 = arith.index_cast %mul3A_332 : i32 to index
    %swap3A_334 = tpu.vector_load %arg9[%swap3A_333] {strides = array<i32>} : memref<4208xf32, #tpu.memory_space<vmem>>, vector<16xf32>,
    tpu.vector_store %arg9[%swap3A_333], %add3A_320 {strides = array<i32>} : memref<4208xf32, #tpu.memory_space<vmem>>, vector<16xf32>,
    %swap3A_335 = arith.index_cast %mul3A_332 : i32 to index
    %swap3A_336 = tpu.vector_load %arg10[%swap3A_335] {strides = array<i32>} : memref<4208xf32, #tpu.memory_space<vmem>>, vector<16xf32>,
    tpu.vector_store %arg10[%swap3A_335], %sub3A_311 {strides = array<i32>} : memref<4208xf32, #tpu.memory_space<vmem>>, vector<16xf32>,
    %swap3A_337 = arith.index_cast %mul3A_332 : i32 to index
    %swap3A_338 = tpu.vector_load %arg11[%swap3A_337] {strides = array<i32>} : memref<4208xf32, #tpu.memory_space<vmem>>, vector<16xf32>,
    tpu.vector_store %arg11[%swap3A_337], %sub3A_312 {strides = array<i32>} : memref<4208xf32, #tpu.memory_space<vmem>>, vector<16xf32>,
    %swap3A_339 = arith.index_cast %mul3A_332 : i32 to index
    %swap3A_340 = tpu.vector_load %arg12[%swap3A_339] {strides = array<i32>} : memref<4208xf32, #tpu.memory_space<vmem>>, vector<16xf32>,
    tpu.vector_store %arg12[%swap3A_339], %sub3A_301 {strides = array<i32>} : memref<4208xf32, #tpu.memory_space<vmem>>, vector<16xf32>,
    %swap3A_341 = arith.index_cast %mul3A_332 : i32 to index
    %swap3A_342 = tpu.vector_load %arg13[%swap3A_341] {strides = array<i32>} : memref<4208xf32, #tpu.memory_space<vmem>>, vector<16xf32>,
    tpu.vector_store %arg13[%swap3A_341], %sub3A_302 {strides = array<i32>} : memref<4208xf32, #tpu.memory_space<vmem>>, vector<16xf32>,
    %swap3A_343 = arith.index_cast %mul3A_332 : i32 to index
    %swap3A_344 = tpu.vector_load %arg14[%swap3A_343] {strides = array<i32>} : memref<4208xf32, #tpu.memory_space<vmem>>, vector<16xf32>,
    tpu.vector_store %arg14[%swap3A_343], %mul3A_330 {strides = array<i32>} : memref<4208xf32, #tpu.memory_space<vmem>>, vector<16xf32>,
    %scan3A_345 = arith.constant 263 : i32
    %mul3A_346 = arith.constant 4200 : i32
    %mul3A_347 = arith.muli %add3A, %mul3A_346 : i32
    %add3A_348 = arith.constant 0 : i32
    %add3A_349 = arith.addi %add3A_348, %mul3A_347 : i32
    %multiple_of3A_350 = tpu.assume_multiple %add3A_349, 8 : i32
    "tpu.region"() ({
      %run_scoped3A = tpu.sem_alloc : memref<!tpu.dma_semaphore, #tpu.memory_space<semaphore_mem>>
      %dma_start3A = arith.constant 0 : i32
      %dma_start3A_381 = tpu.memref_slice %arg9[%dma_start3A] : memref<4208xf32, #tpu.memory_space<vmem>> -> memref<4200xf32, #tpu.memory_space<vmem>>
      %dma_start3A_382 = tpu.memref_slice %arg5[%multiple_of3A_350] : memref<940800xf32, #tpu.memory_space<hbm>> -> memref<4200xf32, #tpu.memory_space<hbm>>
      %dma_start3A_383 = tpu.memref_slice %arg5[%multiple_of3A_350] : memref<940800xf32, #tpu.memory_space<hbm>> -> memref<4200xf32, #tpu.memory_space<hbm>>
      %dma_start3A_384 = arith.constant 0 : i32
      %dma_start3A_385 = tpu.memref_slice %arg9[%dma_start3A_384] : memref<4208xf32, #tpu.memory_space<vmem>> -> memref<4200xf32, #tpu.memory_space<vmem>>
      tpu.enqueue_dma source(%dma_start3A_385 : memref<4200xf32, #tpu.memory_space<vmem>>) target(%dma_start3A_383 : memref<4200xf32, #tpu.memory_space<hbm>>) target_semaphore(%run_scoped3A : memref<!tpu.dma_semaphore, #tpu.memory_space<semaphore_mem>>)
      %dma_wait3A = arith.constant 0 : i32
      %dma_wait3A_386 = tpu.memref_slice %arg9[%dma_wait3A] : memref<4208xf32, #tpu.memory_space<vmem>> -> memref<4200xf32, #tpu.memory_space<vmem>>
      %dma_wait3A_387 = tpu.memref_slice %arg5[%multiple_of3A_350] : memref<940800xf32, #tpu.memory_space<hbm>> -> memref<4200xf32, #tpu.memory_space<hbm>>
      %dma_wait3A_388 = tpu.memref_slice %arg5[%multiple_of3A_350] : memref<940800xf32, #tpu.memory_space<hbm>> -> memref<4200xf32, #tpu.memory_space<hbm>>
      %dma_wait3A_389 = arith.constant 0 : i32
      %dma_wait3A_390 = tpu.memref_slice %arg9[%dma_wait3A_389] : memref<4208xf32, #tpu.memory_space<vmem>> -> memref<4200xf32, #tpu.memory_space<vmem>>
      tpu.wait_dma2 semaphore(%run_scoped3A : memref<!tpu.dma_semaphore, #tpu.memory_space<semaphore_mem>>) src(%dma_wait3A_390 : memref<4200xf32, #tpu.memory_space<vmem>>) dst(%dma_wait3A_388 : memref<4200xf32, #tpu.memory_space<hbm>>)
      tpu.yield
    }) : () -> ()
    %mul3A_351 = arith.constant 4200 : i32
    %mul3A_352 = arith.muli %add3A, %mul3A_351 : i32
    %add3A_353 = arith.constant 134400 : i32
    %add3A_354 = arith.addi %add3A_353, %mul3A_352 : i32
    %multiple_of3A_355 = tpu.assume_multiple %add3A_354, 8 : i32
    "tpu.region"() ({
      %run_scoped3A = tpu.sem_alloc : memref<!tpu.dma_semaphore, #tpu.memory_space<semaphore_mem>>
      %dma_start3A = arith.constant 0 : i32
      %dma_start3A_381 = tpu.memref_slice %arg10[%dma_start3A] : memref<4208xf32, #tpu.memory_space<vmem>> -> memref<4200xf32, #tpu.memory_space<vmem>>
      %dma_start3A_382 = tpu.memref_slice %arg5[%multiple_of3A_355] : memref<940800xf32, #tpu.memory_space<hbm>> -> memref<4200xf32, #tpu.memory_space<hbm>>
      %dma_start3A_383 = tpu.memref_slice %arg5[%multiple_of3A_355] : memref<940800xf32, #tpu.memory_space<hbm>> -> memref<4200xf32, #tpu.memory_space<hbm>>
      %dma_start3A_384 = arith.constant 0 : i32
      %dma_start3A_385 = tpu.memref_slice %arg10[%dma_start3A_384] : memref<4208xf32, #tpu.memory_space<vmem>> -> memref<4200xf32, #tpu.memory_space<vmem>>
      tpu.enqueue_dma source(%dma_start3A_385 : memref<4200xf32, #tpu.memory_space<vmem>>) target(%dma_start3A_383 : memref<4200xf32, #tpu.memory_space<hbm>>) target_semaphore(%run_scoped3A : memref<!tpu.dma_semaphore, #tpu.memory_space<semaphore_mem>>)
      %dma_wait3A = arith.constant 0 : i32
      %dma_wait3A_386 = tpu.memref_slice %arg10[%dma_wait3A] : memref<4208xf32, #tpu.memory_space<vmem>> -> memref<4200xf32, #tpu.memory_space<vmem>>
      %dma_wait3A_387 = tpu.memref_slice %arg5[%multiple_of3A_355] : memref<940800xf32, #tpu.memory_space<hbm>> -> memref<4200xf32, #tpu.memory_space<hbm>>
      %dma_wait3A_388 = tpu.memref_slice %arg5[%multiple_of3A_355] : memref<940800xf32, #tpu.memory_space<hbm>> -> memref<4200xf32, #tpu.memory_space<hbm>>
      %dma_wait3A_389 = arith.constant 0 : i32
      %dma_wait3A_390 = tpu.memref_slice %arg10[%dma_wait3A_389] : memref<4208xf32, #tpu.memory_space<vmem>> -> memref<4200xf32, #tpu.memory_space<vmem>>
      tpu.wait_dma2 semaphore(%run_scoped3A : memref<!tpu.dma_semaphore, #tpu.memory_space<semaphore_mem>>) src(%dma_wait3A_390 : memref<4200xf32, #tpu.memory_space<vmem>>) dst(%dma_wait3A_388 : memref<4200xf32, #tpu.memory_space<hbm>>)
      tpu.yield
    }) : () -> ()
    %mul3A_356 = arith.constant 4200 : i32
    %mul3A_357 = arith.muli %add3A, %mul3A_356 : i32
    %add3A_358 = arith.constant 268800 : i32
    %add3A_359 = arith.addi %add3A_358, %mul3A_357 : i32
    %multiple_of3A_360 = tpu.assume_multiple %add3A_359, 8 : i32
    "tpu.region"() ({
      %run_scoped3A = tpu.sem_alloc : memref<!tpu.dma_semaphore, #tpu.memory_space<semaphore_mem>>
      %dma_start3A = arith.constant 0 : i32
      %dma_start3A_381 = tpu.memref_slice %arg11[%dma_start3A] : memref<4208xf32, #tpu.memory_space<vmem>> -> memref<4200xf32, #tpu.memory_space<vmem>>
      %dma_start3A_382 = tpu.memref_slice %arg5[%multiple_of3A_360] : memref<940800xf32, #tpu.memory_space<hbm>> -> memref<4200xf32, #tpu.memory_space<hbm>>
      %dma_start3A_383 = tpu.memref_slice %arg5[%multiple_of3A_360] : memref<940800xf32, #tpu.memory_space<hbm>> -> memref<4200xf32, #tpu.memory_space<hbm>>
      %dma_start3A_384 = arith.constant 0 : i32
      %dma_start3A_385 = tpu.memref_slice %arg11[%dma_start3A_384] : memref<4208xf32, #tpu.memory_space<vmem>> -> memref<4200xf32, #tpu.memory_space<vmem>>
      tpu.enqueue_dma source(%dma_start3A_385 : memref<4200xf32, #tpu.memory_space<vmem>>) target(%dma_start3A_383 : memref<4200xf32, #tpu.memory_space<hbm>>) target_semaphore(%run_scoped3A : memref<!tpu.dma_semaphore, #tpu.memory_space<semaphore_mem>>)
      %dma_wait3A = arith.constant 0 : i32
      %dma_wait3A_386 = tpu.memref_slice %arg11[%dma_wait3A] : memref<4208xf32, #tpu.memory_space<vmem>> -> memref<4200xf32, #tpu.memory_space<vmem>>
      %dma_wait3A_387 = tpu.memref_slice %arg5[%multiple_of3A_360] : memref<940800xf32, #tpu.memory_space<hbm>> -> memref<4200xf32, #tpu.memory_space<hbm>>
      %dma_wait3A_388 = tpu.memref_slice %arg5[%multiple_of3A_360] : memref<940800xf32, #tpu.memory_space<hbm>> -> memref<4200xf32, #tpu.memory_space<hbm>>
      %dma_wait3A_389 = arith.constant 0 : i32
      %dma_wait3A_390 = tpu.memref_slice %arg11[%dma_wait3A_389] : memref<4208xf32, #tpu.memory_space<vmem>> -> memref<4200xf32, #tpu.memory_space<vmem>>
      tpu.wait_dma2 semaphore(%run_scoped3A : memref<!tpu.dma_semaphore, #tpu.memory_space<semaphore_mem>>) src(%dma_wait3A_390 : memref<4200xf32, #tpu.memory_space<vmem>>) dst(%dma_wait3A_388 : memref<4200xf32, #tpu.memory_space<hbm>>)
      tpu.yield
    }) : () -> ()
    %mul3A_361 = arith.constant 4200 : i32
    %mul3A_362 = arith.muli %add3A, %mul3A_361 : i32
    %add3A_363 = arith.constant 403200 : i32
    %add3A_364 = arith.addi %add3A_363, %mul3A_362 : i32
    %multiple_of3A_365 = tpu.assume_multiple %add3A_364, 8 : i32
    "tpu.region"() ({
      %run_scoped3A = tpu.sem_alloc : memref<!tpu.dma_semaphore, #tpu.memory_space<semaphore_mem>>
      %dma_start3A = arith.constant 0 : i32
      %dma_start3A_381 = tpu.memref_slice %arg12[%dma_start3A] : memref<4208xf32, #tpu.memory_space<vmem>> -> memref<4200xf32, #tpu.memory_space<vmem>>
      %dma_start3A_382 = tpu.memref_slice %arg5[%multiple_of3A_365] : memref<940800xf32, #tpu.memory_space<hbm>> -> memref<4200xf32, #tpu.memory_space<hbm>>
      %dma_start3A_383 = tpu.memref_slice %arg5[%multiple_of3A_365] : memref<940800xf32, #tpu.memory_space<hbm>> -> memref<4200xf32, #tpu.memory_space<hbm>>
      %dma_start3A_384 = arith.constant 0 : i32
      %dma_start3A_385 = tpu.memref_slice %arg12[%dma_start3A_384] : memref<4208xf32, #tpu.memory_space<vmem>> -> memref<4200xf32, #tpu.memory_space<vmem>>
      tpu.enqueue_dma source(%dma_start3A_385 : memref<4200xf32, #tpu.memory_space<vmem>>) target(%dma_start3A_383 : memref<4200xf32, #tpu.memory_space<hbm>>) target_semaphore(%run_scoped3A : memref<!tpu.dma_semaphore, #tpu.memory_space<semaphore_mem>>)
      %dma_wait3A = arith.constant 0 : i32
      %dma_wait3A_386 = tpu.memref_slice %arg12[%dma_wait3A] : memref<4208xf32, #tpu.memory_space<vmem>> -> memref<4200xf32, #tpu.memory_space<vmem>>
      %dma_wait3A_387 = tpu.memref_slice %arg5[%multiple_of3A_365] : memref<940800xf32, #tpu.memory_space<hbm>> -> memref<4200xf32, #tpu.memory_space<hbm>>
      %dma_wait3A_388 = tpu.memref_slice %arg5[%multiple_of3A_365] : memref<940800xf32, #tpu.memory_space<hbm>> -> memref<4200xf32, #tpu.memory_space<hbm>>
      %dma_wait3A_389 = arith.constant 0 : i32
      %dma_wait3A_390 = tpu.memref_slice %arg12[%dma_wait3A_389] : memref<4208xf32, #tpu.memory_space<vmem>> -> memref<4200xf32, #tpu.memory_space<vmem>>
      tpu.wait_dma2 semaphore(%run_scoped3A : memref<!tpu.dma_semaphore, #tpu.memory_space<semaphore_mem>>) src(%dma_wait3A_390 : memref<4200xf32, #tpu.memory_space<vmem>>) dst(%dma_wait3A_388 : memref<4200xf32, #tpu.memory_space<hbm>>)
      tpu.yield
    }) : () -> ()
    %mul3A_366 = arith.constant 4200 : i32
    %mul3A_367 = arith.muli %add3A, %mul3A_366 : i32
    %add3A_368 = arith.constant 537600 : i32
    %add3A_369 = arith.addi %add3A_368, %mul3A_367 : i32
    %multiple_of3A_370 = tpu.assume_multiple %add3A_369, 8 : i32
    "tpu.region"() ({
      %run_scoped3A = tpu.sem_alloc : memref<!tpu.dma_semaphore, #tpu.memory_space<semaphore_mem>>
      %dma_start3A = arith.constant 0 : i32
      %dma_start3A_381 = tpu.memref_slice %arg13[%dma_start3A] : memref<4208xf32, #tpu.memory_space<vmem>> -> memref<4200xf32, #tpu.memory_space<vmem>>
      %dma_start3A_382 = tpu.memref_slice %arg5[%multiple_of3A_370] : memref<940800xf32, #tpu.memory_space<hbm>> -> memref<4200xf32, #tpu.memory_space<hbm>>
      %dma_start3A_383 = tpu.memref_slice %arg5[%multiple_of3A_370] : memref<940800xf32, #tpu.memory_space<hbm>> -> memref<4200xf32, #tpu.memory_space<hbm>>
      %dma_start3A_384 = arith.constant 0 : i32
      %dma_start3A_385 = tpu.memref_slice %arg13[%dma_start3A_384] : memref<4208xf32, #tpu.memory_space<vmem>> -> memref<4200xf32, #tpu.memory_space<vmem>>
      tpu.enqueue_dma source(%dma_start3A_385 : memref<4200xf32, #tpu.memory_space<vmem>>) target(%dma_start3A_383 : memref<4200xf32, #tpu.memory_space<hbm>>) target_semaphore(%run_scoped3A : memref<!tpu.dma_semaphore, #tpu.memory_space<semaphore_mem>>)
      %dma_wait3A = arith.constant 0 : i32
      %dma_wait3A_386 = tpu.memref_slice %arg13[%dma_wait3A] : memref<4208xf32, #tpu.memory_space<vmem>> -> memref<4200xf32, #tpu.memory_space<vmem>>
      %dma_wait3A_387 = tpu.memref_slice %arg5[%multiple_of3A_370] : memref<940800xf32, #tpu.memory_space<hbm>> -> memref<4200xf32, #tpu.memory_space<hbm>>
      %dma_wait3A_388 = tpu.memref_slice %arg5[%multiple_of3A_370] : memref<940800xf32, #tpu.memory_space<hbm>> -> memref<4200xf32, #tpu.memory_space<hbm>>
      %dma_wait3A_389 = arith.constant 0 : i32
      %dma_wait3A_390 = tpu.memref_slice %arg13[%dma_wait3A_389] : memref<4208xf32, #tpu.memory_space<vmem>> -> memref<4200xf32, #tpu.memory_space<vmem>>
      tpu.wait_dma2 semaphore(%run_scoped3A : memref<!tpu.dma_semaphore, #tpu.memory_space<semaphore_mem>>) src(%dma_wait3A_390 : memref<4200xf32, #tpu.memory_space<vmem>>) dst(%dma_wait3A_388 : memref<4200xf32, #tpu.memory_space<hbm>>)
      tpu.yield
    }) : () -> ()
    %mul3A_371 = arith.constant 4200 : i32
    %mul3A_372 = arith.muli %add3A, %mul3A_371 : i32
    %add3A_373 = arith.constant 672000 : i32
    %add3A_374 = arith.addi %add3A_373, %mul3A_372 : i32
    %multiple_of3A_375 = tpu.assume_multiple %add3A_374, 8 : i32
    "tpu.region"() ({
      %run_scoped3A = tpu.sem_alloc : memref<!tpu.dma_semaphore, #tpu.memory_space<semaphore_mem>>
      %dma_start3A = arith.constant 0 : i32
      %dma_start3A_381 = tpu.memref_slice %arg8[%dma_start3A] : memref<4208xf32, #tpu.memory_space<vmem>> -> memref<4200xf32, #tpu.memory_space<vmem>>
      %dma_start3A_382 = tpu.memref_slice %arg5[%multiple_of3A_375] : memref<940800xf32, #tpu.memory_space<hbm>> -> memref<4200xf32, #tpu.memory_space<hbm>>
      %dma_start3A_383 = tpu.memref_slice %arg5[%multiple_of3A_375] : memref<940800xf32, #tpu.memory_space<hbm>> -> memref<4200xf32, #tpu.memory_space<hbm>>
      %dma_start3A_384 = arith.constant 0 : i32
      %dma_start3A_385 = tpu.memref_slice %arg8[%dma_start3A_384] : memref<4208xf32, #tpu.memory_space<vmem>> -> memref<4200xf32, #tpu.memory_space<vmem>>
      tpu.enqueue_dma source(%dma_start3A_385 : memref<4200xf32, #tpu.memory_space<vmem>>) target(%dma_start3A_383 : memref<4200xf32, #tpu.memory_space<hbm>>) target_semaphore(%run_scoped3A : memref<!tpu.dma_semaphore, #tpu.memory_space<semaphore_mem>>)
      %dma_wait3A = arith.constant 0 : i32
      %dma_wait3A_386 = tpu.memref_slice %arg8[%dma_wait3A] : memref<4208xf32, #tpu.memory_space<vmem>> -> memref<4200xf32, #tpu.memory_space<vmem>>
      %dma_wait3A_387 = tpu.memref_slice %arg5[%multiple_of3A_375] : memref<940800xf32, #tpu.memory_space<hbm>> -> memref<4200xf32, #tpu.memory_space<hbm>>
      %dma_wait3A_388 = tpu.memref_slice %arg5[%multiple_of3A_375] : memref<940800xf32, #tpu.memory_space<hbm>> -> memref<4200xf32, #tpu.memory_space<hbm>>
      %dma_wait3A_389 = arith.constant 0 : i32
      %dma_wait3A_390 = tpu.memref_slice %arg8[%dma_wait3A_389] : memref<4208xf32, #tpu.memory_space<vmem>> -> memref<4200xf32, #tpu.memory_space<vmem>>
      tpu.wait_dma2 semaphore(%run_scoped3A : memref<!tpu.dma_semaphore, #tpu.memory_space<semaphore_mem>>) src(%dma_wait3A_390 : memref<4200xf32, #tpu.memory_space<vmem>>) dst(%dma_wait3A_388 : memref<4200xf32, #tpu.memory_space<hbm>>)
      tpu.yield
    }) : () -> ()
    %mul3A_376 = arith.constant 4200 : i32
    %mul3A_377 = arith.muli %add3A, %mul3A_376 : i32
    %add3A_378 = arith.constant 806400 : i32
    %add3A_379 = arith.addi %add3A_378, %mul3A_377 : i32
    %multiple_of3A_380 = tpu.assume_multiple %add3A_379, 8 : i32
    "tpu.region"() ({
      %run_scoped3A = tpu.sem_alloc : memref<!tpu.dma_semaphore, #tpu.memory_space<semaphore_mem>>
      %dma_start3A = arith.constant 0 : i32
      %dma_start3A_381 = tpu.memref_slice %arg14[%dma_start3A] : memref<4208xf32, #tpu.memory_space<vmem>> -> memref<4200xf32, #tpu.memory_space<vmem>>
      %dma_start3A_382 = tpu.memref_slice %arg5[%multiple_of3A_380] : memref<940800xf32, #tpu.memory_space<hbm>> -> memref<4200xf32, #tpu.memory_space<hbm>>
      %dma_start3A_383 = tpu.memref_slice %arg5[%multiple_of3A_380] : memref<940800xf32, #tpu.memory_space<hbm>> -> memref<4200xf32, #tpu.memory_space<hbm>>
      %dma_start3A_384 = arith.constant 0 : i32
      %dma_start3A_385 = tpu.memref_slice %arg14[%dma_start3A_384] : memref<4208xf32, #tpu.memory_space<vmem>> -> memref<4200xf32, #tpu.memory_space<vmem>>
      tpu.enqueue_dma source(%dma_start3A_385 : memref<4200xf32, #tpu.memory_space<vmem>>) target(%dma_start3A_383 : memref<4200xf32, #tpu.memory_space<hbm>>) target_semaphore(%run_scoped3A : memref<!tpu.dma_semaphore, #tpu.memory_space<semaphore_mem>>)
      %dma_wait3A = arith.constant 0 : i32
      %dma_wait3A_386 = tpu.memref_slice %arg14[%dma_wait3A] : memref<4208xf32, #tpu.memory_space<vmem>> -> memref<4200xf32, #tpu.memory_space<vmem>>
      %dma_wait3A_387 = tpu.memref_slice %arg5[%multiple_of3A_380] : memref<940800xf32, #tpu.memory_space<hbm>> -> memref<4200xf32, #tpu.memory_space<hbm>>
      %dma_wait3A_388 = tpu.memref_slice %arg5[%multiple_of3A_380] : memref<940800xf32, #tpu.memory_space<hbm>> -> memref<4200xf32, #tpu.memory_space<hbm>>
      %dma_wait3A_389 = arith.constant 0 : i32
      %dma_wait3A_390 = tpu.memref_slice %arg14[%dma_wait3A_389] : memref<4208xf32, #tpu.memory_space<vmem>> -> memref<4200xf32, #tpu.memory_space<vmem>>
      tpu.wait_dma2 semaphore(%run_scoped3A : memref<!tpu.dma_semaphore, #tpu.memory_space<semaphore_mem>>) src(%dma_wait3A_390 : memref<4200xf32, #tpu.memory_space<vmem>>) dst(%dma_wait3A_388 : memref<4200xf32, #tpu.memory_space<hbm>>)
      tpu.yield
    }) : () -> ()
    return
  }
}

module attributes {stable_mosaic.version = 14 : i64} {
  func.func @_tc_body(%arg0: i32, %arg1: memref<1xf32, #tpu.memory_space<smem>>, %arg2: memref<1x4200x80xf32, #tpu.memory_space<vmem>>, %arg3: memref<1x4200x80xf32, #tpu.memory_space<vmem>>, %arg4: memref<7x32x4200xf32, #tpu.memory_space<vmem>>, %arg5: memref<1xf32, #tpu.memory_space<smem>>, %arg6: memref<32x4200xf32, #tpu.memory_space<vmem>>, %arg7: memref<1xf32, #tpu.memory_space<smem>>, %arg8: memref<1xf32, #tpu.memory_space<smem>>, %arg9: memref<1xf32, #tpu.memory_space<smem>>, %arg10: memref<1xf32, #tpu.memory_space<smem>>, %arg11: memref<10xf32, #tpu.memory_space<smem>>, %arg12: memref<10xf32, #tpu.memory_space<smem>>, %arg13: memref<10xf32, #tpu.memory_space<smem>>, %arg14: memref<10xf32, #tpu.memory_space<smem>>, %arg15: memref<10xf32, #tpu.memory_space<smem>>) attributes {dimension_semantics = [#tpu.dimension_semantics<arbitrary>], iteration_bounds = array<i64: 24>, scalar_prefetch = 0 : i64, scratch_operands = 10 : i64, tpu.core_type = #tpu.core_type<tc>, window_params = [{transform_indices = @transform_0, window_bounds = array<i64: 1>}, {transform_indices = @transform_1, window_bounds = array<i64: 1, 4200, 80>}, {transform_indices = @transform_2, window_bounds = array<i64: 1, 4200, 80>}, {pipeline_mode = #tpu.pipeline_mode<synchronous>, transform_indices = @transform_3, window_bounds = array<i64: 7, 32, 4200>}, {transform_indices = @transform_4, window_bounds = array<i64: 1>}]} {
    %eq3A = arith.constant 0 : i32
    %eq3A_0 = arith.cmpi eq, %arg0, %eq3A : i32
    %convert_element_type3A = arith.extui %eq3A_0 : i1 to i32
    %cond3A = arith.constant 0 : i32
    %cond3A_1 = arith.cmpi ne, %convert_element_type3A, %cond3A : i32
    scf.if %cond3A_1 {
      %swap3A = arith.constant 0.000000e+00 : f32
      %swap3A_17 = arith.constant 0 : index
      %swap3A_18 = memref.load %arg7[%swap3A_17] : memref<1xf32, #tpu.memory_space<smem>>
      memref.store %swap3A, %arg7[%swap3A_17] : memref<1xf32, #tpu.memory_space<smem>>
      %swap3A_19 = arith.constant 0.000000e+00 : f32
      %swap3A_20 = arith.constant 0 : index
      %swap3A_21 = memref.load %arg8[%swap3A_20] : memref<1xf32, #tpu.memory_space<smem>>
      memref.store %swap3A_19, %arg8[%swap3A_20] : memref<1xf32, #tpu.memory_space<smem>>
      %swap3A_22 = arith.constant 0x7F800000 : f32
      %swap3A_23 = arith.constant 0 : index
      %swap3A_24 = memref.load %arg9[%swap3A_23] : memref<1xf32, #tpu.memory_space<smem>>
      memref.store %swap3A_22, %arg9[%swap3A_23] : memref<1xf32, #tpu.memory_space<smem>>
      %swap3A_25 = arith.constant 0xFF800000 : f32
      %swap3A_26 = arith.constant 0 : index
      %swap3A_27 = memref.load %arg10[%swap3A_26] : memref<1xf32, #tpu.memory_space<smem>>
      memref.store %swap3A_25, %arg10[%swap3A_26] : memref<1xf32, #tpu.memory_space<smem>>
      %swap3A_28 = arith.constant 0.000000e+00 : f32
      %swap3A_29 = arith.constant 0 : index
      %swap3A_30 = memref.load %arg11[%swap3A_29] : memref<10xf32, #tpu.memory_space<smem>>
      memref.store %swap3A_28, %arg11[%swap3A_29] : memref<10xf32, #tpu.memory_space<smem>>
      %swap3A_31 = arith.constant 0.000000e+00 : f32
      %swap3A_32 = arith.constant 0 : index
      %swap3A_33 = memref.load %arg12[%swap3A_32] : memref<10xf32, #tpu.memory_space<smem>>
      memref.store %swap3A_31, %arg12[%swap3A_32] : memref<10xf32, #tpu.memory_space<smem>>
      %swap3A_34 = arith.constant 0.000000e+00 : f32
      %swap3A_35 = arith.constant 0 : index
      %swap3A_36 = memref.load %arg13[%swap3A_35] : memref<10xf32, #tpu.memory_space<smem>>
      memref.store %swap3A_34, %arg13[%swap3A_35] : memref<10xf32, #tpu.memory_space<smem>>
      %swap3A_37 = arith.constant 0.000000e+00 : f32
      %swap3A_38 = arith.constant 0 : index
      %swap3A_39 = memref.load %arg14[%swap3A_38] : memref<10xf32, #tpu.memory_space<smem>>
      memref.store %swap3A_37, %arg14[%swap3A_38] : memref<10xf32, #tpu.memory_space<smem>>
      %swap3A_40 = arith.constant 0.000000e+00 : f32
      %swap3A_41 = arith.constant 0 : index
      %swap3A_42 = memref.load %arg15[%swap3A_41] : memref<10xf32, #tpu.memory_space<smem>>
      memref.store %swap3A_40, %arg15[%swap3A_41] : memref<10xf32, #tpu.memory_space<smem>>
      %swap3A_43 = arith.constant 0.000000e+00 : f32
      %swap3A_44 = arith.constant 1 : index
      %swap3A_45 = memref.load %arg11[%swap3A_44] : memref<10xf32, #tpu.memory_space<smem>>
      memref.store %swap3A_43, %arg11[%swap3A_44] : memref<10xf32, #tpu.memory_space<smem>>
      %swap3A_46 = arith.constant 0.000000e+00 : f32
      %swap3A_47 = arith.constant 1 : index
      %swap3A_48 = memref.load %arg12[%swap3A_47] : memref<10xf32, #tpu.memory_space<smem>>
      memref.store %swap3A_46, %arg12[%swap3A_47] : memref<10xf32, #tpu.memory_space<smem>>
      %swap3A_49 = arith.constant 0.000000e+00 : f32
      %swap3A_50 = arith.constant 1 : index
      %swap3A_51 = memref.load %arg13[%swap3A_50] : memref<10xf32, #tpu.memory_space<smem>>
      memref.store %swap3A_49, %arg13[%swap3A_50] : memref<10xf32, #tpu.memory_space<smem>>
      %swap3A_52 = arith.constant 0.000000e+00 : f32
      %swap3A_53 = arith.constant 1 : index
      %swap3A_54 = memref.load %arg14[%swap3A_53] : memref<10xf32, #tpu.memory_space<smem>>
      memref.store %swap3A_52, %arg14[%swap3A_53] : memref<10xf32, #tpu.memory_space<smem>>
      %swap3A_55 = arith.constant 0.000000e+00 : f32
      %swap3A_56 = arith.constant 1 : index
      %swap3A_57 = memref.load %arg15[%swap3A_56] : memref<10xf32, #tpu.memory_space<smem>>
      memref.store %swap3A_55, %arg15[%swap3A_56] : memref<10xf32, #tpu.memory_space<smem>>
      %swap3A_58 = arith.constant 0.000000e+00 : f32
      %swap3A_59 = arith.constant 2 : index
      %swap3A_60 = memref.load %arg11[%swap3A_59] : memref<10xf32, #tpu.memory_space<smem>>
      memref.store %swap3A_58, %arg11[%swap3A_59] : memref<10xf32, #tpu.memory_space<smem>>
      %swap3A_61 = arith.constant 0.000000e+00 : f32
      %swap3A_62 = arith.constant 2 : index
      %swap3A_63 = memref.load %arg12[%swap3A_62] : memref<10xf32, #tpu.memory_space<smem>>
      memref.store %swap3A_61, %arg12[%swap3A_62] : memref<10xf32, #tpu.memory_space<smem>>
      %swap3A_64 = arith.constant 0.000000e+00 : f32
      %swap3A_65 = arith.constant 2 : index
      %swap3A_66 = memref.load %arg13[%swap3A_65] : memref<10xf32, #tpu.memory_space<smem>>
      memref.store %swap3A_64, %arg13[%swap3A_65] : memref<10xf32, #tpu.memory_space<smem>>
      %swap3A_67 = arith.constant 0.000000e+00 : f32
      %swap3A_68 = arith.constant 2 : index
      %swap3A_69 = memref.load %arg14[%swap3A_68] : memref<10xf32, #tpu.memory_space<smem>>
      memref.store %swap3A_67, %arg14[%swap3A_68] : memref<10xf32, #tpu.memory_space<smem>>
      %swap3A_70 = arith.constant 0.000000e+00 : f32
      %swap3A_71 = arith.constant 2 : index
      %swap3A_72 = memref.load %arg15[%swap3A_71] : memref<10xf32, #tpu.memory_space<smem>>
      memref.store %swap3A_70, %arg15[%swap3A_71] : memref<10xf32, #tpu.memory_space<smem>>
      %swap3A_73 = arith.constant 0.000000e+00 : f32
      %swap3A_74 = arith.constant 3 : index
      %swap3A_75 = memref.load %arg11[%swap3A_74] : memref<10xf32, #tpu.memory_space<smem>>
      memref.store %swap3A_73, %arg11[%swap3A_74] : memref<10xf32, #tpu.memory_space<smem>>
      %swap3A_76 = arith.constant 0.000000e+00 : f32
      %swap3A_77 = arith.constant 3 : index
      %swap3A_78 = memref.load %arg12[%swap3A_77] : memref<10xf32, #tpu.memory_space<smem>>
      memref.store %swap3A_76, %arg12[%swap3A_77] : memref<10xf32, #tpu.memory_space<smem>>
      %swap3A_79 = arith.constant 0.000000e+00 : f32
      %swap3A_80 = arith.constant 3 : index
      %swap3A_81 = memref.load %arg13[%swap3A_80] : memref<10xf32, #tpu.memory_space<smem>>
      memref.store %swap3A_79, %arg13[%swap3A_80] : memref<10xf32, #tpu.memory_space<smem>>
      %swap3A_82 = arith.constant 0.000000e+00 : f32
      %swap3A_83 = arith.constant 3 : index
      %swap3A_84 = memref.load %arg14[%swap3A_83] : memref<10xf32, #tpu.memory_space<smem>>
      memref.store %swap3A_82, %arg14[%swap3A_83] : memref<10xf32, #tpu.memory_space<smem>>
      %swap3A_85 = arith.constant 0.000000e+00 : f32
      %swap3A_86 = arith.constant 3 : index
      %swap3A_87 = memref.load %arg15[%swap3A_86] : memref<10xf32, #tpu.memory_space<smem>>
      memref.store %swap3A_85, %arg15[%swap3A_86] : memref<10xf32, #tpu.memory_space<smem>>
      %swap3A_88 = arith.constant 0.000000e+00 : f32
      %swap3A_89 = arith.constant 4 : index
      %swap3A_90 = memref.load %arg11[%swap3A_89] : memref<10xf32, #tpu.memory_space<smem>>
      memref.store %swap3A_88, %arg11[%swap3A_89] : memref<10xf32, #tpu.memory_space<smem>>
      %swap3A_91 = arith.constant 0.000000e+00 : f32
      %swap3A_92 = arith.constant 4 : index
      %swap3A_93 = memref.load %arg12[%swap3A_92] : memref<10xf32, #tpu.memory_space<smem>>
      memref.store %swap3A_91, %arg12[%swap3A_92] : memref<10xf32, #tpu.memory_space<smem>>
      %swap3A_94 = arith.constant 0.000000e+00 : f32
      %swap3A_95 = arith.constant 4 : index
      %swap3A_96 = memref.load %arg13[%swap3A_95] : memref<10xf32, #tpu.memory_space<smem>>
      memref.store %swap3A_94, %arg13[%swap3A_95] : memref<10xf32, #tpu.memory_space<smem>>
      %swap3A_97 = arith.constant 0.000000e+00 : f32
      %swap3A_98 = arith.constant 4 : index
      %swap3A_99 = memref.load %arg14[%swap3A_98] : memref<10xf32, #tpu.memory_space<smem>>
      memref.store %swap3A_97, %arg14[%swap3A_98] : memref<10xf32, #tpu.memory_space<smem>>
      %swap3A_100 = arith.constant 0.000000e+00 : f32
      %swap3A_101 = arith.constant 4 : index
      %swap3A_102 = memref.load %arg15[%swap3A_101] : memref<10xf32, #tpu.memory_space<smem>>
      memref.store %swap3A_100, %arg15[%swap3A_101] : memref<10xf32, #tpu.memory_space<smem>>
      %swap3A_103 = arith.constant 0.000000e+00 : f32
      %swap3A_104 = arith.constant 5 : index
      %swap3A_105 = memref.load %arg11[%swap3A_104] : memref<10xf32, #tpu.memory_space<smem>>
      memref.store %swap3A_103, %arg11[%swap3A_104] : memref<10xf32, #tpu.memory_space<smem>>
      %swap3A_106 = arith.constant 0.000000e+00 : f32
      %swap3A_107 = arith.constant 5 : index
      %swap3A_108 = memref.load %arg12[%swap3A_107] : memref<10xf32, #tpu.memory_space<smem>>
      memref.store %swap3A_106, %arg12[%swap3A_107] : memref<10xf32, #tpu.memory_space<smem>>
      %swap3A_109 = arith.constant 0.000000e+00 : f32
      %swap3A_110 = arith.constant 5 : index
      %swap3A_111 = memref.load %arg13[%swap3A_110] : memref<10xf32, #tpu.memory_space<smem>>
      memref.store %swap3A_109, %arg13[%swap3A_110] : memref<10xf32, #tpu.memory_space<smem>>
      %swap3A_112 = arith.constant 0.000000e+00 : f32
      %swap3A_113 = arith.constant 5 : index
      %swap3A_114 = memref.load %arg14[%swap3A_113] : memref<10xf32, #tpu.memory_space<smem>>
      memref.store %swap3A_112, %arg14[%swap3A_113] : memref<10xf32, #tpu.memory_space<smem>>
      %swap3A_115 = arith.constant 0.000000e+00 : f32
      %swap3A_116 = arith.constant 5 : index
      %swap3A_117 = memref.load %arg15[%swap3A_116] : memref<10xf32, #tpu.memory_space<smem>>
      memref.store %swap3A_115, %arg15[%swap3A_116] : memref<10xf32, #tpu.memory_space<smem>>
      %swap3A_118 = arith.constant 0.000000e+00 : f32
      %swap3A_119 = arith.constant 6 : index
      %swap3A_120 = memref.load %arg11[%swap3A_119] : memref<10xf32, #tpu.memory_space<smem>>
      memref.store %swap3A_118, %arg11[%swap3A_119] : memref<10xf32, #tpu.memory_space<smem>>
      %swap3A_121 = arith.constant 0.000000e+00 : f32
      %swap3A_122 = arith.constant 6 : index
      %swap3A_123 = memref.load %arg12[%swap3A_122] : memref<10xf32, #tpu.memory_space<smem>>
      memref.store %swap3A_121, %arg12[%swap3A_122] : memref<10xf32, #tpu.memory_space<smem>>
      %swap3A_124 = arith.constant 0.000000e+00 : f32
      %swap3A_125 = arith.constant 6 : index
      %swap3A_126 = memref.load %arg13[%swap3A_125] : memref<10xf32, #tpu.memory_space<smem>>
      memref.store %swap3A_124, %arg13[%swap3A_125] : memref<10xf32, #tpu.memory_space<smem>>
      %swap3A_127 = arith.constant 0.000000e+00 : f32
      %swap3A_128 = arith.constant 6 : index
      %swap3A_129 = memref.load %arg14[%swap3A_128] : memref<10xf32, #tpu.memory_space<smem>>
      memref.store %swap3A_127, %arg14[%swap3A_128] : memref<10xf32, #tpu.memory_space<smem>>
      %swap3A_130 = arith.constant 0.000000e+00 : f32
      %swap3A_131 = arith.constant 6 : index
      %swap3A_132 = memref.load %arg15[%swap3A_131] : memref<10xf32, #tpu.memory_space<smem>>
      memref.store %swap3A_130, %arg15[%swap3A_131] : memref<10xf32, #tpu.memory_space<smem>>
      %swap3A_133 = arith.constant 0.000000e+00 : f32
      %swap3A_134 = arith.constant 7 : index
      %swap3A_135 = memref.load %arg11[%swap3A_134] : memref<10xf32, #tpu.memory_space<smem>>
      memref.store %swap3A_133, %arg11[%swap3A_134] : memref<10xf32, #tpu.memory_space<smem>>
      %swap3A_136 = arith.constant 0.000000e+00 : f32
      %swap3A_137 = arith.constant 7 : index
      %swap3A_138 = memref.load %arg12[%swap3A_137] : memref<10xf32, #tpu.memory_space<smem>>
      memref.store %swap3A_136, %arg12[%swap3A_137] : memref<10xf32, #tpu.memory_space<smem>>
      %swap3A_139 = arith.constant 0.000000e+00 : f32
      %swap3A_140 = arith.constant 7 : index
      %swap3A_141 = memref.load %arg13[%swap3A_140] : memref<10xf32, #tpu.memory_space<smem>>
      memref.store %swap3A_139, %arg13[%swap3A_140] : memref<10xf32, #tpu.memory_space<smem>>
      %swap3A_142 = arith.constant 0.000000e+00 : f32
      %swap3A_143 = arith.constant 7 : index
      %swap3A_144 = memref.load %arg14[%swap3A_143] : memref<10xf32, #tpu.memory_space<smem>>
      memref.store %swap3A_142, %arg14[%swap3A_143] : memref<10xf32, #tpu.memory_space<smem>>
      %swap3A_145 = arith.constant 0.000000e+00 : f32
      %swap3A_146 = arith.constant 7 : index
      %swap3A_147 = memref.load %arg15[%swap3A_146] : memref<10xf32, #tpu.memory_space<smem>>
      memref.store %swap3A_145, %arg15[%swap3A_146] : memref<10xf32, #tpu.memory_space<smem>>
      %swap3A_148 = arith.constant 0.000000e+00 : f32
      %swap3A_149 = arith.constant 8 : index
      %swap3A_150 = memref.load %arg11[%swap3A_149] : memref<10xf32, #tpu.memory_space<smem>>
      memref.store %swap3A_148, %arg11[%swap3A_149] : memref<10xf32, #tpu.memory_space<smem>>
      %swap3A_151 = arith.constant 0.000000e+00 : f32
      %swap3A_152 = arith.constant 8 : index
      %swap3A_153 = memref.load %arg12[%swap3A_152] : memref<10xf32, #tpu.memory_space<smem>>
      memref.store %swap3A_151, %arg12[%swap3A_152] : memref<10xf32, #tpu.memory_space<smem>>
      %swap3A_154 = arith.constant 0.000000e+00 : f32
      %swap3A_155 = arith.constant 8 : index
      %swap3A_156 = memref.load %arg13[%swap3A_155] : memref<10xf32, #tpu.memory_space<smem>>
      memref.store %swap3A_154, %arg13[%swap3A_155] : memref<10xf32, #tpu.memory_space<smem>>
      %swap3A_157 = arith.constant 0.000000e+00 : f32
      %swap3A_158 = arith.constant 8 : index
      %swap3A_159 = memref.load %arg14[%swap3A_158] : memref<10xf32, #tpu.memory_space<smem>>
      memref.store %swap3A_157, %arg14[%swap3A_158] : memref<10xf32, #tpu.memory_space<smem>>
      %swap3A_160 = arith.constant 0.000000e+00 : f32
      %swap3A_161 = arith.constant 8 : index
      %swap3A_162 = memref.load %arg15[%swap3A_161] : memref<10xf32, #tpu.memory_space<smem>>
      memref.store %swap3A_160, %arg15[%swap3A_161] : memref<10xf32, #tpu.memory_space<smem>>
      %swap3A_163 = arith.constant 0.000000e+00 : f32
      %swap3A_164 = arith.constant 9 : index
      %swap3A_165 = memref.load %arg11[%swap3A_164] : memref<10xf32, #tpu.memory_space<smem>>
      memref.store %swap3A_163, %arg11[%swap3A_164] : memref<10xf32, #tpu.memory_space<smem>>
      %swap3A_166 = arith.constant 0.000000e+00 : f32
      %swap3A_167 = arith.constant 9 : index
      %swap3A_168 = memref.load %arg12[%swap3A_167] : memref<10xf32, #tpu.memory_space<smem>>
      memref.store %swap3A_166, %arg12[%swap3A_167] : memref<10xf32, #tpu.memory_space<smem>>
      %swap3A_169 = arith.constant 0.000000e+00 : f32
      %swap3A_170 = arith.constant 9 : index
      %swap3A_171 = memref.load %arg13[%swap3A_170] : memref<10xf32, #tpu.memory_space<smem>>
      memref.store %swap3A_169, %arg13[%swap3A_170] : memref<10xf32, #tpu.memory_space<smem>>
      %swap3A_172 = arith.constant 0.000000e+00 : f32
      %swap3A_173 = arith.constant 9 : index
      %swap3A_174 = memref.load %arg14[%swap3A_173] : memref<10xf32, #tpu.memory_space<smem>>
      memref.store %swap3A_172, %arg14[%swap3A_173] : memref<10xf32, #tpu.memory_space<smem>>
      %swap3A_175 = arith.constant 0.000000e+00 : f32
      %swap3A_176 = arith.constant 9 : index
      %swap3A_177 = memref.load %arg15[%swap3A_176] : memref<10xf32, #tpu.memory_space<smem>>
      memref.store %swap3A_175, %arg15[%swap3A_176] : memref<10xf32, #tpu.memory_space<smem>>
    } else {
    }
    %lt3A = arith.constant 16 : i32
    %lt3A_2 = arith.cmpi slt, %arg0, %lt3A : i32
    %convert_element_type3A_3 = arith.extui %lt3A_2 : i1 to i32
    %cond3A_4 = arith.constant 0 : i32
    %cond3A_5 = arith.cmpi ne, %convert_element_type3A_3, %cond3A_4 : i32
    scf.if %cond3A_5 {
      %broadcast_in_dim3A = arith.constant 1.000000e+00 : f32
      %broadcast_in_dim3A_17 = vector.broadcast %broadcast_in_dim3A : f32 to vector<80x8xf32>
      %add3A = arith.constant 0 : i32
      %add3A_18 = arith.addi %arg0, %add3A : i32
      %get3A = arith.constant 0 : index
      %get3A_19 = arith.constant 0 : index
      %get3A_20 = arith.constant 0 : index
      %get3A_21 = vector.load %arg2[%get3A, %get3A_19, %get3A_20] : memref<1x4200x80xf32, #tpu.memory_space<vmem>>, vector<1x1400x80xf32>
      %get3A_22 = vector.shape_cast %get3A_21 : vector<1x1400x80xf32> to vector<1400x80xf32>
      %dot_general3A = arith.constant dense<0.000000e+00> : vector<1400x8xf32>
      %dot_general3A_23 = tpu.matmul %get3A_22, %broadcast_in_dim3A_17, %dot_general3A {dimension_numbers = #tpu.dot_dimension_numbers<[1], [0], [0], [1], [0, 0, 1, 1], [], []>, transpose_lhs_hint = false} : vector<1400x80xf32>, vector<80x8xf32>, vector<1400x8xf32> -> vector<1400x8xf32>
      %transpose3A = tpu.transpose %dot_general3A_23, [1, 0] : vector<1400x8xf32> -> vector<8x1400xf32>
      %slice3A = vector.extract_strided_slice %transpose3A {offsets = [0, 0], sizes = [1, 1400], strides = [1, 1]} : vector<8x1400xf32> to vector<1x1400xf32>
      %squeeze3A = vector.shape_cast %slice3A : vector<1x1400xf32> to vector<1400xf32>
      %swap3A = arith.index_cast %add3A_18 : i32 to index
      %swap3A_24 = arith.constant 0 : index
      %swap3A_25 = vector.load %arg6[%swap3A, %swap3A_24] : memref<32x4200xf32, #tpu.memory_space<vmem>>, vector<1x1400xf32>
      %swap3A_26 = vector.shape_cast %swap3A_25 : vector<1x1400xf32> to vector<1400xf32>
      %swap3A_27 = vector.shape_cast %squeeze3A : vector<1400xf32> to vector<1x1400xf32>
      tpu.vector_store %arg6[%swap3A, %swap3A_24], %swap3A_27 {strides = array<i32>} : memref<32x4200xf32, #tpu.memory_space<vmem>>, vector<1x1400xf32>,
      %get3A_28 = arith.constant 0 : index
      %get3A_29 = arith.constant 1400 : index
      %get3A_30 = arith.constant 0 : index
      %get3A_31 = vector.load %arg2[%get3A_28, %get3A_29, %get3A_30] : memref<1x4200x80xf32, #tpu.memory_space<vmem>>, vector<1x1400x80xf32>
      %get3A_32 = vector.shape_cast %get3A_31 : vector<1x1400x80xf32> to vector<1400x80xf32>
      %dot_general3A_33 = arith.constant dense<0.000000e+00> : vector<1400x8xf32>
      %dot_general3A_34 = tpu.matmul %get3A_32, %broadcast_in_dim3A_17, %dot_general3A_33 {dimension_numbers = #tpu.dot_dimension_numbers<[1], [0], [0], [1], [0, 0, 1, 1], [], []>, transpose_lhs_hint = false} : vector<1400x80xf32>, vector<80x8xf32>, vector<1400x8xf32> -> vector<1400x8xf32>
      %transpose3A_35 = tpu.transpose %dot_general3A_34, [1, 0] : vector<1400x8xf32> -> vector<8x1400xf32>
      %slice3A_36 = vector.extract_strided_slice %transpose3A_35 {offsets = [0, 0], sizes = [1, 1400], strides = [1, 1]} : vector<8x1400xf32> to vector<1x1400xf32>
      %squeeze3A_37 = vector.shape_cast %slice3A_36 : vector<1x1400xf32> to vector<1400xf32>
      %swap3A_38 = arith.index_cast %add3A_18 : i32 to index
      %swap3A_39 = arith.constant 1400 : index
      %swap3A_40 = vector.load %arg6[%swap3A_38, %swap3A_39] : memref<32x4200xf32, #tpu.memory_space<vmem>>, vector<1x1400xf32>
      %swap3A_41 = vector.shape_cast %swap3A_40 : vector<1x1400xf32> to vector<1400xf32>
      %swap3A_42 = vector.shape_cast %squeeze3A_37 : vector<1400xf32> to vector<1x1400xf32>
      tpu.vector_store %arg6[%swap3A_38, %swap3A_39], %swap3A_42 {strides = array<i32>} : memref<32x4200xf32, #tpu.memory_space<vmem>>, vector<1x1400xf32>,
      %get3A_43 = arith.constant 0 : index
      %get3A_44 = arith.constant 2800 : index
      %get3A_45 = arith.constant 0 : index
      %get3A_46 = vector.load %arg2[%get3A_43, %get3A_44, %get3A_45] : memref<1x4200x80xf32, #tpu.memory_space<vmem>>, vector<1x1400x80xf32>
      %get3A_47 = vector.shape_cast %get3A_46 : vector<1x1400x80xf32> to vector<1400x80xf32>
      %dot_general3A_48 = arith.constant dense<0.000000e+00> : vector<1400x8xf32>
      %dot_general3A_49 = tpu.matmul %get3A_47, %broadcast_in_dim3A_17, %dot_general3A_48 {dimension_numbers = #tpu.dot_dimension_numbers<[1], [0], [0], [1], [0, 0, 1, 1], [], []>, transpose_lhs_hint = false} : vector<1400x80xf32>, vector<80x8xf32>, vector<1400x8xf32> -> vector<1400x8xf32>
      %transpose3A_50 = tpu.transpose %dot_general3A_49, [1, 0] : vector<1400x8xf32> -> vector<8x1400xf32>
      %slice3A_51 = vector.extract_strided_slice %transpose3A_50 {offsets = [0, 0], sizes = [1, 1400], strides = [1, 1]} : vector<8x1400xf32> to vector<1x1400xf32>
      %squeeze3A_52 = vector.shape_cast %slice3A_51 : vector<1x1400xf32> to vector<1400xf32>
      %swap3A_53 = arith.index_cast %add3A_18 : i32 to index
      %swap3A_54 = arith.constant 2800 : index
      %swap3A_55 = vector.load %arg6[%swap3A_53, %swap3A_54] : memref<32x4200xf32, #tpu.memory_space<vmem>>, vector<1x1400xf32>
      %swap3A_56 = vector.shape_cast %swap3A_55 : vector<1x1400xf32> to vector<1400xf32>
      %swap3A_57 = vector.shape_cast %squeeze3A_52 : vector<1400xf32> to vector<1x1400xf32>
      tpu.vector_store %arg6[%swap3A_53, %swap3A_54], %swap3A_57 {strides = array<i32>} : memref<32x4200xf32, #tpu.memory_space<vmem>>, vector<1x1400xf32>,
      %add3A_58 = arith.constant 16 : i32
      %add3A_59 = arith.addi %arg0, %add3A_58 : i32
      %get3A_60 = arith.constant 0 : index
      %get3A_61 = arith.constant 0 : index
      %get3A_62 = arith.constant 0 : index
      %get3A_63 = vector.load %arg3[%get3A_60, %get3A_61, %get3A_62] : memref<1x4200x80xf32, #tpu.memory_space<vmem>>, vector<1x1400x80xf32>
      %get3A_64 = vector.shape_cast %get3A_63 : vector<1x1400x80xf32> to vector<1400x80xf32>
      %dot_general3A_65 = arith.constant dense<0.000000e+00> : vector<1400x8xf32>
      %dot_general3A_66 = tpu.matmul %get3A_64, %broadcast_in_dim3A_17, %dot_general3A_65 {dimension_numbers = #tpu.dot_dimension_numbers<[1], [0], [0], [1], [0, 0, 1, 1], [], []>, transpose_lhs_hint = false} : vector<1400x80xf32>, vector<80x8xf32>, vector<1400x8xf32> -> vector<1400x8xf32>
      %transpose3A_67 = tpu.transpose %dot_general3A_66, [1, 0] : vector<1400x8xf32> -> vector<8x1400xf32>
      %slice3A_68 = vector.extract_strided_slice %transpose3A_67 {offsets = [0, 0], sizes = [1, 1400], strides = [1, 1]} : vector<8x1400xf32> to vector<1x1400xf32>
      %squeeze3A_69 = vector.shape_cast %slice3A_68 : vector<1x1400xf32> to vector<1400xf32>
      %swap3A_70 = arith.index_cast %add3A_59 : i32 to index
      %swap3A_71 = arith.constant 0 : index
      %swap3A_72 = vector.load %arg6[%swap3A_70, %swap3A_71] : memref<32x4200xf32, #tpu.memory_space<vmem>>, vector<1x1400xf32>
      %swap3A_73 = vector.shape_cast %swap3A_72 : vector<1x1400xf32> to vector<1400xf32>
      %swap3A_74 = vector.shape_cast %squeeze3A_69 : vector<1400xf32> to vector<1x1400xf32>
      tpu.vector_store %arg6[%swap3A_70, %swap3A_71], %swap3A_74 {strides = array<i32>} : memref<32x4200xf32, #tpu.memory_space<vmem>>, vector<1x1400xf32>,
      %get3A_75 = arith.constant 0 : index
      %get3A_76 = arith.constant 1400 : index
      %get3A_77 = arith.constant 0 : index
      %get3A_78 = vector.load %arg3[%get3A_75, %get3A_76, %get3A_77] : memref<1x4200x80xf32, #tpu.memory_space<vmem>>, vector<1x1400x80xf32>
      %get3A_79 = vector.shape_cast %get3A_78 : vector<1x1400x80xf32> to vector<1400x80xf32>
      %dot_general3A_80 = arith.constant dense<0.000000e+00> : vector<1400x8xf32>
      %dot_general3A_81 = tpu.matmul %get3A_79, %broadcast_in_dim3A_17, %dot_general3A_80 {dimension_numbers = #tpu.dot_dimension_numbers<[1], [0], [0], [1], [0, 0, 1, 1], [], []>, transpose_lhs_hint = false} : vector<1400x80xf32>, vector<80x8xf32>, vector<1400x8xf32> -> vector<1400x8xf32>
      %transpose3A_82 = tpu.transpose %dot_general3A_81, [1, 0] : vector<1400x8xf32> -> vector<8x1400xf32>
      %slice3A_83 = vector.extract_strided_slice %transpose3A_82 {offsets = [0, 0], sizes = [1, 1400], strides = [1, 1]} : vector<8x1400xf32> to vector<1x1400xf32>
      %squeeze3A_84 = vector.shape_cast %slice3A_83 : vector<1x1400xf32> to vector<1400xf32>
      %swap3A_85 = arith.index_cast %add3A_59 : i32 to index
      %swap3A_86 = arith.constant 1400 : index
      %swap3A_87 = vector.load %arg6[%swap3A_85, %swap3A_86] : memref<32x4200xf32, #tpu.memory_space<vmem>>, vector<1x1400xf32>
      %swap3A_88 = vector.shape_cast %swap3A_87 : vector<1x1400xf32> to vector<1400xf32>
      %swap3A_89 = vector.shape_cast %squeeze3A_84 : vector<1400xf32> to vector<1x1400xf32>
      tpu.vector_store %arg6[%swap3A_85, %swap3A_86], %swap3A_89 {strides = array<i32>} : memref<32x4200xf32, #tpu.memory_space<vmem>>, vector<1x1400xf32>,
      %get3A_90 = arith.constant 0 : index
      %get3A_91 = arith.constant 2800 : index
      %get3A_92 = arith.constant 0 : index
      %get3A_93 = vector.load %arg3[%get3A_90, %get3A_91, %get3A_92] : memref<1x4200x80xf32, #tpu.memory_space<vmem>>, vector<1x1400x80xf32>
      %get3A_94 = vector.shape_cast %get3A_93 : vector<1x1400x80xf32> to vector<1400x80xf32>
      %dot_general3A_95 = arith.constant dense<0.000000e+00> : vector<1400x8xf32>
      %dot_general3A_96 = tpu.matmul %get3A_94, %broadcast_in_dim3A_17, %dot_general3A_95 {dimension_numbers = #tpu.dot_dimension_numbers<[1], [0], [0], [1], [0, 0, 1, 1], [], []>, transpose_lhs_hint = false} : vector<1400x80xf32>, vector<80x8xf32>, vector<1400x8xf32> -> vector<1400x8xf32>
      %transpose3A_97 = tpu.transpose %dot_general3A_96, [1, 0] : vector<1400x8xf32> -> vector<8x1400xf32>
      %slice3A_98 = vector.extract_strided_slice %transpose3A_97 {offsets = [0, 0], sizes = [1, 1400], strides = [1, 1]} : vector<8x1400xf32> to vector<1x1400xf32>
      %squeeze3A_99 = vector.shape_cast %slice3A_98 : vector<1x1400xf32> to vector<1400xf32>
      %swap3A_100 = arith.index_cast %add3A_59 : i32 to index
      %swap3A_101 = arith.constant 2800 : index
      %swap3A_102 = vector.load %arg6[%swap3A_100, %swap3A_101] : memref<32x4200xf32, #tpu.memory_space<vmem>>, vector<1x1400xf32>
      %swap3A_103 = vector.shape_cast %swap3A_102 : vector<1x1400xf32> to vector<1400xf32>
      %swap3A_104 = vector.shape_cast %squeeze3A_99 : vector<1400xf32> to vector<1x1400xf32>
      tpu.vector_store %arg6[%swap3A_100, %swap3A_101], %swap3A_104 {strides = array<i32>} : memref<32x4200xf32, #tpu.memory_space<vmem>>, vector<1x1400xf32>,
      %eq3A_105 = arith.constant 0 : i32
      %eq3A_106 = arith.cmpi eq, %arg0, %eq3A_105 : i32
      %convert_element_type3A_107 = arith.extui %eq3A_106 : i1 to i32
      %cond3A_108 = arith.constant 0 : i32
      %cond3A_109 = arith.cmpi ne, %convert_element_type3A_107, %cond3A_108 : i32
      scf.if %cond3A_109 {
        %get3A_110 = arith.constant 0 : index
        %get3A_111 = arith.constant 0 : index
        %get3A_112 = arith.constant 0 : index
        %get3A_113 = vector.load %arg4[%get3A_110, %get3A_111, %get3A_112] : memref<7x32x4200xf32, #tpu.memory_space<vmem>>, vector<1x32x4200xf32>
        %get3A_114 = vector.shape_cast %get3A_113 : vector<1x32x4200xf32> to vector<32x4200xf32>
        %get3A_115 = arith.constant 5 : index
        %get3A_116 = arith.constant 0 : index
        %get3A_117 = arith.constant 0 : index
        %get3A_118 = vector.load %arg4[%get3A_115, %get3A_116, %get3A_117] : memref<7x32x4200xf32, #tpu.memory_space<vmem>>, vector<1x32x4200xf32>
        %get3A_119 = vector.shape_cast %get3A_118 : vector<1x32x4200xf32> to vector<32x4200xf32>
        %get3A_120 = arith.constant 0 : index
        %get3A_121 = memref.load %arg9[%get3A_120] : memref<1xf32, #tpu.memory_space<smem>>
        %gt3A = arith.constant 0.000000e+00 : f32
        %gt3A_122 = vector.broadcast %gt3A : f32 to vector<32x4200xf32>
        %gt3A_123 = arith.cmpf ogt, %get3A_119, %gt3A_122 : vector<32x4200xf32>
        %jit3A = arith.constant 0x7F800000 : f32
        %broadcast_in_dim3A_124 = vector.broadcast %jit3A : f32 to vector<32x4200xf32>
        %select_n3A = arith.select %gt3A_123, %get3A_114, %broadcast_in_dim3A_124 : vector<32x4200xi1>, vector<32x4200xf32>
        %reduce_min3A = vector.shape_cast %select_n3A : vector<32x4200xf32> to vector<1x32x4200xf32>
        %reduce_min3A_125 = arith.constant dense<0x7F800000> : vector<1xf32>
        %reduce_min3A_126 = vector.multi_reduction <minimumf>, %reduce_min3A, %reduce_min3A_125 [1, 2] : vector<1x32x4200xf32> to vector<1xf32>
        %reduce_min3A_127 = vector.shape_cast %reduce_min3A_126 : vector<1xf32> to vector<1x1x1xf32>
        %reduce_min3A_128 = vector.extract %reduce_min3A_127[0, 0, 0] : f32 from vector<1x1x1xf32>
        %min3A = arith.minimumf %get3A_121, %reduce_min3A_128 : f32
        %swap3A_129 = arith.constant 0 : index
        %swap3A_130 = memref.load %arg9[%swap3A_129] : memref<1xf32, #tpu.memory_space<smem>>
        memref.store %min3A, %arg9[%swap3A_129] : memref<1xf32, #tpu.memory_space<smem>>
        %get3A_131 = arith.constant 0 : index
        %get3A_132 = memref.load %arg10[%get3A_131] : memref<1xf32, #tpu.memory_space<smem>>
        %gt3A_133 = arith.constant 0.000000e+00 : f32
        %gt3A_134 = vector.broadcast %gt3A_133 : f32 to vector<32x4200xf32>
        %gt3A_135 = arith.cmpf ogt, %get3A_119, %gt3A_134 : vector<32x4200xf32>
        %jit3A_136 = arith.constant 0xFF800000 : f32
        %broadcast_in_dim3A_137 = vector.broadcast %jit3A_136 : f32 to vector<32x4200xf32>
        %select_n3A_138 = arith.select %gt3A_135, %get3A_114, %broadcast_in_dim3A_137 : vector<32x4200xi1>, vector<32x4200xf32>
        %reduce_max3A = vector.shape_cast %select_n3A_138 : vector<32x4200xf32> to vector<1x32x4200xf32>
        %reduce_max3A_139 = arith.constant dense<0xFF800000> : vector<1xf32>
        %reduce_max3A_140 = vector.multi_reduction <maximumf>, %reduce_max3A, %reduce_max3A_139 [1, 2] : vector<1x32x4200xf32> to vector<1xf32>
        %reduce_max3A_141 = vector.shape_cast %reduce_max3A_140 : vector<1xf32> to vector<1x1x1xf32>
        %reduce_max3A_142 = vector.extract %reduce_max3A_141[0, 0, 0] : f32 from vector<1x1x1xf32>
        %max3A = arith.maximumf %get3A_132, %reduce_max3A_142 : f32
        %swap3A_143 = arith.constant 0 : index
        %swap3A_144 = memref.load %arg10[%swap3A_143] : memref<1xf32, #tpu.memory_space<smem>>
        memref.store %max3A, %arg10[%swap3A_143] : memref<1xf32, #tpu.memory_space<smem>>
      } else {
      }
    } else {
    }
    %ge3A = arith.constant 16 : i32
    %ge3A_6 = arith.cmpi sge, %arg0, %ge3A : i32
    %lt3A_7 = arith.constant 20 : i32
    %lt3A_8 = arith.cmpi slt, %arg0, %lt3A_7 : i32
    %and3A = arith.andi %ge3A_6, %lt3A_8 : i1
    %convert_element_type3A_9 = arith.extui %and3A : i1 to i32
    %cond3A_10 = arith.constant 0 : i32
    %cond3A_11 = arith.cmpi ne, %convert_element_type3A_9, %cond3A_10 : i32
    scf.if %cond3A_11 {
      %sub3A = arith.constant 16 : i32
      %sub3A_17 = arith.subi %arg0, %sub3A : i32
      %mul3A = arith.constant 8 : i32
      %mul3A_18 = arith.muli %sub3A_17, %mul3A : i32
      %get3A = arith.constant 0 : index
      %get3A_19 = arith.index_cast %mul3A_18 : i32 to index
      %get3A_20 = arith.constant 0 : index
      %get3A_21 = vector.load %arg4[%get3A, %get3A_19, %get3A_20] : memref<7x32x4200xf32, #tpu.memory_space<vmem>>, vector<1x8x4200xf32>
      %get3A_22 = vector.shape_cast %get3A_21 : vector<1x8x4200xf32> to vector<8x4200xf32>
      %get3A_23 = arith.constant 0 : index
      %get3A_24 = memref.load %arg10[%get3A_23] : memref<1xf32, #tpu.memory_space<smem>>
      %get3A_25 = arith.constant 0 : index
      %get3A_26 = memref.load %arg9[%get3A_25] : memref<1xf32, #tpu.memory_space<smem>>
      %sub3A_27 = arith.subf %get3A_24, %get3A_26 : f32
      %get3A_28 = arith.constant 0 : index
      %get3A_29 = memref.load %arg9[%get3A_28] : memref<1xf32, #tpu.memory_space<smem>>
      %sub3A_30 = vector.broadcast %get3A_29 : f32 to vector<8x4200xf32>
      %sub3A_31 = arith.subf %get3A_22, %sub3A_30 : vector<8x4200xf32>
      %add3A = arith.constant 9.99999997E-7 : f32
      %add3A_32 = arith.addf %sub3A_27, %add3A : f32
      %div3A = vector.broadcast %add3A_32 : f32 to vector<8x4200xf32>
      %div3A_33 = arith.divf %sub3A_31, %div3A : vector<8x4200xf32>
      %mul3A_34 = arith.constant 1.000000e+01 : f32
      %mul3A_35 = vector.broadcast %mul3A_34 : f32 to vector<8x4200xf32>
      %mul3A_36 = arith.mulf %div3A_33, %mul3A_35 : vector<8x4200xf32>
      %convert_element_type3A_37 = arith.fptosi %mul3A_36 : vector<8x4200xf32> to vector<8x4200xi32>
      %jit3A = arith.constant 0 : i32
      %jit3A_38 = arith.constant 9 : i32
      %max3A = vector.broadcast %jit3A : i32 to vector<8x4200xi32>
      %max3A_39 = arith.maxsi %max3A, %convert_element_type3A_37 : vector<8x4200xi32>
      %min3A = vector.broadcast %jit3A_38 : i32 to vector<8x4200xi32>
      %min3A_40 = arith.minsi %min3A, %max3A_39 : vector<8x4200xi32>
      %lt3A_41 = arith.constant 9.99999997E-7 : f32
      %lt3A_42 = arith.cmpf olt, %sub3A_27, %lt3A_41 : f32
      %broadcast_in_dim3A = arith.constant 0 : i32
      %broadcast_in_dim3A_43 = vector.broadcast %broadcast_in_dim3A : i32 to vector<8x4200xi32>
      %select_n3A = arith.select %lt3A_42, %broadcast_in_dim3A_43, %min3A_40 : vector<8x4200xi32>
      %get3A_44 = arith.constant 5 : index
      %get3A_45 = arith.index_cast %mul3A_18 : i32 to index
      %get3A_46 = arith.constant 0 : index
      %get3A_47 = vector.load %arg4[%get3A_44, %get3A_45, %get3A_46] : memref<7x32x4200xf32, #tpu.memory_space<vmem>>, vector<1x8x4200xf32>
      %get3A_48 = vector.shape_cast %get3A_47 : vector<1x8x4200xf32> to vector<8x4200xf32>
      %get3A_49 = arith.constant 1 : index
      %get3A_50 = arith.index_cast %mul3A_18 : i32 to index
      %get3A_51 = arith.constant 0 : index
      %get3A_52 = vector.load %arg4[%get3A_49, %get3A_50, %get3A_51] : memref<7x32x4200xf32, #tpu.memory_space<vmem>>, vector<1x8x4200xf32>
      %get3A_53 = vector.shape_cast %get3A_52 : vector<1x8x4200xf32> to vector<8x4200xf32>
      %get3A_54 = arith.constant 2 : index
      %get3A_55 = arith.index_cast %mul3A_18 : i32 to index
      %get3A_56 = arith.constant 0 : index
      %get3A_57 = vector.load %arg4[%get3A_54, %get3A_55, %get3A_56] : memref<7x32x4200xf32, #tpu.memory_space<vmem>>, vector<1x8x4200xf32>
      %get3A_58 = vector.shape_cast %get3A_57 : vector<1x8x4200xf32> to vector<8x4200xf32>
      %mul3A_59 = arith.mulf %get3A_53, %get3A_53 : vector<8x4200xf32>
      %mul3A_60 = arith.mulf %get3A_58, %get3A_58 : vector<8x4200xf32>
      %eq3A_61 = arith.constant 0 : i32
      %eq3A_62 = vector.broadcast %eq3A_61 : i32 to vector<8x4200xi32>
      %eq3A_63 = arith.cmpi eq, %select_n3A, %eq3A_62 : vector<8x4200xi32>
      %jit3A_64 = arith.constant 0.000000e+00 : f32
      %broadcast_in_dim3A_65 = vector.broadcast %jit3A_64 : f32 to vector<8x4200xf32>
      %select_n3A_66 = arith.select %eq3A_63, %get3A_48, %broadcast_in_dim3A_65 : vector<8x4200xi1>, vector<8x4200xf32>
      %get3A_67 = arith.constant 0 : index
      %get3A_68 = memref.load %arg11[%get3A_67] : memref<10xf32, #tpu.memory_space<smem>>
      %reduce_sum3A = vector.shape_cast %select_n3A_66 : vector<8x4200xf32> to vector<1x8x4200xf32>
      %reduce_sum3A_69 = arith.constant dense<0.000000e+00> : vector<1xf32>
      %reduce_sum3A_70 = vector.multi_reduction <add>, %reduce_sum3A, %reduce_sum3A_69 [1, 2] : vector<1x8x4200xf32> to vector<1xf32>
      %reduce_sum3A_71 = vector.shape_cast %reduce_sum3A_70 : vector<1xf32> to vector<1x1x1xf32>
      %reduce_sum3A_72 = vector.extract %reduce_sum3A_71[0, 0, 0] : f32 from vector<1x1x1xf32>
      %add3A_73 = arith.addf %get3A_68, %reduce_sum3A_72 : f32
      %swap3A = arith.constant 0 : index
      %swap3A_74 = memref.load %arg11[%swap3A] : memref<10xf32, #tpu.memory_space<smem>>
      memref.store %add3A_73, %arg11[%swap3A] : memref<10xf32, #tpu.memory_space<smem>>
      %get3A_75 = arith.constant 0 : index
      %get3A_76 = memref.load %arg12[%get3A_75] : memref<10xf32, #tpu.memory_space<smem>>
      %mul3A_77 = arith.mulf %get3A_53, %select_n3A_66 : vector<8x4200xf32>
      %reduce_sum3A_78 = vector.shape_cast %mul3A_77 : vector<8x4200xf32> to vector<1x8x4200xf32>
      %reduce_sum3A_79 = arith.constant dense<0.000000e+00> : vector<1xf32>
      %reduce_sum3A_80 = vector.multi_reduction <add>, %reduce_sum3A_78, %reduce_sum3A_79 [1, 2] : vector<1x8x4200xf32> to vector<1xf32>
      %reduce_sum3A_81 = vector.shape_cast %reduce_sum3A_80 : vector<1xf32> to vector<1x1x1xf32>
      %reduce_sum3A_82 = vector.extract %reduce_sum3A_81[0, 0, 0] : f32 from vector<1x1x1xf32>
      %add3A_83 = arith.addf %get3A_76, %reduce_sum3A_82 : f32
      %swap3A_84 = arith.constant 0 : index
      %swap3A_85 = memref.load %arg12[%swap3A_84] : memref<10xf32, #tpu.memory_space<smem>>
      memref.store %add3A_83, %arg12[%swap3A_84] : memref<10xf32, #tpu.memory_space<smem>>
      %get3A_86 = arith.constant 0 : index
      %get3A_87 = memref.load %arg13[%get3A_86] : memref<10xf32, #tpu.memory_space<smem>>
      %mul3A_88 = arith.mulf %mul3A_59, %select_n3A_66 : vector<8x4200xf32>
      %reduce_sum3A_89 = vector.shape_cast %mul3A_88 : vector<8x4200xf32> to vector<1x8x4200xf32>
      %reduce_sum3A_90 = arith.constant dense<0.000000e+00> : vector<1xf32>
      %reduce_sum3A_91 = vector.multi_reduction <add>, %reduce_sum3A_89, %reduce_sum3A_90 [1, 2] : vector<1x8x4200xf32> to vector<1xf32>
      %reduce_sum3A_92 = vector.shape_cast %reduce_sum3A_91 : vector<1xf32> to vector<1x1x1xf32>
      %reduce_sum3A_93 = vector.extract %reduce_sum3A_92[0, 0, 0] : f32 from vector<1x1x1xf32>
      %add3A_94 = arith.addf %get3A_87, %reduce_sum3A_93 : f32
      %swap3A_95 = arith.constant 0 : index
      %swap3A_96 = memref.load %arg13[%swap3A_95] : memref<10xf32, #tpu.memory_space<smem>>
      memref.store %add3A_94, %arg13[%swap3A_95] : memref<10xf32, #tpu.memory_space<smem>>
      %get3A_97 = arith.constant 0 : index
      %get3A_98 = memref.load %arg14[%get3A_97] : memref<10xf32, #tpu.memory_space<smem>>
      %mul3A_99 = arith.mulf %get3A_58, %select_n3A_66 : vector<8x4200xf32>
      %reduce_sum3A_100 = vector.shape_cast %mul3A_99 : vector<8x4200xf32> to vector<1x8x4200xf32>
      %reduce_sum3A_101 = arith.constant dense<0.000000e+00> : vector<1xf32>
      %reduce_sum3A_102 = vector.multi_reduction <add>, %reduce_sum3A_100, %reduce_sum3A_101 [1, 2] : vector<1x8x4200xf32> to vector<1xf32>
      %reduce_sum3A_103 = vector.shape_cast %reduce_sum3A_102 : vector<1xf32> to vector<1x1x1xf32>
      %reduce_sum3A_104 = vector.extract %reduce_sum3A_103[0, 0, 0] : f32 from vector<1x1x1xf32>
      %add3A_105 = arith.addf %get3A_98, %reduce_sum3A_104 : f32
      %swap3A_106 = arith.constant 0 : index
      %swap3A_107 = memref.load %arg14[%swap3A_106] : memref<10xf32, #tpu.memory_space<smem>>
      memref.store %add3A_105, %arg14[%swap3A_106] : memref<10xf32, #tpu.memory_space<smem>>
      %get3A_108 = arith.constant 0 : index
      %get3A_109 = memref.load %arg15[%get3A_108] : memref<10xf32, #tpu.memory_space<smem>>
      %mul3A_110 = arith.mulf %mul3A_60, %select_n3A_66 : vector<8x4200xf32>
      %reduce_sum3A_111 = vector.shape_cast %mul3A_110 : vector<8x4200xf32> to vector<1x8x4200xf32>
      %reduce_sum3A_112 = arith.constant dense<0.000000e+00> : vector<1xf32>
      %reduce_sum3A_113 = vector.multi_reduction <add>, %reduce_sum3A_111, %reduce_sum3A_112 [1, 2] : vector<1x8x4200xf32> to vector<1xf32>
      %reduce_sum3A_114 = vector.shape_cast %reduce_sum3A_113 : vector<1xf32> to vector<1x1x1xf32>
      %reduce_sum3A_115 = vector.extract %reduce_sum3A_114[0, 0, 0] : f32 from vector<1x1x1xf32>
      %add3A_116 = arith.addf %get3A_109, %reduce_sum3A_115 : f32
      %swap3A_117 = arith.constant 0 : index
      %swap3A_118 = memref.load %arg15[%swap3A_117] : memref<10xf32, #tpu.memory_space<smem>>
      memref.store %add3A_116, %arg15[%swap3A_117] : memref<10xf32, #tpu.memory_space<smem>>
      %eq3A_119 = arith.constant 1 : i32
      %eq3A_120 = vector.broadcast %eq3A_119 : i32 to vector<8x4200xi32>
      %eq3A_121 = arith.cmpi eq, %select_n3A, %eq3A_120 : vector<8x4200xi32>
      %jit3A_122 = arith.constant 0.000000e+00 : f32
      %broadcast_in_dim3A_123 = vector.broadcast %jit3A_122 : f32 to vector<8x4200xf32>
      %select_n3A_124 = arith.select %eq3A_121, %get3A_48, %broadcast_in_dim3A_123 : vector<8x4200xi1>, vector<8x4200xf32>
      %get3A_125 = arith.constant 1 : index
      %get3A_126 = memref.load %arg11[%get3A_125] : memref<10xf32, #tpu.memory_space<smem>>
      %reduce_sum3A_127 = vector.shape_cast %select_n3A_124 : vector<8x4200xf32> to vector<1x8x4200xf32>
      %reduce_sum3A_128 = arith.constant dense<0.000000e+00> : vector<1xf32>
      %reduce_sum3A_129 = vector.multi_reduction <add>, %reduce_sum3A_127, %reduce_sum3A_128 [1, 2] : vector<1x8x4200xf32> to vector<1xf32>
      %reduce_sum3A_130 = vector.shape_cast %reduce_sum3A_129 : vector<1xf32> to vector<1x1x1xf32>
      %reduce_sum3A_131 = vector.extract %reduce_sum3A_130[0, 0, 0] : f32 from vector<1x1x1xf32>
      %add3A_132 = arith.addf %get3A_126, %reduce_sum3A_131 : f32
      %swap3A_133 = arith.constant 1 : index
      %swap3A_134 = memref.load %arg11[%swap3A_133] : memref<10xf32, #tpu.memory_space<smem>>
      memref.store %add3A_132, %arg11[%swap3A_133] : memref<10xf32, #tpu.memory_space<smem>>
      %get3A_135 = arith.constant 1 : index
      %get3A_136 = memref.load %arg12[%get3A_135] : memref<10xf32, #tpu.memory_space<smem>>
      %mul3A_137 = arith.mulf %get3A_53, %select_n3A_124 : vector<8x4200xf32>
      %reduce_sum3A_138 = vector.shape_cast %mul3A_137 : vector<8x4200xf32> to vector<1x8x4200xf32>
      %reduce_sum3A_139 = arith.constant dense<0.000000e+00> : vector<1xf32>
      %reduce_sum3A_140 = vector.multi_reduction <add>, %reduce_sum3A_138, %reduce_sum3A_139 [1, 2] : vector<1x8x4200xf32> to vector<1xf32>
      %reduce_sum3A_141 = vector.shape_cast %reduce_sum3A_140 : vector<1xf32> to vector<1x1x1xf32>
      %reduce_sum3A_142 = vector.extract %reduce_sum3A_141[0, 0, 0] : f32 from vector<1x1x1xf32>
      %add3A_143 = arith.addf %get3A_136, %reduce_sum3A_142 : f32
      %swap3A_144 = arith.constant 1 : index
      %swap3A_145 = memref.load %arg12[%swap3A_144] : memref<10xf32, #tpu.memory_space<smem>>
      memref.store %add3A_143, %arg12[%swap3A_144] : memref<10xf32, #tpu.memory_space<smem>>
      %get3A_146 = arith.constant 1 : index
      %get3A_147 = memref.load %arg13[%get3A_146] : memref<10xf32, #tpu.memory_space<smem>>
      %mul3A_148 = arith.mulf %mul3A_59, %select_n3A_124 : vector<8x4200xf32>
      %reduce_sum3A_149 = vector.shape_cast %mul3A_148 : vector<8x4200xf32> to vector<1x8x4200xf32>
      %reduce_sum3A_150 = arith.constant dense<0.000000e+00> : vector<1xf32>
      %reduce_sum3A_151 = vector.multi_reduction <add>, %reduce_sum3A_149, %reduce_sum3A_150 [1, 2] : vector<1x8x4200xf32> to vector<1xf32>
      %reduce_sum3A_152 = vector.shape_cast %reduce_sum3A_151 : vector<1xf32> to vector<1x1x1xf32>
      %reduce_sum3A_153 = vector.extract %reduce_sum3A_152[0, 0, 0] : f32 from vector<1x1x1xf32>
      %add3A_154 = arith.addf %get3A_147, %reduce_sum3A_153 : f32
      %swap3A_155 = arith.constant 1 : index
      %swap3A_156 = memref.load %arg13[%swap3A_155] : memref<10xf32, #tpu.memory_space<smem>>
      memref.store %add3A_154, %arg13[%swap3A_155] : memref<10xf32, #tpu.memory_space<smem>>
      %get3A_157 = arith.constant 1 : index
      %get3A_158 = memref.load %arg14[%get3A_157] : memref<10xf32, #tpu.memory_space<smem>>
      %mul3A_159 = arith.mulf %get3A_58, %select_n3A_124 : vector<8x4200xf32>
      %reduce_sum3A_160 = vector.shape_cast %mul3A_159 : vector<8x4200xf32> to vector<1x8x4200xf32>
      %reduce_sum3A_161 = arith.constant dense<0.000000e+00> : vector<1xf32>
      %reduce_sum3A_162 = vector.multi_reduction <add>, %reduce_sum3A_160, %reduce_sum3A_161 [1, 2] : vector<1x8x4200xf32> to vector<1xf32>
      %reduce_sum3A_163 = vector.shape_cast %reduce_sum3A_162 : vector<1xf32> to vector<1x1x1xf32>
      %reduce_sum3A_164 = vector.extract %reduce_sum3A_163[0, 0, 0] : f32 from vector<1x1x1xf32>
      %add3A_165 = arith.addf %get3A_158, %reduce_sum3A_164 : f32
      %swap3A_166 = arith.constant 1 : index
      %swap3A_167 = memref.load %arg14[%swap3A_166] : memref<10xf32, #tpu.memory_space<smem>>
      memref.store %add3A_165, %arg14[%swap3A_166] : memref<10xf32, #tpu.memory_space<smem>>
      %get3A_168 = arith.constant 1 : index
      %get3A_169 = memref.load %arg15[%get3A_168] : memref<10xf32, #tpu.memory_space<smem>>
      %mul3A_170 = arith.mulf %mul3A_60, %select_n3A_124 : vector<8x4200xf32>
      %reduce_sum3A_171 = vector.shape_cast %mul3A_170 : vector<8x4200xf32> to vector<1x8x4200xf32>
      %reduce_sum3A_172 = arith.constant dense<0.000000e+00> : vector<1xf32>
      %reduce_sum3A_173 = vector.multi_reduction <add>, %reduce_sum3A_171, %reduce_sum3A_172 [1, 2] : vector<1x8x4200xf32> to vector<1xf32>
      %reduce_sum3A_174 = vector.shape_cast %reduce_sum3A_173 : vector<1xf32> to vector<1x1x1xf32>
      %reduce_sum3A_175 = vector.extract %reduce_sum3A_174[0, 0, 0] : f32 from vector<1x1x1xf32>
      %add3A_176 = arith.addf %get3A_169, %reduce_sum3A_175 : f32
      %swap3A_177 = arith.constant 1 : index
      %swap3A_178 = memref.load %arg15[%swap3A_177] : memref<10xf32, #tpu.memory_space<smem>>
      memref.store %add3A_176, %arg15[%swap3A_177] : memref<10xf32, #tpu.memory_space<smem>>
      %eq3A_179 = arith.constant 2 : i32
      %eq3A_180 = vector.broadcast %eq3A_179 : i32 to vector<8x4200xi32>
      %eq3A_181 = arith.cmpi eq, %select_n3A, %eq3A_180 : vector<8x4200xi32>
      %jit3A_182 = arith.constant 0.000000e+00 : f32
      %broadcast_in_dim3A_183 = vector.broadcast %jit3A_182 : f32 to vector<8x4200xf32>
      %select_n3A_184 = arith.select %eq3A_181, %get3A_48, %broadcast_in_dim3A_183 : vector<8x4200xi1>, vector<8x4200xf32>
      %get3A_185 = arith.constant 2 : index
      %get3A_186 = memref.load %arg11[%get3A_185] : memref<10xf32, #tpu.memory_space<smem>>
      %reduce_sum3A_187 = vector.shape_cast %select_n3A_184 : vector<8x4200xf32> to vector<1x8x4200xf32>
      %reduce_sum3A_188 = arith.constant dense<0.000000e+00> : vector<1xf32>
      %reduce_sum3A_189 = vector.multi_reduction <add>, %reduce_sum3A_187, %reduce_sum3A_188 [1, 2] : vector<1x8x4200xf32> to vector<1xf32>
      %reduce_sum3A_190 = vector.shape_cast %reduce_sum3A_189 : vector<1xf32> to vector<1x1x1xf32>
      %reduce_sum3A_191 = vector.extract %reduce_sum3A_190[0, 0, 0] : f32 from vector<1x1x1xf32>
      %add3A_192 = arith.addf %get3A_186, %reduce_sum3A_191 : f32
      %swap3A_193 = arith.constant 2 : index
      %swap3A_194 = memref.load %arg11[%swap3A_193] : memref<10xf32, #tpu.memory_space<smem>>
      memref.store %add3A_192, %arg11[%swap3A_193] : memref<10xf32, #tpu.memory_space<smem>>
      %get3A_195 = arith.constant 2 : index
      %get3A_196 = memref.load %arg12[%get3A_195] : memref<10xf32, #tpu.memory_space<smem>>
      %mul3A_197 = arith.mulf %get3A_53, %select_n3A_184 : vector<8x4200xf32>
      %reduce_sum3A_198 = vector.shape_cast %mul3A_197 : vector<8x4200xf32> to vector<1x8x4200xf32>
      %reduce_sum3A_199 = arith.constant dense<0.000000e+00> : vector<1xf32>
      %reduce_sum3A_200 = vector.multi_reduction <add>, %reduce_sum3A_198, %reduce_sum3A_199 [1, 2] : vector<1x8x4200xf32> to vector<1xf32>
      %reduce_sum3A_201 = vector.shape_cast %reduce_sum3A_200 : vector<1xf32> to vector<1x1x1xf32>
      %reduce_sum3A_202 = vector.extract %reduce_sum3A_201[0, 0, 0] : f32 from vector<1x1x1xf32>
      %add3A_203 = arith.addf %get3A_196, %reduce_sum3A_202 : f32
      %swap3A_204 = arith.constant 2 : index
      %swap3A_205 = memref.load %arg12[%swap3A_204] : memref<10xf32, #tpu.memory_space<smem>>
      memref.store %add3A_203, %arg12[%swap3A_204] : memref<10xf32, #tpu.memory_space<smem>>
      %get3A_206 = arith.constant 2 : index
      %get3A_207 = memref.load %arg13[%get3A_206] : memref<10xf32, #tpu.memory_space<smem>>
      %mul3A_208 = arith.mulf %mul3A_59, %select_n3A_184 : vector<8x4200xf32>
      %reduce_sum3A_209 = vector.shape_cast %mul3A_208 : vector<8x4200xf32> to vector<1x8x4200xf32>
      %reduce_sum3A_210 = arith.constant dense<0.000000e+00> : vector<1xf32>
      %reduce_sum3A_211 = vector.multi_reduction <add>, %reduce_sum3A_209, %reduce_sum3A_210 [1, 2] : vector<1x8x4200xf32> to vector<1xf32>
      %reduce_sum3A_212 = vector.shape_cast %reduce_sum3A_211 : vector<1xf32> to vector<1x1x1xf32>
      %reduce_sum3A_213 = vector.extract %reduce_sum3A_212[0, 0, 0] : f32 from vector<1x1x1xf32>
      %add3A_214 = arith.addf %get3A_207, %reduce_sum3A_213 : f32
      %swap3A_215 = arith.constant 2 : index
      %swap3A_216 = memref.load %arg13[%swap3A_215] : memref<10xf32, #tpu.memory_space<smem>>
      memref.store %add3A_214, %arg13[%swap3A_215] : memref<10xf32, #tpu.memory_space<smem>>
      %get3A_217 = arith.constant 2 : index
      %get3A_218 = memref.load %arg14[%get3A_217] : memref<10xf32, #tpu.memory_space<smem>>
      %mul3A_219 = arith.mulf %get3A_58, %select_n3A_184 : vector<8x4200xf32>
      %reduce_sum3A_220 = vector.shape_cast %mul3A_219 : vector<8x4200xf32> to vector<1x8x4200xf32>
      %reduce_sum3A_221 = arith.constant dense<0.000000e+00> : vector<1xf32>
      %reduce_sum3A_222 = vector.multi_reduction <add>, %reduce_sum3A_220, %reduce_sum3A_221 [1, 2] : vector<1x8x4200xf32> to vector<1xf32>
      %reduce_sum3A_223 = vector.shape_cast %reduce_sum3A_222 : vector<1xf32> to vector<1x1x1xf32>
      %reduce_sum3A_224 = vector.extract %reduce_sum3A_223[0, 0, 0] : f32 from vector<1x1x1xf32>
      %add3A_225 = arith.addf %get3A_218, %reduce_sum3A_224 : f32
      %swap3A_226 = arith.constant 2 : index
      %swap3A_227 = memref.load %arg14[%swap3A_226] : memref<10xf32, #tpu.memory_space<smem>>
      memref.store %add3A_225, %arg14[%swap3A_226] : memref<10xf32, #tpu.memory_space<smem>>
      %get3A_228 = arith.constant 2 : index
      %get3A_229 = memref.load %arg15[%get3A_228] : memref<10xf32, #tpu.memory_space<smem>>
      %mul3A_230 = arith.mulf %mul3A_60, %select_n3A_184 : vector<8x4200xf32>
      %reduce_sum3A_231 = vector.shape_cast %mul3A_230 : vector<8x4200xf32> to vector<1x8x4200xf32>
      %reduce_sum3A_232 = arith.constant dense<0.000000e+00> : vector<1xf32>
      %reduce_sum3A_233 = vector.multi_reduction <add>, %reduce_sum3A_231, %reduce_sum3A_232 [1, 2] : vector<1x8x4200xf32> to vector<1xf32>
      %reduce_sum3A_234 = vector.shape_cast %reduce_sum3A_233 : vector<1xf32> to vector<1x1x1xf32>
      %reduce_sum3A_235 = vector.extract %reduce_sum3A_234[0, 0, 0] : f32 from vector<1x1x1xf32>
      %add3A_236 = arith.addf %get3A_229, %reduce_sum3A_235 : f32
      %swap3A_237 = arith.constant 2 : index
      %swap3A_238 = memref.load %arg15[%swap3A_237] : memref<10xf32, #tpu.memory_space<smem>>
      memref.store %add3A_236, %arg15[%swap3A_237] : memref<10xf32, #tpu.memory_space<smem>>
      %eq3A_239 = arith.constant 3 : i32
      %eq3A_240 = vector.broadcast %eq3A_239 : i32 to vector<8x4200xi32>
      %eq3A_241 = arith.cmpi eq, %select_n3A, %eq3A_240 : vector<8x4200xi32>
      %jit3A_242 = arith.constant 0.000000e+00 : f32
      %broadcast_in_dim3A_243 = vector.broadcast %jit3A_242 : f32 to vector<8x4200xf32>
      %select_n3A_244 = arith.select %eq3A_241, %get3A_48, %broadcast_in_dim3A_243 : vector<8x4200xi1>, vector<8x4200xf32>
      %get3A_245 = arith.constant 3 : index
      %get3A_246 = memref.load %arg11[%get3A_245] : memref<10xf32, #tpu.memory_space<smem>>
      %reduce_sum3A_247 = vector.shape_cast %select_n3A_244 : vector<8x4200xf32> to vector<1x8x4200xf32>
      %reduce_sum3A_248 = arith.constant dense<0.000000e+00> : vector<1xf32>
      %reduce_sum3A_249 = vector.multi_reduction <add>, %reduce_sum3A_247, %reduce_sum3A_248 [1, 2] : vector<1x8x4200xf32> to vector<1xf32>
      %reduce_sum3A_250 = vector.shape_cast %reduce_sum3A_249 : vector<1xf32> to vector<1x1x1xf32>
      %reduce_sum3A_251 = vector.extract %reduce_sum3A_250[0, 0, 0] : f32 from vector<1x1x1xf32>
      %add3A_252 = arith.addf %get3A_246, %reduce_sum3A_251 : f32
      %swap3A_253 = arith.constant 3 : index
      %swap3A_254 = memref.load %arg11[%swap3A_253] : memref<10xf32, #tpu.memory_space<smem>>
      memref.store %add3A_252, %arg11[%swap3A_253] : memref<10xf32, #tpu.memory_space<smem>>
      %get3A_255 = arith.constant 3 : index
      %get3A_256 = memref.load %arg12[%get3A_255] : memref<10xf32, #tpu.memory_space<smem>>
      %mul3A_257 = arith.mulf %get3A_53, %select_n3A_244 : vector<8x4200xf32>
      %reduce_sum3A_258 = vector.shape_cast %mul3A_257 : vector<8x4200xf32> to vector<1x8x4200xf32>
      %reduce_sum3A_259 = arith.constant dense<0.000000e+00> : vector<1xf32>
      %reduce_sum3A_260 = vector.multi_reduction <add>, %reduce_sum3A_258, %reduce_sum3A_259 [1, 2] : vector<1x8x4200xf32> to vector<1xf32>
      %reduce_sum3A_261 = vector.shape_cast %reduce_sum3A_260 : vector<1xf32> to vector<1x1x1xf32>
      %reduce_sum3A_262 = vector.extract %reduce_sum3A_261[0, 0, 0] : f32 from vector<1x1x1xf32>
      %add3A_263 = arith.addf %get3A_256, %reduce_sum3A_262 : f32
      %swap3A_264 = arith.constant 3 : index
      %swap3A_265 = memref.load %arg12[%swap3A_264] : memref<10xf32, #tpu.memory_space<smem>>
      memref.store %add3A_263, %arg12[%swap3A_264] : memref<10xf32, #tpu.memory_space<smem>>
      %get3A_266 = arith.constant 3 : index
      %get3A_267 = memref.load %arg13[%get3A_266] : memref<10xf32, #tpu.memory_space<smem>>
      %mul3A_268 = arith.mulf %mul3A_59, %select_n3A_244 : vector<8x4200xf32>
      %reduce_sum3A_269 = vector.shape_cast %mul3A_268 : vector<8x4200xf32> to vector<1x8x4200xf32>
      %reduce_sum3A_270 = arith.constant dense<0.000000e+00> : vector<1xf32>
      %reduce_sum3A_271 = vector.multi_reduction <add>, %reduce_sum3A_269, %reduce_sum3A_270 [1, 2] : vector<1x8x4200xf32> to vector<1xf32>
      %reduce_sum3A_272 = vector.shape_cast %reduce_sum3A_271 : vector<1xf32> to vector<1x1x1xf32>
      %reduce_sum3A_273 = vector.extract %reduce_sum3A_272[0, 0, 0] : f32 from vector<1x1x1xf32>
      %add3A_274 = arith.addf %get3A_267, %reduce_sum3A_273 : f32
      %swap3A_275 = arith.constant 3 : index
      %swap3A_276 = memref.load %arg13[%swap3A_275] : memref<10xf32, #tpu.memory_space<smem>>
      memref.store %add3A_274, %arg13[%swap3A_275] : memref<10xf32, #tpu.memory_space<smem>>
      %get3A_277 = arith.constant 3 : index
      %get3A_278 = memref.load %arg14[%get3A_277] : memref<10xf32, #tpu.memory_space<smem>>
      %mul3A_279 = arith.mulf %get3A_58, %select_n3A_244 : vector<8x4200xf32>
      %reduce_sum3A_280 = vector.shape_cast %mul3A_279 : vector<8x4200xf32> to vector<1x8x4200xf32>
      %reduce_sum3A_281 = arith.constant dense<0.000000e+00> : vector<1xf32>
      %reduce_sum3A_282 = vector.multi_reduction <add>, %reduce_sum3A_280, %reduce_sum3A_281 [1, 2] : vector<1x8x4200xf32> to vector<1xf32>
      %reduce_sum3A_283 = vector.shape_cast %reduce_sum3A_282 : vector<1xf32> to vector<1x1x1xf32>
      %reduce_sum3A_284 = vector.extract %reduce_sum3A_283[0, 0, 0] : f32 from vector<1x1x1xf32>
      %add3A_285 = arith.addf %get3A_278, %reduce_sum3A_284 : f32
      %swap3A_286 = arith.constant 3 : index
      %swap3A_287 = memref.load %arg14[%swap3A_286] : memref<10xf32, #tpu.memory_space<smem>>
      memref.store %add3A_285, %arg14[%swap3A_286] : memref<10xf32, #tpu.memory_space<smem>>
      %get3A_288 = arith.constant 3 : index
      %get3A_289 = memref.load %arg15[%get3A_288] : memref<10xf32, #tpu.memory_space<smem>>
      %mul3A_290 = arith.mulf %mul3A_60, %select_n3A_244 : vector<8x4200xf32>
      %reduce_sum3A_291 = vector.shape_cast %mul3A_290 : vector<8x4200xf32> to vector<1x8x4200xf32>
      %reduce_sum3A_292 = arith.constant dense<0.000000e+00> : vector<1xf32>
      %reduce_sum3A_293 = vector.multi_reduction <add>, %reduce_sum3A_291, %reduce_sum3A_292 [1, 2] : vector<1x8x4200xf32> to vector<1xf32>
      %reduce_sum3A_294 = vector.shape_cast %reduce_sum3A_293 : vector<1xf32> to vector<1x1x1xf32>
      %reduce_sum3A_295 = vector.extract %reduce_sum3A_294[0, 0, 0] : f32 from vector<1x1x1xf32>
      %add3A_296 = arith.addf %get3A_289, %reduce_sum3A_295 : f32
      %swap3A_297 = arith.constant 3 : index
      %swap3A_298 = memref.load %arg15[%swap3A_297] : memref<10xf32, #tpu.memory_space<smem>>
      memref.store %add3A_296, %arg15[%swap3A_297] : memref<10xf32, #tpu.memory_space<smem>>
      %eq3A_299 = arith.constant 4 : i32
      %eq3A_300 = vector.broadcast %eq3A_299 : i32 to vector<8x4200xi32>
      %eq3A_301 = arith.cmpi eq, %select_n3A, %eq3A_300 : vector<8x4200xi32>
      %jit3A_302 = arith.constant 0.000000e+00 : f32
      %broadcast_in_dim3A_303 = vector.broadcast %jit3A_302 : f32 to vector<8x4200xf32>
      %select_n3A_304 = arith.select %eq3A_301, %get3A_48, %broadcast_in_dim3A_303 : vector<8x4200xi1>, vector<8x4200xf32>
      %get3A_305 = arith.constant 4 : index
      %get3A_306 = memref.load %arg11[%get3A_305] : memref<10xf32, #tpu.memory_space<smem>>
      %reduce_sum3A_307 = vector.shape_cast %select_n3A_304 : vector<8x4200xf32> to vector<1x8x4200xf32>
      %reduce_sum3A_308 = arith.constant dense<0.000000e+00> : vector<1xf32>
      %reduce_sum3A_309 = vector.multi_reduction <add>, %reduce_sum3A_307, %reduce_sum3A_308 [1, 2] : vector<1x8x4200xf32> to vector<1xf32>
      %reduce_sum3A_310 = vector.shape_cast %reduce_sum3A_309 : vector<1xf32> to vector<1x1x1xf32>
      %reduce_sum3A_311 = vector.extract %reduce_sum3A_310[0, 0, 0] : f32 from vector<1x1x1xf32>
      %add3A_312 = arith.addf %get3A_306, %reduce_sum3A_311 : f32
      %swap3A_313 = arith.constant 4 : index
      %swap3A_314 = memref.load %arg11[%swap3A_313] : memref<10xf32, #tpu.memory_space<smem>>
      memref.store %add3A_312, %arg11[%swap3A_313] : memref<10xf32, #tpu.memory_space<smem>>
      %get3A_315 = arith.constant 4 : index
      %get3A_316 = memref.load %arg12[%get3A_315] : memref<10xf32, #tpu.memory_space<smem>>
      %mul3A_317 = arith.mulf %get3A_53, %select_n3A_304 : vector<8x4200xf32>
      %reduce_sum3A_318 = vector.shape_cast %mul3A_317 : vector<8x4200xf32> to vector<1x8x4200xf32>
      %reduce_sum3A_319 = arith.constant dense<0.000000e+00> : vector<1xf32>
      %reduce_sum3A_320 = vector.multi_reduction <add>, %reduce_sum3A_318, %reduce_sum3A_319 [1, 2] : vector<1x8x4200xf32> to vector<1xf32>
      %reduce_sum3A_321 = vector.shape_cast %reduce_sum3A_320 : vector<1xf32> to vector<1x1x1xf32>
      %reduce_sum3A_322 = vector.extract %reduce_sum3A_321[0, 0, 0] : f32 from vector<1x1x1xf32>
      %add3A_323 = arith.addf %get3A_316, %reduce_sum3A_322 : f32
      %swap3A_324 = arith.constant 4 : index
      %swap3A_325 = memref.load %arg12[%swap3A_324] : memref<10xf32, #tpu.memory_space<smem>>
      memref.store %add3A_323, %arg12[%swap3A_324] : memref<10xf32, #tpu.memory_space<smem>>
      %get3A_326 = arith.constant 4 : index
      %get3A_327 = memref.load %arg13[%get3A_326] : memref<10xf32, #tpu.memory_space<smem>>
      %mul3A_328 = arith.mulf %mul3A_59, %select_n3A_304 : vector<8x4200xf32>
      %reduce_sum3A_329 = vector.shape_cast %mul3A_328 : vector<8x4200xf32> to vector<1x8x4200xf32>
      %reduce_sum3A_330 = arith.constant dense<0.000000e+00> : vector<1xf32>
      %reduce_sum3A_331 = vector.multi_reduction <add>, %reduce_sum3A_329, %reduce_sum3A_330 [1, 2] : vector<1x8x4200xf32> to vector<1xf32>
      %reduce_sum3A_332 = vector.shape_cast %reduce_sum3A_331 : vector<1xf32> to vector<1x1x1xf32>
      %reduce_sum3A_333 = vector.extract %reduce_sum3A_332[0, 0, 0] : f32 from vector<1x1x1xf32>
      %add3A_334 = arith.addf %get3A_327, %reduce_sum3A_333 : f32
      %swap3A_335 = arith.constant 4 : index
      %swap3A_336 = memref.load %arg13[%swap3A_335] : memref<10xf32, #tpu.memory_space<smem>>
      memref.store %add3A_334, %arg13[%swap3A_335] : memref<10xf32, #tpu.memory_space<smem>>
      %get3A_337 = arith.constant 4 : index
      %get3A_338 = memref.load %arg14[%get3A_337] : memref<10xf32, #tpu.memory_space<smem>>
      %mul3A_339 = arith.mulf %get3A_58, %select_n3A_304 : vector<8x4200xf32>
      %reduce_sum3A_340 = vector.shape_cast %mul3A_339 : vector<8x4200xf32> to vector<1x8x4200xf32>
      %reduce_sum3A_341 = arith.constant dense<0.000000e+00> : vector<1xf32>
      %reduce_sum3A_342 = vector.multi_reduction <add>, %reduce_sum3A_340, %reduce_sum3A_341 [1, 2] : vector<1x8x4200xf32> to vector<1xf32>
      %reduce_sum3A_343 = vector.shape_cast %reduce_sum3A_342 : vector<1xf32> to vector<1x1x1xf32>
      %reduce_sum3A_344 = vector.extract %reduce_sum3A_343[0, 0, 0] : f32 from vector<1x1x1xf32>
      %add3A_345 = arith.addf %get3A_338, %reduce_sum3A_344 : f32
      %swap3A_346 = arith.constant 4 : index
      %swap3A_347 = memref.load %arg14[%swap3A_346] : memref<10xf32, #tpu.memory_space<smem>>
      memref.store %add3A_345, %arg14[%swap3A_346] : memref<10xf32, #tpu.memory_space<smem>>
      %get3A_348 = arith.constant 4 : index
      %get3A_349 = memref.load %arg15[%get3A_348] : memref<10xf32, #tpu.memory_space<smem>>
      %mul3A_350 = arith.mulf %mul3A_60, %select_n3A_304 : vector<8x4200xf32>
      %reduce_sum3A_351 = vector.shape_cast %mul3A_350 : vector<8x4200xf32> to vector<1x8x4200xf32>
      %reduce_sum3A_352 = arith.constant dense<0.000000e+00> : vector<1xf32>
      %reduce_sum3A_353 = vector.multi_reduction <add>, %reduce_sum3A_351, %reduce_sum3A_352 [1, 2] : vector<1x8x4200xf32> to vector<1xf32>
      %reduce_sum3A_354 = vector.shape_cast %reduce_sum3A_353 : vector<1xf32> to vector<1x1x1xf32>
      %reduce_sum3A_355 = vector.extract %reduce_sum3A_354[0, 0, 0] : f32 from vector<1x1x1xf32>
      %add3A_356 = arith.addf %get3A_349, %reduce_sum3A_355 : f32
      %swap3A_357 = arith.constant 4 : index
      %swap3A_358 = memref.load %arg15[%swap3A_357] : memref<10xf32, #tpu.memory_space<smem>>
      memref.store %add3A_356, %arg15[%swap3A_357] : memref<10xf32, #tpu.memory_space<smem>>
      %eq3A_359 = arith.constant 5 : i32
      %eq3A_360 = vector.broadcast %eq3A_359 : i32 to vector<8x4200xi32>
      %eq3A_361 = arith.cmpi eq, %select_n3A, %eq3A_360 : vector<8x4200xi32>
      %jit3A_362 = arith.constant 0.000000e+00 : f32
      %broadcast_in_dim3A_363 = vector.broadcast %jit3A_362 : f32 to vector<8x4200xf32>
      %select_n3A_364 = arith.select %eq3A_361, %get3A_48, %broadcast_in_dim3A_363 : vector<8x4200xi1>, vector<8x4200xf32>
      %get3A_365 = arith.constant 5 : index
      %get3A_366 = memref.load %arg11[%get3A_365] : memref<10xf32, #tpu.memory_space<smem>>
      %reduce_sum3A_367 = vector.shape_cast %select_n3A_364 : vector<8x4200xf32> to vector<1x8x4200xf32>
      %reduce_sum3A_368 = arith.constant dense<0.000000e+00> : vector<1xf32>
      %reduce_sum3A_369 = vector.multi_reduction <add>, %reduce_sum3A_367, %reduce_sum3A_368 [1, 2] : vector<1x8x4200xf32> to vector<1xf32>
      %reduce_sum3A_370 = vector.shape_cast %reduce_sum3A_369 : vector<1xf32> to vector<1x1x1xf32>
      %reduce_sum3A_371 = vector.extract %reduce_sum3A_370[0, 0, 0] : f32 from vector<1x1x1xf32>
      %add3A_372 = arith.addf %get3A_366, %reduce_sum3A_371 : f32
      %swap3A_373 = arith.constant 5 : index
      %swap3A_374 = memref.load %arg11[%swap3A_373] : memref<10xf32, #tpu.memory_space<smem>>
      memref.store %add3A_372, %arg11[%swap3A_373] : memref<10xf32, #tpu.memory_space<smem>>
      %get3A_375 = arith.constant 5 : index
      %get3A_376 = memref.load %arg12[%get3A_375] : memref<10xf32, #tpu.memory_space<smem>>
      %mul3A_377 = arith.mulf %get3A_53, %select_n3A_364 : vector<8x4200xf32>
      %reduce_sum3A_378 = vector.shape_cast %mul3A_377 : vector<8x4200xf32> to vector<1x8x4200xf32>
      %reduce_sum3A_379 = arith.constant dense<0.000000e+00> : vector<1xf32>
      %reduce_sum3A_380 = vector.multi_reduction <add>, %reduce_sum3A_378, %reduce_sum3A_379 [1, 2] : vector<1x8x4200xf32> to vector<1xf32>
      %reduce_sum3A_381 = vector.shape_cast %reduce_sum3A_380 : vector<1xf32> to vector<1x1x1xf32>
      %reduce_sum3A_382 = vector.extract %reduce_sum3A_381[0, 0, 0] : f32 from vector<1x1x1xf32>
      %add3A_383 = arith.addf %get3A_376, %reduce_sum3A_382 : f32
      %swap3A_384 = arith.constant 5 : index
      %swap3A_385 = memref.load %arg12[%swap3A_384] : memref<10xf32, #tpu.memory_space<smem>>
      memref.store %add3A_383, %arg12[%swap3A_384] : memref<10xf32, #tpu.memory_space<smem>>
      %get3A_386 = arith.constant 5 : index
      %get3A_387 = memref.load %arg13[%get3A_386] : memref<10xf32, #tpu.memory_space<smem>>
      %mul3A_388 = arith.mulf %mul3A_59, %select_n3A_364 : vector<8x4200xf32>
      %reduce_sum3A_389 = vector.shape_cast %mul3A_388 : vector<8x4200xf32> to vector<1x8x4200xf32>
      %reduce_sum3A_390 = arith.constant dense<0.000000e+00> : vector<1xf32>
      %reduce_sum3A_391 = vector.multi_reduction <add>, %reduce_sum3A_389, %reduce_sum3A_390 [1, 2] : vector<1x8x4200xf32> to vector<1xf32>
      %reduce_sum3A_392 = vector.shape_cast %reduce_sum3A_391 : vector<1xf32> to vector<1x1x1xf32>
      %reduce_sum3A_393 = vector.extract %reduce_sum3A_392[0, 0, 0] : f32 from vector<1x1x1xf32>
      %add3A_394 = arith.addf %get3A_387, %reduce_sum3A_393 : f32
      %swap3A_395 = arith.constant 5 : index
      %swap3A_396 = memref.load %arg13[%swap3A_395] : memref<10xf32, #tpu.memory_space<smem>>
      memref.store %add3A_394, %arg13[%swap3A_395] : memref<10xf32, #tpu.memory_space<smem>>
      %get3A_397 = arith.constant 5 : index
      %get3A_398 = memref.load %arg14[%get3A_397] : memref<10xf32, #tpu.memory_space<smem>>
      %mul3A_399 = arith.mulf %get3A_58, %select_n3A_364 : vector<8x4200xf32>
      %reduce_sum3A_400 = vector.shape_cast %mul3A_399 : vector<8x4200xf32> to vector<1x8x4200xf32>
      %reduce_sum3A_401 = arith.constant dense<0.000000e+00> : vector<1xf32>
      %reduce_sum3A_402 = vector.multi_reduction <add>, %reduce_sum3A_400, %reduce_sum3A_401 [1, 2] : vector<1x8x4200xf32> to vector<1xf32>
      %reduce_sum3A_403 = vector.shape_cast %reduce_sum3A_402 : vector<1xf32> to vector<1x1x1xf32>
      %reduce_sum3A_404 = vector.extract %reduce_sum3A_403[0, 0, 0] : f32 from vector<1x1x1xf32>
      %add3A_405 = arith.addf %get3A_398, %reduce_sum3A_404 : f32
      %swap3A_406 = arith.constant 5 : index
      %swap3A_407 = memref.load %arg14[%swap3A_406] : memref<10xf32, #tpu.memory_space<smem>>
      memref.store %add3A_405, %arg14[%swap3A_406] : memref<10xf32, #tpu.memory_space<smem>>
      %get3A_408 = arith.constant 5 : index
      %get3A_409 = memref.load %arg15[%get3A_408] : memref<10xf32, #tpu.memory_space<smem>>
      %mul3A_410 = arith.mulf %mul3A_60, %select_n3A_364 : vector<8x4200xf32>
      %reduce_sum3A_411 = vector.shape_cast %mul3A_410 : vector<8x4200xf32> to vector<1x8x4200xf32>
      %reduce_sum3A_412 = arith.constant dense<0.000000e+00> : vector<1xf32>
      %reduce_sum3A_413 = vector.multi_reduction <add>, %reduce_sum3A_411, %reduce_sum3A_412 [1, 2] : vector<1x8x4200xf32> to vector<1xf32>
      %reduce_sum3A_414 = vector.shape_cast %reduce_sum3A_413 : vector<1xf32> to vector<1x1x1xf32>
      %reduce_sum3A_415 = vector.extract %reduce_sum3A_414[0, 0, 0] : f32 from vector<1x1x1xf32>
      %add3A_416 = arith.addf %get3A_409, %reduce_sum3A_415 : f32
      %swap3A_417 = arith.constant 5 : index
      %swap3A_418 = memref.load %arg15[%swap3A_417] : memref<10xf32, #tpu.memory_space<smem>>
      memref.store %add3A_416, %arg15[%swap3A_417] : memref<10xf32, #tpu.memory_space<smem>>
      %eq3A_419 = arith.constant 6 : i32
      %eq3A_420 = vector.broadcast %eq3A_419 : i32 to vector<8x4200xi32>
      %eq3A_421 = arith.cmpi eq, %select_n3A, %eq3A_420 : vector<8x4200xi32>
      %jit3A_422 = arith.constant 0.000000e+00 : f32
      %broadcast_in_dim3A_423 = vector.broadcast %jit3A_422 : f32 to vector<8x4200xf32>
      %select_n3A_424 = arith.select %eq3A_421, %get3A_48, %broadcast_in_dim3A_423 : vector<8x4200xi1>, vector<8x4200xf32>
      %get3A_425 = arith.constant 6 : index
      %get3A_426 = memref.load %arg11[%get3A_425] : memref<10xf32, #tpu.memory_space<smem>>
      %reduce_sum3A_427 = vector.shape_cast %select_n3A_424 : vector<8x4200xf32> to vector<1x8x4200xf32>
      %reduce_sum3A_428 = arith.constant dense<0.000000e+00> : vector<1xf32>
      %reduce_sum3A_429 = vector.multi_reduction <add>, %reduce_sum3A_427, %reduce_sum3A_428 [1, 2] : vector<1x8x4200xf32> to vector<1xf32>
      %reduce_sum3A_430 = vector.shape_cast %reduce_sum3A_429 : vector<1xf32> to vector<1x1x1xf32>
      %reduce_sum3A_431 = vector.extract %reduce_sum3A_430[0, 0, 0] : f32 from vector<1x1x1xf32>
      %add3A_432 = arith.addf %get3A_426, %reduce_sum3A_431 : f32
      %swap3A_433 = arith.constant 6 : index
      %swap3A_434 = memref.load %arg11[%swap3A_433] : memref<10xf32, #tpu.memory_space<smem>>
      memref.store %add3A_432, %arg11[%swap3A_433] : memref<10xf32, #tpu.memory_space<smem>>
      %get3A_435 = arith.constant 6 : index
      %get3A_436 = memref.load %arg12[%get3A_435] : memref<10xf32, #tpu.memory_space<smem>>
      %mul3A_437 = arith.mulf %get3A_53, %select_n3A_424 : vector<8x4200xf32>
      %reduce_sum3A_438 = vector.shape_cast %mul3A_437 : vector<8x4200xf32> to vector<1x8x4200xf32>
      %reduce_sum3A_439 = arith.constant dense<0.000000e+00> : vector<1xf32>
      %reduce_sum3A_440 = vector.multi_reduction <add>, %reduce_sum3A_438, %reduce_sum3A_439 [1, 2] : vector<1x8x4200xf32> to vector<1xf32>
      %reduce_sum3A_441 = vector.shape_cast %reduce_sum3A_440 : vector<1xf32> to vector<1x1x1xf32>
      %reduce_sum3A_442 = vector.extract %reduce_sum3A_441[0, 0, 0] : f32 from vector<1x1x1xf32>
      %add3A_443 = arith.addf %get3A_436, %reduce_sum3A_442 : f32
      %swap3A_444 = arith.constant 6 : index
      %swap3A_445 = memref.load %arg12[%swap3A_444] : memref<10xf32, #tpu.memory_space<smem>>
      memref.store %add3A_443, %arg12[%swap3A_444] : memref<10xf32, #tpu.memory_space<smem>>
      %get3A_446 = arith.constant 6 : index
      %get3A_447 = memref.load %arg13[%get3A_446] : memref<10xf32, #tpu.memory_space<smem>>
      %mul3A_448 = arith.mulf %mul3A_59, %select_n3A_424 : vector<8x4200xf32>
      %reduce_sum3A_449 = vector.shape_cast %mul3A_448 : vector<8x4200xf32> to vector<1x8x4200xf32>
      %reduce_sum3A_450 = arith.constant dense<0.000000e+00> : vector<1xf32>
      %reduce_sum3A_451 = vector.multi_reduction <add>, %reduce_sum3A_449, %reduce_sum3A_450 [1, 2] : vector<1x8x4200xf32> to vector<1xf32>
      %reduce_sum3A_452 = vector.shape_cast %reduce_sum3A_451 : vector<1xf32> to vector<1x1x1xf32>
      %reduce_sum3A_453 = vector.extract %reduce_sum3A_452[0, 0, 0] : f32 from vector<1x1x1xf32>
      %add3A_454 = arith.addf %get3A_447, %reduce_sum3A_453 : f32
      %swap3A_455 = arith.constant 6 : index
      %swap3A_456 = memref.load %arg13[%swap3A_455] : memref<10xf32, #tpu.memory_space<smem>>
      memref.store %add3A_454, %arg13[%swap3A_455] : memref<10xf32, #tpu.memory_space<smem>>
      %get3A_457 = arith.constant 6 : index
      %get3A_458 = memref.load %arg14[%get3A_457] : memref<10xf32, #tpu.memory_space<smem>>
      %mul3A_459 = arith.mulf %get3A_58, %select_n3A_424 : vector<8x4200xf32>
      %reduce_sum3A_460 = vector.shape_cast %mul3A_459 : vector<8x4200xf32> to vector<1x8x4200xf32>
      %reduce_sum3A_461 = arith.constant dense<0.000000e+00> : vector<1xf32>
      %reduce_sum3A_462 = vector.multi_reduction <add>, %reduce_sum3A_460, %reduce_sum3A_461 [1, 2] : vector<1x8x4200xf32> to vector<1xf32>
      %reduce_sum3A_463 = vector.shape_cast %reduce_sum3A_462 : vector<1xf32> to vector<1x1x1xf32>
      %reduce_sum3A_464 = vector.extract %reduce_sum3A_463[0, 0, 0] : f32 from vector<1x1x1xf32>
      %add3A_465 = arith.addf %get3A_458, %reduce_sum3A_464 : f32
      %swap3A_466 = arith.constant 6 : index
      %swap3A_467 = memref.load %arg14[%swap3A_466] : memref<10xf32, #tpu.memory_space<smem>>
      memref.store %add3A_465, %arg14[%swap3A_466] : memref<10xf32, #tpu.memory_space<smem>>
      %get3A_468 = arith.constant 6 : index
      %get3A_469 = memref.load %arg15[%get3A_468] : memref<10xf32, #tpu.memory_space<smem>>
      %mul3A_470 = arith.mulf %mul3A_60, %select_n3A_424 : vector<8x4200xf32>
      %reduce_sum3A_471 = vector.shape_cast %mul3A_470 : vector<8x4200xf32> to vector<1x8x4200xf32>
      %reduce_sum3A_472 = arith.constant dense<0.000000e+00> : vector<1xf32>
      %reduce_sum3A_473 = vector.multi_reduction <add>, %reduce_sum3A_471, %reduce_sum3A_472 [1, 2] : vector<1x8x4200xf32> to vector<1xf32>
      %reduce_sum3A_474 = vector.shape_cast %reduce_sum3A_473 : vector<1xf32> to vector<1x1x1xf32>
      %reduce_sum3A_475 = vector.extract %reduce_sum3A_474[0, 0, 0] : f32 from vector<1x1x1xf32>
      %add3A_476 = arith.addf %get3A_469, %reduce_sum3A_475 : f32
      %swap3A_477 = arith.constant 6 : index
      %swap3A_478 = memref.load %arg15[%swap3A_477] : memref<10xf32, #tpu.memory_space<smem>>
      memref.store %add3A_476, %arg15[%swap3A_477] : memref<10xf32, #tpu.memory_space<smem>>
      %eq3A_479 = arith.constant 7 : i32
      %eq3A_480 = vector.broadcast %eq3A_479 : i32 to vector<8x4200xi32>
      %eq3A_481 = arith.cmpi eq, %select_n3A, %eq3A_480 : vector<8x4200xi32>
      %jit3A_482 = arith.constant 0.000000e+00 : f32
      %broadcast_in_dim3A_483 = vector.broadcast %jit3A_482 : f32 to vector<8x4200xf32>
      %select_n3A_484 = arith.select %eq3A_481, %get3A_48, %broadcast_in_dim3A_483 : vector<8x4200xi1>, vector<8x4200xf32>
      %get3A_485 = arith.constant 7 : index
      %get3A_486 = memref.load %arg11[%get3A_485] : memref<10xf32, #tpu.memory_space<smem>>
      %reduce_sum3A_487 = vector.shape_cast %select_n3A_484 : vector<8x4200xf32> to vector<1x8x4200xf32>
      %reduce_sum3A_488 = arith.constant dense<0.000000e+00> : vector<1xf32>
      %reduce_sum3A_489 = vector.multi_reduction <add>, %reduce_sum3A_487, %reduce_sum3A_488 [1, 2] : vector<1x8x4200xf32> to vector<1xf32>
      %reduce_sum3A_490 = vector.shape_cast %reduce_sum3A_489 : vector<1xf32> to vector<1x1x1xf32>
      %reduce_sum3A_491 = vector.extract %reduce_sum3A_490[0, 0, 0] : f32 from vector<1x1x1xf32>
      %add3A_492 = arith.addf %get3A_486, %reduce_sum3A_491 : f32
      %swap3A_493 = arith.constant 7 : index
      %swap3A_494 = memref.load %arg11[%swap3A_493] : memref<10xf32, #tpu.memory_space<smem>>
      memref.store %add3A_492, %arg11[%swap3A_493] : memref<10xf32, #tpu.memory_space<smem>>
      %get3A_495 = arith.constant 7 : index
      %get3A_496 = memref.load %arg12[%get3A_495] : memref<10xf32, #tpu.memory_space<smem>>
      %mul3A_497 = arith.mulf %get3A_53, %select_n3A_484 : vector<8x4200xf32>
      %reduce_sum3A_498 = vector.shape_cast %mul3A_497 : vector<8x4200xf32> to vector<1x8x4200xf32>
      %reduce_sum3A_499 = arith.constant dense<0.000000e+00> : vector<1xf32>
      %reduce_sum3A_500 = vector.multi_reduction <add>, %reduce_sum3A_498, %reduce_sum3A_499 [1, 2] : vector<1x8x4200xf32> to vector<1xf32>
      %reduce_sum3A_501 = vector.shape_cast %reduce_sum3A_500 : vector<1xf32> to vector<1x1x1xf32>
      %reduce_sum3A_502 = vector.extract %reduce_sum3A_501[0, 0, 0] : f32 from vector<1x1x1xf32>
      %add3A_503 = arith.addf %get3A_496, %reduce_sum3A_502 : f32
      %swap3A_504 = arith.constant 7 : index
      %swap3A_505 = memref.load %arg12[%swap3A_504] : memref<10xf32, #tpu.memory_space<smem>>
      memref.store %add3A_503, %arg12[%swap3A_504] : memref<10xf32, #tpu.memory_space<smem>>
      %get3A_506 = arith.constant 7 : index
      %get3A_507 = memref.load %arg13[%get3A_506] : memref<10xf32, #tpu.memory_space<smem>>
      %mul3A_508 = arith.mulf %mul3A_59, %select_n3A_484 : vector<8x4200xf32>
      %reduce_sum3A_509 = vector.shape_cast %mul3A_508 : vector<8x4200xf32> to vector<1x8x4200xf32>
      %reduce_sum3A_510 = arith.constant dense<0.000000e+00> : vector<1xf32>
      %reduce_sum3A_511 = vector.multi_reduction <add>, %reduce_sum3A_509, %reduce_sum3A_510 [1, 2] : vector<1x8x4200xf32> to vector<1xf32>
      %reduce_sum3A_512 = vector.shape_cast %reduce_sum3A_511 : vector<1xf32> to vector<1x1x1xf32>
      %reduce_sum3A_513 = vector.extract %reduce_sum3A_512[0, 0, 0] : f32 from vector<1x1x1xf32>
      %add3A_514 = arith.addf %get3A_507, %reduce_sum3A_513 : f32
      %swap3A_515 = arith.constant 7 : index
      %swap3A_516 = memref.load %arg13[%swap3A_515] : memref<10xf32, #tpu.memory_space<smem>>
      memref.store %add3A_514, %arg13[%swap3A_515] : memref<10xf32, #tpu.memory_space<smem>>
      %get3A_517 = arith.constant 7 : index
      %get3A_518 = memref.load %arg14[%get3A_517] : memref<10xf32, #tpu.memory_space<smem>>
      %mul3A_519 = arith.mulf %get3A_58, %select_n3A_484 : vector<8x4200xf32>
      %reduce_sum3A_520 = vector.shape_cast %mul3A_519 : vector<8x4200xf32> to vector<1x8x4200xf32>
      %reduce_sum3A_521 = arith.constant dense<0.000000e+00> : vector<1xf32>
      %reduce_sum3A_522 = vector.multi_reduction <add>, %reduce_sum3A_520, %reduce_sum3A_521 [1, 2] : vector<1x8x4200xf32> to vector<1xf32>
      %reduce_sum3A_523 = vector.shape_cast %reduce_sum3A_522 : vector<1xf32> to vector<1x1x1xf32>
      %reduce_sum3A_524 = vector.extract %reduce_sum3A_523[0, 0, 0] : f32 from vector<1x1x1xf32>
      %add3A_525 = arith.addf %get3A_518, %reduce_sum3A_524 : f32
      %swap3A_526 = arith.constant 7 : index
      %swap3A_527 = memref.load %arg14[%swap3A_526] : memref<10xf32, #tpu.memory_space<smem>>
      memref.store %add3A_525, %arg14[%swap3A_526] : memref<10xf32, #tpu.memory_space<smem>>
      %get3A_528 = arith.constant 7 : index
      %get3A_529 = memref.load %arg15[%get3A_528] : memref<10xf32, #tpu.memory_space<smem>>
      %mul3A_530 = arith.mulf %mul3A_60, %select_n3A_484 : vector<8x4200xf32>
      %reduce_sum3A_531 = vector.shape_cast %mul3A_530 : vector<8x4200xf32> to vector<1x8x4200xf32>
      %reduce_sum3A_532 = arith.constant dense<0.000000e+00> : vector<1xf32>
      %reduce_sum3A_533 = vector.multi_reduction <add>, %reduce_sum3A_531, %reduce_sum3A_532 [1, 2] : vector<1x8x4200xf32> to vector<1xf32>
      %reduce_sum3A_534 = vector.shape_cast %reduce_sum3A_533 : vector<1xf32> to vector<1x1x1xf32>
      %reduce_sum3A_535 = vector.extract %reduce_sum3A_534[0, 0, 0] : f32 from vector<1x1x1xf32>
      %add3A_536 = arith.addf %get3A_529, %reduce_sum3A_535 : f32
      %swap3A_537 = arith.constant 7 : index
      %swap3A_538 = memref.load %arg15[%swap3A_537] : memref<10xf32, #tpu.memory_space<smem>>
      memref.store %add3A_536, %arg15[%swap3A_537] : memref<10xf32, #tpu.memory_space<smem>>
      %eq3A_539 = arith.constant 8 : i32
      %eq3A_540 = vector.broadcast %eq3A_539 : i32 to vector<8x4200xi32>
      %eq3A_541 = arith.cmpi eq, %select_n3A, %eq3A_540 : vector<8x4200xi32>
      %jit3A_542 = arith.constant 0.000000e+00 : f32
      %broadcast_in_dim3A_543 = vector.broadcast %jit3A_542 : f32 to vector<8x4200xf32>
      %select_n3A_544 = arith.select %eq3A_541, %get3A_48, %broadcast_in_dim3A_543 : vector<8x4200xi1>, vector<8x4200xf32>
      %get3A_545 = arith.constant 8 : index
      %get3A_546 = memref.load %arg11[%get3A_545] : memref<10xf32, #tpu.memory_space<smem>>
      %reduce_sum3A_547 = vector.shape_cast %select_n3A_544 : vector<8x4200xf32> to vector<1x8x4200xf32>
      %reduce_sum3A_548 = arith.constant dense<0.000000e+00> : vector<1xf32>
      %reduce_sum3A_549 = vector.multi_reduction <add>, %reduce_sum3A_547, %reduce_sum3A_548 [1, 2] : vector<1x8x4200xf32> to vector<1xf32>
      %reduce_sum3A_550 = vector.shape_cast %reduce_sum3A_549 : vector<1xf32> to vector<1x1x1xf32>
      %reduce_sum3A_551 = vector.extract %reduce_sum3A_550[0, 0, 0] : f32 from vector<1x1x1xf32>
      %add3A_552 = arith.addf %get3A_546, %reduce_sum3A_551 : f32
      %swap3A_553 = arith.constant 8 : index
      %swap3A_554 = memref.load %arg11[%swap3A_553] : memref<10xf32, #tpu.memory_space<smem>>
      memref.store %add3A_552, %arg11[%swap3A_553] : memref<10xf32, #tpu.memory_space<smem>>
      %get3A_555 = arith.constant 8 : index
      %get3A_556 = memref.load %arg12[%get3A_555] : memref<10xf32, #tpu.memory_space<smem>>
      %mul3A_557 = arith.mulf %get3A_53, %select_n3A_544 : vector<8x4200xf32>
      %reduce_sum3A_558 = vector.shape_cast %mul3A_557 : vector<8x4200xf32> to vector<1x8x4200xf32>
      %reduce_sum3A_559 = arith.constant dense<0.000000e+00> : vector<1xf32>
      %reduce_sum3A_560 = vector.multi_reduction <add>, %reduce_sum3A_558, %reduce_sum3A_559 [1, 2] : vector<1x8x4200xf32> to vector<1xf32>
      %reduce_sum3A_561 = vector.shape_cast %reduce_sum3A_560 : vector<1xf32> to vector<1x1x1xf32>
      %reduce_sum3A_562 = vector.extract %reduce_sum3A_561[0, 0, 0] : f32 from vector<1x1x1xf32>
      %add3A_563 = arith.addf %get3A_556, %reduce_sum3A_562 : f32
      %swap3A_564 = arith.constant 8 : index
      %swap3A_565 = memref.load %arg12[%swap3A_564] : memref<10xf32, #tpu.memory_space<smem>>
      memref.store %add3A_563, %arg12[%swap3A_564] : memref<10xf32, #tpu.memory_space<smem>>
      %get3A_566 = arith.constant 8 : index
      %get3A_567 = memref.load %arg13[%get3A_566] : memref<10xf32, #tpu.memory_space<smem>>
      %mul3A_568 = arith.mulf %mul3A_59, %select_n3A_544 : vector<8x4200xf32>
      %reduce_sum3A_569 = vector.shape_cast %mul3A_568 : vector<8x4200xf32> to vector<1x8x4200xf32>
      %reduce_sum3A_570 = arith.constant dense<0.000000e+00> : vector<1xf32>
      %reduce_sum3A_571 = vector.multi_reduction <add>, %reduce_sum3A_569, %reduce_sum3A_570 [1, 2] : vector<1x8x4200xf32> to vector<1xf32>
      %reduce_sum3A_572 = vector.shape_cast %reduce_sum3A_571 : vector<1xf32> to vector<1x1x1xf32>
      %reduce_sum3A_573 = vector.extract %reduce_sum3A_572[0, 0, 0] : f32 from vector<1x1x1xf32>
      %add3A_574 = arith.addf %get3A_567, %reduce_sum3A_573 : f32
      %swap3A_575 = arith.constant 8 : index
      %swap3A_576 = memref.load %arg13[%swap3A_575] : memref<10xf32, #tpu.memory_space<smem>>
      memref.store %add3A_574, %arg13[%swap3A_575] : memref<10xf32, #tpu.memory_space<smem>>
      %get3A_577 = arith.constant 8 : index
      %get3A_578 = memref.load %arg14[%get3A_577] : memref<10xf32, #tpu.memory_space<smem>>
      %mul3A_579 = arith.mulf %get3A_58, %select_n3A_544 : vector<8x4200xf32>
      %reduce_sum3A_580 = vector.shape_cast %mul3A_579 : vector<8x4200xf32> to vector<1x8x4200xf32>
      %reduce_sum3A_581 = arith.constant dense<0.000000e+00> : vector<1xf32>
      %reduce_sum3A_582 = vector.multi_reduction <add>, %reduce_sum3A_580, %reduce_sum3A_581 [1, 2] : vector<1x8x4200xf32> to vector<1xf32>
      %reduce_sum3A_583 = vector.shape_cast %reduce_sum3A_582 : vector<1xf32> to vector<1x1x1xf32>
      %reduce_sum3A_584 = vector.extract %reduce_sum3A_583[0, 0, 0] : f32 from vector<1x1x1xf32>
      %add3A_585 = arith.addf %get3A_578, %reduce_sum3A_584 : f32
      %swap3A_586 = arith.constant 8 : index
      %swap3A_587 = memref.load %arg14[%swap3A_586] : memref<10xf32, #tpu.memory_space<smem>>
      memref.store %add3A_585, %arg14[%swap3A_586] : memref<10xf32, #tpu.memory_space<smem>>
      %get3A_588 = arith.constant 8 : index
      %get3A_589 = memref.load %arg15[%get3A_588] : memref<10xf32, #tpu.memory_space<smem>>
      %mul3A_590 = arith.mulf %mul3A_60, %select_n3A_544 : vector<8x4200xf32>
      %reduce_sum3A_591 = vector.shape_cast %mul3A_590 : vector<8x4200xf32> to vector<1x8x4200xf32>
      %reduce_sum3A_592 = arith.constant dense<0.000000e+00> : vector<1xf32>
      %reduce_sum3A_593 = vector.multi_reduction <add>, %reduce_sum3A_591, %reduce_sum3A_592 [1, 2] : vector<1x8x4200xf32> to vector<1xf32>
      %reduce_sum3A_594 = vector.shape_cast %reduce_sum3A_593 : vector<1xf32> to vector<1x1x1xf32>
      %reduce_sum3A_595 = vector.extract %reduce_sum3A_594[0, 0, 0] : f32 from vector<1x1x1xf32>
      %add3A_596 = arith.addf %get3A_589, %reduce_sum3A_595 : f32
      %swap3A_597 = arith.constant 8 : index
      %swap3A_598 = memref.load %arg15[%swap3A_597] : memref<10xf32, #tpu.memory_space<smem>>
      memref.store %add3A_596, %arg15[%swap3A_597] : memref<10xf32, #tpu.memory_space<smem>>
      %eq3A_599 = arith.constant 9 : i32
      %eq3A_600 = vector.broadcast %eq3A_599 : i32 to vector<8x4200xi32>
      %eq3A_601 = arith.cmpi eq, %select_n3A, %eq3A_600 : vector<8x4200xi32>
      %jit3A_602 = arith.constant 0.000000e+00 : f32
      %broadcast_in_dim3A_603 = vector.broadcast %jit3A_602 : f32 to vector<8x4200xf32>
      %select_n3A_604 = arith.select %eq3A_601, %get3A_48, %broadcast_in_dim3A_603 : vector<8x4200xi1>, vector<8x4200xf32>
      %get3A_605 = arith.constant 9 : index
      %get3A_606 = memref.load %arg11[%get3A_605] : memref<10xf32, #tpu.memory_space<smem>>
      %reduce_sum3A_607 = vector.shape_cast %select_n3A_604 : vector<8x4200xf32> to vector<1x8x4200xf32>
      %reduce_sum3A_608 = arith.constant dense<0.000000e+00> : vector<1xf32>
      %reduce_sum3A_609 = vector.multi_reduction <add>, %reduce_sum3A_607, %reduce_sum3A_608 [1, 2] : vector<1x8x4200xf32> to vector<1xf32>
      %reduce_sum3A_610 = vector.shape_cast %reduce_sum3A_609 : vector<1xf32> to vector<1x1x1xf32>
      %reduce_sum3A_611 = vector.extract %reduce_sum3A_610[0, 0, 0] : f32 from vector<1x1x1xf32>
      %add3A_612 = arith.addf %get3A_606, %reduce_sum3A_611 : f32
      %swap3A_613 = arith.constant 9 : index
      %swap3A_614 = memref.load %arg11[%swap3A_613] : memref<10xf32, #tpu.memory_space<smem>>
      memref.store %add3A_612, %arg11[%swap3A_613] : memref<10xf32, #tpu.memory_space<smem>>
      %get3A_615 = arith.constant 9 : index
      %get3A_616 = memref.load %arg12[%get3A_615] : memref<10xf32, #tpu.memory_space<smem>>
      %mul3A_617 = arith.mulf %get3A_53, %select_n3A_604 : vector<8x4200xf32>
      %reduce_sum3A_618 = vector.shape_cast %mul3A_617 : vector<8x4200xf32> to vector<1x8x4200xf32>
      %reduce_sum3A_619 = arith.constant dense<0.000000e+00> : vector<1xf32>
      %reduce_sum3A_620 = vector.multi_reduction <add>, %reduce_sum3A_618, %reduce_sum3A_619 [1, 2] : vector<1x8x4200xf32> to vector<1xf32>
      %reduce_sum3A_621 = vector.shape_cast %reduce_sum3A_620 : vector<1xf32> to vector<1x1x1xf32>
      %reduce_sum3A_622 = vector.extract %reduce_sum3A_621[0, 0, 0] : f32 from vector<1x1x1xf32>
      %add3A_623 = arith.addf %get3A_616, %reduce_sum3A_622 : f32
      %swap3A_624 = arith.constant 9 : index
      %swap3A_625 = memref.load %arg12[%swap3A_624] : memref<10xf32, #tpu.memory_space<smem>>
      memref.store %add3A_623, %arg12[%swap3A_624] : memref<10xf32, #tpu.memory_space<smem>>
      %get3A_626 = arith.constant 9 : index
      %get3A_627 = memref.load %arg13[%get3A_626] : memref<10xf32, #tpu.memory_space<smem>>
      %mul3A_628 = arith.mulf %mul3A_59, %select_n3A_604 : vector<8x4200xf32>
      %reduce_sum3A_629 = vector.shape_cast %mul3A_628 : vector<8x4200xf32> to vector<1x8x4200xf32>
      %reduce_sum3A_630 = arith.constant dense<0.000000e+00> : vector<1xf32>
      %reduce_sum3A_631 = vector.multi_reduction <add>, %reduce_sum3A_629, %reduce_sum3A_630 [1, 2] : vector<1x8x4200xf32> to vector<1xf32>
      %reduce_sum3A_632 = vector.shape_cast %reduce_sum3A_631 : vector<1xf32> to vector<1x1x1xf32>
      %reduce_sum3A_633 = vector.extract %reduce_sum3A_632[0, 0, 0] : f32 from vector<1x1x1xf32>
      %add3A_634 = arith.addf %get3A_627, %reduce_sum3A_633 : f32
      %swap3A_635 = arith.constant 9 : index
      %swap3A_636 = memref.load %arg13[%swap3A_635] : memref<10xf32, #tpu.memory_space<smem>>
      memref.store %add3A_634, %arg13[%swap3A_635] : memref<10xf32, #tpu.memory_space<smem>>
      %get3A_637 = arith.constant 9 : index
      %get3A_638 = memref.load %arg14[%get3A_637] : memref<10xf32, #tpu.memory_space<smem>>
      %mul3A_639 = arith.mulf %get3A_58, %select_n3A_604 : vector<8x4200xf32>
      %reduce_sum3A_640 = vector.shape_cast %mul3A_639 : vector<8x4200xf32> to vector<1x8x4200xf32>
      %reduce_sum3A_641 = arith.constant dense<0.000000e+00> : vector<1xf32>
      %reduce_sum3A_642 = vector.multi_reduction <add>, %reduce_sum3A_640, %reduce_sum3A_641 [1, 2] : vector<1x8x4200xf32> to vector<1xf32>
      %reduce_sum3A_643 = vector.shape_cast %reduce_sum3A_642 : vector<1xf32> to vector<1x1x1xf32>
      %reduce_sum3A_644 = vector.extract %reduce_sum3A_643[0, 0, 0] : f32 from vector<1x1x1xf32>
      %add3A_645 = arith.addf %get3A_638, %reduce_sum3A_644 : f32
      %swap3A_646 = arith.constant 9 : index
      %swap3A_647 = memref.load %arg14[%swap3A_646] : memref<10xf32, #tpu.memory_space<smem>>
      memref.store %add3A_645, %arg14[%swap3A_646] : memref<10xf32, #tpu.memory_space<smem>>
      %get3A_648 = arith.constant 9 : index
      %get3A_649 = memref.load %arg15[%get3A_648] : memref<10xf32, #tpu.memory_space<smem>>
      %mul3A_650 = arith.mulf %mul3A_60, %select_n3A_604 : vector<8x4200xf32>
      %reduce_sum3A_651 = vector.shape_cast %mul3A_650 : vector<8x4200xf32> to vector<1x8x4200xf32>
      %reduce_sum3A_652 = arith.constant dense<0.000000e+00> : vector<1xf32>
      %reduce_sum3A_653 = vector.multi_reduction <add>, %reduce_sum3A_651, %reduce_sum3A_652 [1, 2] : vector<1x8x4200xf32> to vector<1xf32>
      %reduce_sum3A_654 = vector.shape_cast %reduce_sum3A_653 : vector<1xf32> to vector<1x1x1xf32>
      %reduce_sum3A_655 = vector.extract %reduce_sum3A_654[0, 0, 0] : f32 from vector<1x1x1xf32>
      %add3A_656 = arith.addf %get3A_649, %reduce_sum3A_655 : f32
      %swap3A_657 = arith.constant 9 : index
      %swap3A_658 = memref.load %arg15[%swap3A_657] : memref<10xf32, #tpu.memory_space<smem>>
      memref.store %add3A_656, %arg15[%swap3A_657] : memref<10xf32, #tpu.memory_space<smem>>
    } else {
    }
    %ge3A_12 = arith.constant 20 : i32
    %ge3A_13 = arith.cmpi sge, %arg0, %ge3A_12 : i32
    %convert_element_type3A_14 = arith.extui %ge3A_13 : i1 to i32
    %cond3A_15 = arith.constant 0 : i32
    %cond3A_16 = arith.cmpi ne, %convert_element_type3A_14, %cond3A_15 : i32
    scf.if %cond3A_16 {
      %sub3A = arith.constant 16 : i32
      %sub3A_17 = arith.subi %arg0, %sub3A : i32
      %sub3A_18 = arith.constant 4 : i32
      %sub3A_19 = arith.subi %sub3A_17, %sub3A_18 : i32
      %mul3A = arith.constant 8 : i32
      %mul3A_20 = arith.muli %sub3A_19, %mul3A : i32
      %get3A = arith.constant 0 : index
      %get3A_21 = arith.index_cast %mul3A_20 : i32 to index
      %get3A_22 = arith.constant 0 : index
      %get3A_23 = vector.load %arg4[%get3A, %get3A_21, %get3A_22] : memref<7x32x4200xf32, #tpu.memory_space<vmem>>, vector<1x8x4200xf32>
      %get3A_24 = vector.shape_cast %get3A_23 : vector<1x8x4200xf32> to vector<8x4200xf32>
      %get3A_25 = arith.constant 0 : index
      %get3A_26 = memref.load %arg10[%get3A_25] : memref<1xf32, #tpu.memory_space<smem>>
      %get3A_27 = arith.constant 0 : index
      %get3A_28 = memref.load %arg9[%get3A_27] : memref<1xf32, #tpu.memory_space<smem>>
      %sub3A_29 = arith.subf %get3A_26, %get3A_28 : f32
      %get3A_30 = arith.constant 0 : index
      %get3A_31 = memref.load %arg9[%get3A_30] : memref<1xf32, #tpu.memory_space<smem>>
      %sub3A_32 = vector.broadcast %get3A_31 : f32 to vector<8x4200xf32>
      %sub3A_33 = arith.subf %get3A_24, %sub3A_32 : vector<8x4200xf32>
      %add3A = arith.constant 9.99999997E-7 : f32
      %add3A_34 = arith.addf %sub3A_29, %add3A : f32
      %div3A = vector.broadcast %add3A_34 : f32 to vector<8x4200xf32>
      %div3A_35 = arith.divf %sub3A_33, %div3A : vector<8x4200xf32>
      %mul3A_36 = arith.constant 1.000000e+01 : f32
      %mul3A_37 = vector.broadcast %mul3A_36 : f32 to vector<8x4200xf32>
      %mul3A_38 = arith.mulf %div3A_35, %mul3A_37 : vector<8x4200xf32>
      %convert_element_type3A_39 = arith.fptosi %mul3A_38 : vector<8x4200xf32> to vector<8x4200xi32>
      %jit3A = arith.constant 0 : i32
      %jit3A_40 = arith.constant 9 : i32
      %max3A = vector.broadcast %jit3A : i32 to vector<8x4200xi32>
      %max3A_41 = arith.maxsi %max3A, %convert_element_type3A_39 : vector<8x4200xi32>
      %min3A = vector.broadcast %jit3A_40 : i32 to vector<8x4200xi32>
      %min3A_42 = arith.minsi %min3A, %max3A_41 : vector<8x4200xi32>
      %lt3A_43 = arith.constant 9.99999997E-7 : f32
      %lt3A_44 = arith.cmpf olt, %sub3A_29, %lt3A_43 : f32
      %broadcast_in_dim3A = arith.constant 0 : i32
      %broadcast_in_dim3A_45 = vector.broadcast %broadcast_in_dim3A : i32 to vector<8x4200xi32>
      %select_n3A = arith.select %lt3A_44, %broadcast_in_dim3A_45, %min3A_42 : vector<8x4200xi32>
      %broadcast_in_dim3A_46 = arith.constant 0.000000e+00 : f32
      %broadcast_in_dim3A_47 = vector.broadcast %broadcast_in_dim3A_46 : f32 to vector<8x4200xf32>
      %broadcast_in_dim3A_48 = arith.constant 0.000000e+00 : f32
      %broadcast_in_dim3A_49 = vector.broadcast %broadcast_in_dim3A_48 : f32 to vector<8x4200xf32>
      %broadcast_in_dim3A_50 = arith.constant 0.000000e+00 : f32
      %broadcast_in_dim3A_51 = vector.broadcast %broadcast_in_dim3A_50 : f32 to vector<8x4200xf32>
      %broadcast_in_dim3A_52 = arith.constant 0.000000e+00 : f32
      %broadcast_in_dim3A_53 = vector.broadcast %broadcast_in_dim3A_52 : f32 to vector<8x4200xf32>
      %broadcast_in_dim3A_54 = arith.constant 0.000000e+00 : f32
      %broadcast_in_dim3A_55 = vector.broadcast %broadcast_in_dim3A_54 : f32 to vector<8x4200xf32>
      %eq3A_56 = arith.constant 0 : i32
      %eq3A_57 = vector.broadcast %eq3A_56 : i32 to vector<8x4200xi32>
      %eq3A_58 = arith.cmpi eq, %select_n3A, %eq3A_57 : vector<8x4200xi32>
      %get3A_59 = arith.constant 0 : index
      %get3A_60 = memref.load %arg11[%get3A_59] : memref<10xf32, #tpu.memory_space<smem>>
      %broadcast_in_dim3A_61 = vector.broadcast %get3A_60 : f32 to vector<8x4200xf32>
      %select_n3A_62 = arith.select %eq3A_58, %broadcast_in_dim3A_61, %broadcast_in_dim3A_47 : vector<8x4200xi1>, vector<8x4200xf32>
      %get3A_63 = arith.constant 0 : index
      %get3A_64 = memref.load %arg12[%get3A_63] : memref<10xf32, #tpu.memory_space<smem>>
      %broadcast_in_dim3A_65 = vector.broadcast %get3A_64 : f32 to vector<8x4200xf32>
      %select_n3A_66 = arith.select %eq3A_58, %broadcast_in_dim3A_65, %broadcast_in_dim3A_49 : vector<8x4200xi1>, vector<8x4200xf32>
      %get3A_67 = arith.constant 0 : index
      %get3A_68 = memref.load %arg13[%get3A_67] : memref<10xf32, #tpu.memory_space<smem>>
      %broadcast_in_dim3A_69 = vector.broadcast %get3A_68 : f32 to vector<8x4200xf32>
      %select_n3A_70 = arith.select %eq3A_58, %broadcast_in_dim3A_69, %broadcast_in_dim3A_51 : vector<8x4200xi1>, vector<8x4200xf32>
      %get3A_71 = arith.constant 0 : index
      %get3A_72 = memref.load %arg14[%get3A_71] : memref<10xf32, #tpu.memory_space<smem>>
      %broadcast_in_dim3A_73 = vector.broadcast %get3A_72 : f32 to vector<8x4200xf32>
      %select_n3A_74 = arith.select %eq3A_58, %broadcast_in_dim3A_73, %broadcast_in_dim3A_53 : vector<8x4200xi1>, vector<8x4200xf32>
      %get3A_75 = arith.constant 0 : index
      %get3A_76 = memref.load %arg15[%get3A_75] : memref<10xf32, #tpu.memory_space<smem>>
      %broadcast_in_dim3A_77 = vector.broadcast %get3A_76 : f32 to vector<8x4200xf32>
      %select_n3A_78 = arith.select %eq3A_58, %broadcast_in_dim3A_77, %broadcast_in_dim3A_55 : vector<8x4200xi1>, vector<8x4200xf32>
      %eq3A_79 = arith.constant 1 : i32
      %eq3A_80 = vector.broadcast %eq3A_79 : i32 to vector<8x4200xi32>
      %eq3A_81 = arith.cmpi eq, %select_n3A, %eq3A_80 : vector<8x4200xi32>
      %get3A_82 = arith.constant 1 : index
      %get3A_83 = memref.load %arg11[%get3A_82] : memref<10xf32, #tpu.memory_space<smem>>
      %broadcast_in_dim3A_84 = vector.broadcast %get3A_83 : f32 to vector<8x4200xf32>
      %select_n3A_85 = arith.select %eq3A_81, %broadcast_in_dim3A_84, %select_n3A_62 : vector<8x4200xi1>, vector<8x4200xf32>
      %get3A_86 = arith.constant 1 : index
      %get3A_87 = memref.load %arg12[%get3A_86] : memref<10xf32, #tpu.memory_space<smem>>
      %broadcast_in_dim3A_88 = vector.broadcast %get3A_87 : f32 to vector<8x4200xf32>
      %select_n3A_89 = arith.select %eq3A_81, %broadcast_in_dim3A_88, %select_n3A_66 : vector<8x4200xi1>, vector<8x4200xf32>
      %get3A_90 = arith.constant 1 : index
      %get3A_91 = memref.load %arg13[%get3A_90] : memref<10xf32, #tpu.memory_space<smem>>
      %broadcast_in_dim3A_92 = vector.broadcast %get3A_91 : f32 to vector<8x4200xf32>
      %select_n3A_93 = arith.select %eq3A_81, %broadcast_in_dim3A_92, %select_n3A_70 : vector<8x4200xi1>, vector<8x4200xf32>
      %get3A_94 = arith.constant 1 : index
      %get3A_95 = memref.load %arg14[%get3A_94] : memref<10xf32, #tpu.memory_space<smem>>
      %broadcast_in_dim3A_96 = vector.broadcast %get3A_95 : f32 to vector<8x4200xf32>
      %select_n3A_97 = arith.select %eq3A_81, %broadcast_in_dim3A_96, %select_n3A_74 : vector<8x4200xi1>, vector<8x4200xf32>
      %get3A_98 = arith.constant 1 : index
      %get3A_99 = memref.load %arg15[%get3A_98] : memref<10xf32, #tpu.memory_space<smem>>
      %broadcast_in_dim3A_100 = vector.broadcast %get3A_99 : f32 to vector<8x4200xf32>
      %select_n3A_101 = arith.select %eq3A_81, %broadcast_in_dim3A_100, %select_n3A_78 : vector<8x4200xi1>, vector<8x4200xf32>
      %eq3A_102 = arith.constant 2 : i32
      %eq3A_103 = vector.broadcast %eq3A_102 : i32 to vector<8x4200xi32>
      %eq3A_104 = arith.cmpi eq, %select_n3A, %eq3A_103 : vector<8x4200xi32>
      %get3A_105 = arith.constant 2 : index
      %get3A_106 = memref.load %arg11[%get3A_105] : memref<10xf32, #tpu.memory_space<smem>>
      %broadcast_in_dim3A_107 = vector.broadcast %get3A_106 : f32 to vector<8x4200xf32>
      %select_n3A_108 = arith.select %eq3A_104, %broadcast_in_dim3A_107, %select_n3A_85 : vector<8x4200xi1>, vector<8x4200xf32>
      %get3A_109 = arith.constant 2 : index
      %get3A_110 = memref.load %arg12[%get3A_109] : memref<10xf32, #tpu.memory_space<smem>>
      %broadcast_in_dim3A_111 = vector.broadcast %get3A_110 : f32 to vector<8x4200xf32>
      %select_n3A_112 = arith.select %eq3A_104, %broadcast_in_dim3A_111, %select_n3A_89 : vector<8x4200xi1>, vector<8x4200xf32>
      %get3A_113 = arith.constant 2 : index
      %get3A_114 = memref.load %arg13[%get3A_113] : memref<10xf32, #tpu.memory_space<smem>>
      %broadcast_in_dim3A_115 = vector.broadcast %get3A_114 : f32 to vector<8x4200xf32>
      %select_n3A_116 = arith.select %eq3A_104, %broadcast_in_dim3A_115, %select_n3A_93 : vector<8x4200xi1>, vector<8x4200xf32>
      %get3A_117 = arith.constant 2 : index
      %get3A_118 = memref.load %arg14[%get3A_117] : memref<10xf32, #tpu.memory_space<smem>>
      %broadcast_in_dim3A_119 = vector.broadcast %get3A_118 : f32 to vector<8x4200xf32>
      %select_n3A_120 = arith.select %eq3A_104, %broadcast_in_dim3A_119, %select_n3A_97 : vector<8x4200xi1>, vector<8x4200xf32>
      %get3A_121 = arith.constant 2 : index
      %get3A_122 = memref.load %arg15[%get3A_121] : memref<10xf32, #tpu.memory_space<smem>>
      %broadcast_in_dim3A_123 = vector.broadcast %get3A_122 : f32 to vector<8x4200xf32>
      %select_n3A_124 = arith.select %eq3A_104, %broadcast_in_dim3A_123, %select_n3A_101 : vector<8x4200xi1>, vector<8x4200xf32>
      %eq3A_125 = arith.constant 3 : i32
      %eq3A_126 = vector.broadcast %eq3A_125 : i32 to vector<8x4200xi32>
      %eq3A_127 = arith.cmpi eq, %select_n3A, %eq3A_126 : vector<8x4200xi32>
      %get3A_128 = arith.constant 3 : index
      %get3A_129 = memref.load %arg11[%get3A_128] : memref<10xf32, #tpu.memory_space<smem>>
      %broadcast_in_dim3A_130 = vector.broadcast %get3A_129 : f32 to vector<8x4200xf32>
      %select_n3A_131 = arith.select %eq3A_127, %broadcast_in_dim3A_130, %select_n3A_108 : vector<8x4200xi1>, vector<8x4200xf32>
      %get3A_132 = arith.constant 3 : index
      %get3A_133 = memref.load %arg12[%get3A_132] : memref<10xf32, #tpu.memory_space<smem>>
      %broadcast_in_dim3A_134 = vector.broadcast %get3A_133 : f32 to vector<8x4200xf32>
      %select_n3A_135 = arith.select %eq3A_127, %broadcast_in_dim3A_134, %select_n3A_112 : vector<8x4200xi1>, vector<8x4200xf32>
      %get3A_136 = arith.constant 3 : index
      %get3A_137 = memref.load %arg13[%get3A_136] : memref<10xf32, #tpu.memory_space<smem>>
      %broadcast_in_dim3A_138 = vector.broadcast %get3A_137 : f32 to vector<8x4200xf32>
      %select_n3A_139 = arith.select %eq3A_127, %broadcast_in_dim3A_138, %select_n3A_116 : vector<8x4200xi1>, vector<8x4200xf32>
      %get3A_140 = arith.constant 3 : index
      %get3A_141 = memref.load %arg14[%get3A_140] : memref<10xf32, #tpu.memory_space<smem>>
      %broadcast_in_dim3A_142 = vector.broadcast %get3A_141 : f32 to vector<8x4200xf32>
      %select_n3A_143 = arith.select %eq3A_127, %broadcast_in_dim3A_142, %select_n3A_120 : vector<8x4200xi1>, vector<8x4200xf32>
      %get3A_144 = arith.constant 3 : index
      %get3A_145 = memref.load %arg15[%get3A_144] : memref<10xf32, #tpu.memory_space<smem>>
      %broadcast_in_dim3A_146 = vector.broadcast %get3A_145 : f32 to vector<8x4200xf32>
      %select_n3A_147 = arith.select %eq3A_127, %broadcast_in_dim3A_146, %select_n3A_124 : vector<8x4200xi1>, vector<8x4200xf32>
      %eq3A_148 = arith.constant 4 : i32
      %eq3A_149 = vector.broadcast %eq3A_148 : i32 to vector<8x4200xi32>
      %eq3A_150 = arith.cmpi eq, %select_n3A, %eq3A_149 : vector<8x4200xi32>
      %get3A_151 = arith.constant 4 : index
      %get3A_152 = memref.load %arg11[%get3A_151] : memref<10xf32, #tpu.memory_space<smem>>
      %broadcast_in_dim3A_153 = vector.broadcast %get3A_152 : f32 to vector<8x4200xf32>
      %select_n3A_154 = arith.select %eq3A_150, %broadcast_in_dim3A_153, %select_n3A_131 : vector<8x4200xi1>, vector<8x4200xf32>
      %get3A_155 = arith.constant 4 : index
      %get3A_156 = memref.load %arg12[%get3A_155] : memref<10xf32, #tpu.memory_space<smem>>
      %broadcast_in_dim3A_157 = vector.broadcast %get3A_156 : f32 to vector<8x4200xf32>
      %select_n3A_158 = arith.select %eq3A_150, %broadcast_in_dim3A_157, %select_n3A_135 : vector<8x4200xi1>, vector<8x4200xf32>
      %get3A_159 = arith.constant 4 : index
      %get3A_160 = memref.load %arg13[%get3A_159] : memref<10xf32, #tpu.memory_space<smem>>
      %broadcast_in_dim3A_161 = vector.broadcast %get3A_160 : f32 to vector<8x4200xf32>
      %select_n3A_162 = arith.select %eq3A_150, %broadcast_in_dim3A_161, %select_n3A_139 : vector<8x4200xi1>, vector<8x4200xf32>
      %get3A_163 = arith.constant 4 : index
      %get3A_164 = memref.load %arg14[%get3A_163] : memref<10xf32, #tpu.memory_space<smem>>
      %broadcast_in_dim3A_165 = vector.broadcast %get3A_164 : f32 to vector<8x4200xf32>
      %select_n3A_166 = arith.select %eq3A_150, %broadcast_in_dim3A_165, %select_n3A_143 : vector<8x4200xi1>, vector<8x4200xf32>
      %get3A_167 = arith.constant 4 : index
      %get3A_168 = memref.load %arg15[%get3A_167] : memref<10xf32, #tpu.memory_space<smem>>
      %broadcast_in_dim3A_169 = vector.broadcast %get3A_168 : f32 to vector<8x4200xf32>
      %select_n3A_170 = arith.select %eq3A_150, %broadcast_in_dim3A_169, %select_n3A_147 : vector<8x4200xi1>, vector<8x4200xf32>
      %eq3A_171 = arith.constant 5 : i32
      %eq3A_172 = vector.broadcast %eq3A_171 : i32 to vector<8x4200xi32>
      %eq3A_173 = arith.cmpi eq, %select_n3A, %eq3A_172 : vector<8x4200xi32>
      %get3A_174 = arith.constant 5 : index
      %get3A_175 = memref.load %arg11[%get3A_174] : memref<10xf32, #tpu.memory_space<smem>>
      %broadcast_in_dim3A_176 = vector.broadcast %get3A_175 : f32 to vector<8x4200xf32>
      %select_n3A_177 = arith.select %eq3A_173, %broadcast_in_dim3A_176, %select_n3A_154 : vector<8x4200xi1>, vector<8x4200xf32>
      %get3A_178 = arith.constant 5 : index
      %get3A_179 = memref.load %arg12[%get3A_178] : memref<10xf32, #tpu.memory_space<smem>>
      %broadcast_in_dim3A_180 = vector.broadcast %get3A_179 : f32 to vector<8x4200xf32>
      %select_n3A_181 = arith.select %eq3A_173, %broadcast_in_dim3A_180, %select_n3A_158 : vector<8x4200xi1>, vector<8x4200xf32>
      %get3A_182 = arith.constant 5 : index
      %get3A_183 = memref.load %arg13[%get3A_182] : memref<10xf32, #tpu.memory_space<smem>>
      %broadcast_in_dim3A_184 = vector.broadcast %get3A_183 : f32 to vector<8x4200xf32>
      %select_n3A_185 = arith.select %eq3A_173, %broadcast_in_dim3A_184, %select_n3A_162 : vector<8x4200xi1>, vector<8x4200xf32>
      %get3A_186 = arith.constant 5 : index
      %get3A_187 = memref.load %arg14[%get3A_186] : memref<10xf32, #tpu.memory_space<smem>>
      %broadcast_in_dim3A_188 = vector.broadcast %get3A_187 : f32 to vector<8x4200xf32>
      %select_n3A_189 = arith.select %eq3A_173, %broadcast_in_dim3A_188, %select_n3A_166 : vector<8x4200xi1>, vector<8x4200xf32>
      %get3A_190 = arith.constant 5 : index
      %get3A_191 = memref.load %arg15[%get3A_190] : memref<10xf32, #tpu.memory_space<smem>>
      %broadcast_in_dim3A_192 = vector.broadcast %get3A_191 : f32 to vector<8x4200xf32>
      %select_n3A_193 = arith.select %eq3A_173, %broadcast_in_dim3A_192, %select_n3A_170 : vector<8x4200xi1>, vector<8x4200xf32>
      %eq3A_194 = arith.constant 6 : i32
      %eq3A_195 = vector.broadcast %eq3A_194 : i32 to vector<8x4200xi32>
      %eq3A_196 = arith.cmpi eq, %select_n3A, %eq3A_195 : vector<8x4200xi32>
      %get3A_197 = arith.constant 6 : index
      %get3A_198 = memref.load %arg11[%get3A_197] : memref<10xf32, #tpu.memory_space<smem>>
      %broadcast_in_dim3A_199 = vector.broadcast %get3A_198 : f32 to vector<8x4200xf32>
      %select_n3A_200 = arith.select %eq3A_196, %broadcast_in_dim3A_199, %select_n3A_177 : vector<8x4200xi1>, vector<8x4200xf32>
      %get3A_201 = arith.constant 6 : index
      %get3A_202 = memref.load %arg12[%get3A_201] : memref<10xf32, #tpu.memory_space<smem>>
      %broadcast_in_dim3A_203 = vector.broadcast %get3A_202 : f32 to vector<8x4200xf32>
      %select_n3A_204 = arith.select %eq3A_196, %broadcast_in_dim3A_203, %select_n3A_181 : vector<8x4200xi1>, vector<8x4200xf32>
      %get3A_205 = arith.constant 6 : index
      %get3A_206 = memref.load %arg13[%get3A_205] : memref<10xf32, #tpu.memory_space<smem>>
      %broadcast_in_dim3A_207 = vector.broadcast %get3A_206 : f32 to vector<8x4200xf32>
      %select_n3A_208 = arith.select %eq3A_196, %broadcast_in_dim3A_207, %select_n3A_185 : vector<8x4200xi1>, vector<8x4200xf32>
      %get3A_209 = arith.constant 6 : index
      %get3A_210 = memref.load %arg14[%get3A_209] : memref<10xf32, #tpu.memory_space<smem>>
      %broadcast_in_dim3A_211 = vector.broadcast %get3A_210 : f32 to vector<8x4200xf32>
      %select_n3A_212 = arith.select %eq3A_196, %broadcast_in_dim3A_211, %select_n3A_189 : vector<8x4200xi1>, vector<8x4200xf32>
      %get3A_213 = arith.constant 6 : index
      %get3A_214 = memref.load %arg15[%get3A_213] : memref<10xf32, #tpu.memory_space<smem>>
      %broadcast_in_dim3A_215 = vector.broadcast %get3A_214 : f32 to vector<8x4200xf32>
      %select_n3A_216 = arith.select %eq3A_196, %broadcast_in_dim3A_215, %select_n3A_193 : vector<8x4200xi1>, vector<8x4200xf32>
      %eq3A_217 = arith.constant 7 : i32
      %eq3A_218 = vector.broadcast %eq3A_217 : i32 to vector<8x4200xi32>
      %eq3A_219 = arith.cmpi eq, %select_n3A, %eq3A_218 : vector<8x4200xi32>
      %get3A_220 = arith.constant 7 : index
      %get3A_221 = memref.load %arg11[%get3A_220] : memref<10xf32, #tpu.memory_space<smem>>
      %broadcast_in_dim3A_222 = vector.broadcast %get3A_221 : f32 to vector<8x4200xf32>
      %select_n3A_223 = arith.select %eq3A_219, %broadcast_in_dim3A_222, %select_n3A_200 : vector<8x4200xi1>, vector<8x4200xf32>
      %get3A_224 = arith.constant 7 : index
      %get3A_225 = memref.load %arg12[%get3A_224] : memref<10xf32, #tpu.memory_space<smem>>
      %broadcast_in_dim3A_226 = vector.broadcast %get3A_225 : f32 to vector<8x4200xf32>
      %select_n3A_227 = arith.select %eq3A_219, %broadcast_in_dim3A_226, %select_n3A_204 : vector<8x4200xi1>, vector<8x4200xf32>
      %get3A_228 = arith.constant 7 : index
      %get3A_229 = memref.load %arg13[%get3A_228] : memref<10xf32, #tpu.memory_space<smem>>
      %broadcast_in_dim3A_230 = vector.broadcast %get3A_229 : f32 to vector<8x4200xf32>
      %select_n3A_231 = arith.select %eq3A_219, %broadcast_in_dim3A_230, %select_n3A_208 : vector<8x4200xi1>, vector<8x4200xf32>
      %get3A_232 = arith.constant 7 : index
      %get3A_233 = memref.load %arg14[%get3A_232] : memref<10xf32, #tpu.memory_space<smem>>
      %broadcast_in_dim3A_234 = vector.broadcast %get3A_233 : f32 to vector<8x4200xf32>
      %select_n3A_235 = arith.select %eq3A_219, %broadcast_in_dim3A_234, %select_n3A_212 : vector<8x4200xi1>, vector<8x4200xf32>
      %get3A_236 = arith.constant 7 : index
      %get3A_237 = memref.load %arg15[%get3A_236] : memref<10xf32, #tpu.memory_space<smem>>
      %broadcast_in_dim3A_238 = vector.broadcast %get3A_237 : f32 to vector<8x4200xf32>
      %select_n3A_239 = arith.select %eq3A_219, %broadcast_in_dim3A_238, %select_n3A_216 : vector<8x4200xi1>, vector<8x4200xf32>
      %eq3A_240 = arith.constant 8 : i32
      %eq3A_241 = vector.broadcast %eq3A_240 : i32 to vector<8x4200xi32>
      %eq3A_242 = arith.cmpi eq, %select_n3A, %eq3A_241 : vector<8x4200xi32>
      %get3A_243 = arith.constant 8 : index
      %get3A_244 = memref.load %arg11[%get3A_243] : memref<10xf32, #tpu.memory_space<smem>>
      %broadcast_in_dim3A_245 = vector.broadcast %get3A_244 : f32 to vector<8x4200xf32>
      %select_n3A_246 = arith.select %eq3A_242, %broadcast_in_dim3A_245, %select_n3A_223 : vector<8x4200xi1>, vector<8x4200xf32>
      %get3A_247 = arith.constant 8 : index
      %get3A_248 = memref.load %arg12[%get3A_247] : memref<10xf32, #tpu.memory_space<smem>>
      %broadcast_in_dim3A_249 = vector.broadcast %get3A_248 : f32 to vector<8x4200xf32>
      %select_n3A_250 = arith.select %eq3A_242, %broadcast_in_dim3A_249, %select_n3A_227 : vector<8x4200xi1>, vector<8x4200xf32>
      %get3A_251 = arith.constant 8 : index
      %get3A_252 = memref.load %arg13[%get3A_251] : memref<10xf32, #tpu.memory_space<smem>>
      %broadcast_in_dim3A_253 = vector.broadcast %get3A_252 : f32 to vector<8x4200xf32>
      %select_n3A_254 = arith.select %eq3A_242, %broadcast_in_dim3A_253, %select_n3A_231 : vector<8x4200xi1>, vector<8x4200xf32>
      %get3A_255 = arith.constant 8 : index
      %get3A_256 = memref.load %arg14[%get3A_255] : memref<10xf32, #tpu.memory_space<smem>>
      %broadcast_in_dim3A_257 = vector.broadcast %get3A_256 : f32 to vector<8x4200xf32>
      %select_n3A_258 = arith.select %eq3A_242, %broadcast_in_dim3A_257, %select_n3A_235 : vector<8x4200xi1>, vector<8x4200xf32>
      %get3A_259 = arith.constant 8 : index
      %get3A_260 = memref.load %arg15[%get3A_259] : memref<10xf32, #tpu.memory_space<smem>>
      %broadcast_in_dim3A_261 = vector.broadcast %get3A_260 : f32 to vector<8x4200xf32>
      %select_n3A_262 = arith.select %eq3A_242, %broadcast_in_dim3A_261, %select_n3A_239 : vector<8x4200xi1>, vector<8x4200xf32>
      %eq3A_263 = arith.constant 9 : i32
      %eq3A_264 = vector.broadcast %eq3A_263 : i32 to vector<8x4200xi32>
      %eq3A_265 = arith.cmpi eq, %select_n3A, %eq3A_264 : vector<8x4200xi32>
      %get3A_266 = arith.constant 9 : index
      %get3A_267 = memref.load %arg11[%get3A_266] : memref<10xf32, #tpu.memory_space<smem>>
      %broadcast_in_dim3A_268 = vector.broadcast %get3A_267 : f32 to vector<8x4200xf32>
      %select_n3A_269 = arith.select %eq3A_265, %broadcast_in_dim3A_268, %select_n3A_246 : vector<8x4200xi1>, vector<8x4200xf32>
      %get3A_270 = arith.constant 9 : index
      %get3A_271 = memref.load %arg12[%get3A_270] : memref<10xf32, #tpu.memory_space<smem>>
      %broadcast_in_dim3A_272 = vector.broadcast %get3A_271 : f32 to vector<8x4200xf32>
      %select_n3A_273 = arith.select %eq3A_265, %broadcast_in_dim3A_272, %select_n3A_250 : vector<8x4200xi1>, vector<8x4200xf32>
      %get3A_274 = arith.constant 9 : index
      %get3A_275 = memref.load %arg13[%get3A_274] : memref<10xf32, #tpu.memory_space<smem>>
      %broadcast_in_dim3A_276 = vector.broadcast %get3A_275 : f32 to vector<8x4200xf32>
      %select_n3A_277 = arith.select %eq3A_265, %broadcast_in_dim3A_276, %select_n3A_254 : vector<8x4200xi1>, vector<8x4200xf32>
      %get3A_278 = arith.constant 9 : index
      %get3A_279 = memref.load %arg14[%get3A_278] : memref<10xf32, #tpu.memory_space<smem>>
      %broadcast_in_dim3A_280 = vector.broadcast %get3A_279 : f32 to vector<8x4200xf32>
      %select_n3A_281 = arith.select %eq3A_265, %broadcast_in_dim3A_280, %select_n3A_258 : vector<8x4200xi1>, vector<8x4200xf32>
      %get3A_282 = arith.constant 9 : index
      %get3A_283 = memref.load %arg15[%get3A_282] : memref<10xf32, #tpu.memory_space<smem>>
      %broadcast_in_dim3A_284 = vector.broadcast %get3A_283 : f32 to vector<8x4200xf32>
      %select_n3A_285 = arith.select %eq3A_265, %broadcast_in_dim3A_284, %select_n3A_262 : vector<8x4200xi1>, vector<8x4200xf32>
      %max3A_286 = arith.constant 1.000000e+00 : f32
      %max3A_287 = vector.broadcast %max3A_286 : f32 to vector<8x4200xf32>
      %max3A_288 = arith.maximumf %select_n3A_269, %max3A_287 : vector<8x4200xf32>
      %sub3A_289 = arith.constant 1.000000e+00 : f32
      %sub3A_290 = vector.broadcast %sub3A_289 : f32 to vector<8x4200xf32>
      %sub3A_291 = arith.subf %select_n3A_269, %sub3A_290 : vector<8x4200xf32>
      %max3A_292 = arith.constant 1.000000e+00 : f32
      %max3A_293 = vector.broadcast %max3A_292 : f32 to vector<8x4200xf32>
      %max3A_294 = arith.maximumf %sub3A_291, %max3A_293 : vector<8x4200xf32>
      %div3A_295 = arith.divf %select_n3A_273, %max3A_288 : vector<8x4200xf32>
      %div3A_296 = arith.divf %select_n3A_281, %max3A_288 : vector<8x4200xf32>
      %mul3A_297 = arith.mulf %select_n3A_269, %div3A_295 : vector<8x4200xf32>
      %mul3A_298 = arith.mulf %mul3A_297, %div3A_295 : vector<8x4200xf32>
      %sub3A_299 = arith.subf %select_n3A_277, %mul3A_298 : vector<8x4200xf32>
      %div3A_300 = arith.divf %sub3A_299, %max3A_294 : vector<8x4200xf32>
      %max3A_301 = arith.constant 0.000000e+00 : f32
      %max3A_302 = vector.broadcast %max3A_301 : f32 to vector<8x4200xf32>
      %max3A_303 = arith.maximumf %div3A_300, %max3A_302 : vector<8x4200xf32>
      %sqrt3A = math.sqrt %max3A_303 : vector<8x4200xf32>
      %add3A_304 = arith.constant 9.99999997E-7 : f32
      %add3A_305 = vector.broadcast %add3A_304 : f32 to vector<8x4200xf32>
      %add3A_306 = arith.addf %sqrt3A, %add3A_305 : vector<8x4200xf32>
      %mul3A_307 = arith.mulf %select_n3A_269, %div3A_296 : vector<8x4200xf32>
      %mul3A_308 = arith.mulf %mul3A_307, %div3A_296 : vector<8x4200xf32>
      %sub3A_309 = arith.subf %select_n3A_285, %mul3A_308 : vector<8x4200xf32>
      %div3A_310 = arith.divf %sub3A_309, %max3A_294 : vector<8x4200xf32>
      %max3A_311 = arith.constant 0.000000e+00 : f32
      %max3A_312 = vector.broadcast %max3A_311 : f32 to vector<8x4200xf32>
      %max3A_313 = arith.maximumf %div3A_310, %max3A_312 : vector<8x4200xf32>
      %sqrt3A_314 = math.sqrt %max3A_313 : vector<8x4200xf32>
      %add3A_315 = arith.constant 9.99999997E-7 : f32
      %add3A_316 = vector.broadcast %add3A_315 : f32 to vector<8x4200xf32>
      %add3A_317 = arith.addf %sqrt3A_314, %add3A_316 : vector<8x4200xf32>
      %mul3A_318 = arith.constant 3.000000e+00 : f32
      %mul3A_319 = vector.broadcast %mul3A_318 : f32 to vector<8x4200xf32>
      %mul3A_320 = arith.mulf %mul3A_319, %add3A_306 : vector<8x4200xf32>
      %add3A_321 = arith.addf %div3A_295, %mul3A_320 : vector<8x4200xf32>
      %mul3A_322 = arith.constant 3.000000e+00 : f32
      %mul3A_323 = vector.broadcast %mul3A_322 : f32 to vector<8x4200xf32>
      %mul3A_324 = arith.mulf %mul3A_323, %add3A_306 : vector<8x4200xf32>
      %sub3A_325 = arith.subf %div3A_295, %mul3A_324 : vector<8x4200xf32>
      %max3A_326 = arith.constant 0.000000e+00 : f32
      %max3A_327 = vector.broadcast %max3A_326 : f32 to vector<8x4200xf32>
      %max3A_328 = arith.maximumf %sub3A_325, %max3A_327 : vector<8x4200xf32>
      %mul3A_329 = arith.constant 3.000000e+00 : f32
      %mul3A_330 = vector.broadcast %mul3A_329 : f32 to vector<8x4200xf32>
      %mul3A_331 = arith.mulf %mul3A_330, %add3A_317 : vector<8x4200xf32>
      %add3A_332 = arith.addf %div3A_296, %mul3A_331 : vector<8x4200xf32>
      %mul3A_333 = arith.constant 3.000000e+00 : f32
      %mul3A_334 = vector.broadcast %mul3A_333 : f32 to vector<8x4200xf32>
      %mul3A_335 = arith.mulf %mul3A_334, %add3A_317 : vector<8x4200xf32>
      %sub3A_336 = arith.subf %div3A_296, %mul3A_335 : vector<8x4200xf32>
      %max3A_337 = arith.constant 0.000000e+00 : f32
      %max3A_338 = vector.broadcast %max3A_337 : f32 to vector<8x4200xf32>
      %max3A_339 = arith.maximumf %sub3A_336, %max3A_338 : vector<8x4200xf32>
      %get3A_340 = arith.constant 3 : index
      %get3A_341 = arith.index_cast %mul3A_20 : i32 to index
      %get3A_342 = arith.constant 0 : index
      %get3A_343 = vector.load %arg4[%get3A_340, %get3A_341, %get3A_342] : memref<7x32x4200xf32, #tpu.memory_space<vmem>>, vector<1x8x4200xf32>
      %get3A_344 = vector.shape_cast %get3A_343 : vector<1x8x4200xf32> to vector<8x4200xf32>
      %get3A_345 = arith.constant 4 : index
      %get3A_346 = arith.index_cast %mul3A_20 : i32 to index
      %get3A_347 = arith.constant 0 : index
      %get3A_348 = vector.load %arg4[%get3A_345, %get3A_346, %get3A_347] : memref<7x32x4200xf32, #tpu.memory_space<vmem>>, vector<1x8x4200xf32>
      %get3A_349 = vector.shape_cast %get3A_348 : vector<1x8x4200xf32> to vector<8x4200xf32>
      %get3A_350 = arith.constant 5 : index
      %get3A_351 = arith.index_cast %mul3A_20 : i32 to index
      %get3A_352 = arith.constant 0 : index
      %get3A_353 = vector.load %arg4[%get3A_350, %get3A_351, %get3A_352] : memref<7x32x4200xf32, #tpu.memory_space<vmem>>, vector<1x8x4200xf32>
      %get3A_354 = vector.shape_cast %get3A_353 : vector<1x8x4200xf32> to vector<8x4200xf32>
      %gt3A = arith.cmpf ogt, %get3A_344, %add3A_321 : vector<8x4200xf32>
      %sub3A_355 = arith.subf %get3A_344, %add3A_321 : vector<8x4200xf32>
      %integer_pow3A = arith.mulf %sub3A_355, %sub3A_355 : vector<8x4200xf32>
      %lt3A_356 = arith.cmpf olt, %get3A_344, %max3A_328 : vector<8x4200xf32>
      %sub3A_357 = arith.subf %max3A_328, %get3A_344 : vector<8x4200xf32>
      %integer_pow3A_358 = arith.mulf %sub3A_357, %sub3A_357 : vector<8x4200xf32>
      %jit3A_359 = arith.constant 0.000000e+00 : f32
      %broadcast_in_dim3A_360 = vector.broadcast %jit3A_359 : f32 to vector<8x4200xf32>
      %select_n3A_361 = arith.select %lt3A_356, %integer_pow3A_358, %broadcast_in_dim3A_360 : vector<8x4200xi1>, vector<8x4200xf32>
      %select_n3A_362 = arith.select %gt3A, %integer_pow3A, %select_n3A_361 : vector<8x4200xi1>, vector<8x4200xf32>
      %gt3A_363 = arith.cmpf ogt, %get3A_349, %add3A_332 : vector<8x4200xf32>
      %sub3A_364 = arith.subf %get3A_349, %add3A_332 : vector<8x4200xf32>
      %integer_pow3A_365 = arith.mulf %sub3A_364, %sub3A_364 : vector<8x4200xf32>
      %lt3A_366 = arith.cmpf olt, %get3A_349, %max3A_339 : vector<8x4200xf32>
      %sub3A_367 = arith.subf %max3A_339, %get3A_349 : vector<8x4200xf32>
      %integer_pow3A_368 = arith.mulf %sub3A_367, %sub3A_367 : vector<8x4200xf32>
      %jit3A_369 = arith.constant 0.000000e+00 : f32
      %broadcast_in_dim3A_370 = vector.broadcast %jit3A_369 : f32 to vector<8x4200xf32>
      %select_n3A_371 = arith.select %lt3A_366, %integer_pow3A_368, %broadcast_in_dim3A_370 : vector<8x4200xi1>, vector<8x4200xf32>
      %select_n3A_372 = arith.select %gt3A_363, %integer_pow3A_365, %select_n3A_371 : vector<8x4200xi1>, vector<8x4200xf32>
      %ge3A_373 = arith.constant 2.000000e+00 : f32
      %ge3A_374 = vector.broadcast %ge3A_373 : f32 to vector<8x4200xf32>
      %ge3A_375 = arith.cmpf oge, %select_n3A_269, %ge3A_374 : vector<8x4200xf32>
      %add3A_376 = arith.addf %select_n3A_362, %select_n3A_372 : vector<8x4200xf32>
      %jit3A_377 = arith.constant 0.000000e+00 : f32
      %broadcast_in_dim3A_378 = vector.broadcast %jit3A_377 : f32 to vector<8x4200xf32>
      %select_n3A_379 = arith.select %ge3A_375, %add3A_376, %broadcast_in_dim3A_378 : vector<8x4200xi1>, vector<8x4200xf32>
      %mul3A_380 = arith.constant 8 : i32
      %mul3A_381 = arith.muli %sub3A_19, %mul3A_380 : i32
      %get3A_382 = arith.index_cast %mul3A_381 : i32 to index
      %get3A_383 = arith.constant 0 : index
      %get3A_384 = vector.load %arg6[%get3A_382, %get3A_383] : memref<32x4200xf32, #tpu.memory_space<vmem>>, vector<8x4200xf32>
      %get3A_385 = arith.constant 0 : index
      %get3A_386 = memref.load %arg8[%get3A_385] : memref<1xf32, #tpu.memory_space<smem>>
      %mul3A_387 = arith.mulf %select_n3A_379, %get3A_354 : vector<8x4200xf32>
      %mul3A_388 = arith.mulf %mul3A_387, %get3A_384 : vector<8x4200xf32>
      %reduce_sum3A = vector.shape_cast %mul3A_388 : vector<8x4200xf32> to vector<1x8x4200xf32>
      %reduce_sum3A_389 = arith.constant dense<0.000000e+00> : vector<1xf32>
      %reduce_sum3A_390 = vector.multi_reduction <add>, %reduce_sum3A, %reduce_sum3A_389 [1, 2] : vector<1x8x4200xf32> to vector<1xf32>
      %reduce_sum3A_391 = vector.shape_cast %reduce_sum3A_390 : vector<1xf32> to vector<1x1x1xf32>
      %reduce_sum3A_392 = vector.extract %reduce_sum3A_391[0, 0, 0] : f32 from vector<1x1x1xf32>
      %add3A_393 = arith.addf %get3A_386, %reduce_sum3A_392 : f32
      %swap3A = arith.constant 0 : index
      %swap3A_394 = memref.load %arg8[%swap3A] : memref<1xf32, #tpu.memory_space<smem>>
      memref.store %add3A_393, %arg8[%swap3A] : memref<1xf32, #tpu.memory_space<smem>>
      %get3A_395 = arith.constant 0 : index
      %get3A_396 = memref.load %arg7[%get3A_395] : memref<1xf32, #tpu.memory_space<smem>>
      %get3A_397 = arith.constant 6 : index
      %get3A_398 = arith.index_cast %mul3A_20 : i32 to index
      %get3A_399 = arith.constant 0 : index
      %get3A_400 = vector.load %arg4[%get3A_397, %get3A_398, %get3A_399] : memref<7x32x4200xf32, #tpu.memory_space<vmem>>, vector<1x8x4200xf32>
      %get3A_401 = vector.shape_cast %get3A_400 : vector<1x8x4200xf32> to vector<8x4200xf32>
      %mul3A_402 = arith.mulf %get3A_401, %get3A_384 : vector<8x4200xf32>
      %reduce_sum3A_403 = vector.shape_cast %mul3A_402 : vector<8x4200xf32> to vector<1x8x4200xf32>
      %reduce_sum3A_404 = arith.constant dense<0.000000e+00> : vector<1xf32>
      %reduce_sum3A_405 = vector.multi_reduction <add>, %reduce_sum3A_403, %reduce_sum3A_404 [1, 2] : vector<1x8x4200xf32> to vector<1xf32>
      %reduce_sum3A_406 = vector.shape_cast %reduce_sum3A_405 : vector<1xf32> to vector<1x1x1xf32>
      %reduce_sum3A_407 = vector.extract %reduce_sum3A_406[0, 0, 0] : f32 from vector<1x1x1xf32>
      %add3A_408 = arith.addf %get3A_396, %reduce_sum3A_407 : f32
      %swap3A_409 = arith.constant 0 : index
      %swap3A_410 = memref.load %arg7[%swap3A_409] : memref<1xf32, #tpu.memory_space<smem>>
      memref.store %add3A_408, %arg7[%swap3A_409] : memref<1xf32, #tpu.memory_space<smem>>
      %eq3A_411 = arith.constant 23 : i32
      %eq3A_412 = arith.cmpi eq, %arg0, %eq3A_411 : i32
      %convert_element_type3A_413 = arith.extui %eq3A_412 : i1 to i32
      %cond3A_414 = arith.constant 0 : i32
      %cond3A_415 = arith.cmpi ne, %convert_element_type3A_413, %cond3A_414 : i32
      scf.if %cond3A_415 {
        %get3A_416 = arith.constant 0 : index
        %get3A_417 = memref.load %arg7[%get3A_416] : memref<1xf32, #tpu.memory_space<smem>>
        %get3A_418 = arith.constant 0 : index
        %get3A_419 = memref.load %arg8[%get3A_418] : memref<1xf32, #tpu.memory_space<smem>>
        %add3A_420 = arith.addf %get3A_417, %get3A_419 : f32
        %get3A_421 = arith.constant 0 : index
        %get3A_422 = memref.load %arg1[%get3A_421] : memref<1xf32, #tpu.memory_space<smem>>
        %div3A_423 = arith.divf %add3A_420, %get3A_422 : f32
        %swap3A_424 = arith.constant 0 : index
        %swap3A_425 = memref.load %arg5[%swap3A_424] : memref<1xf32, #tpu.memory_space<smem>>
        memref.store %div3A_423, %arg5[%swap3A_424] : memref<1xf32, #tpu.memory_space<smem>>
      } else {
      }
    } else {
    }
    return
  }
  func.func @transform_0(%arg0: i32) -> i32 {
    %c0_i32 = arith.constant 0 : i32
    %c0_i32_0 = arith.constant 0 : i32
    return %c0_i32 : i32
  }
  func.func @transform_1(%arg0: i32) -> (i32, i32, i32) {
    %min3A = arith.constant 15 : i32
    %min3A_0 = arith.minsi %arg0, %min3A : i32
    %add3A = arith.constant 0 : i32
    %add3A_1 = arith.addi %min3A_0, %add3A : i32
    %jit3A = arith.constant 2 : i32
    %div3A = arith.divsi %add3A_1, %jit3A : i32
    %sign3A = arith.constant 0 : i32
    %sign3A_2 = arith.cmpi sgt, %add3A_1, %sign3A : i32
    %sign3A_3 = arith.extui %sign3A_2 : i1 to i32
    %sign3A_4 = arith.constant 0 : i32
    %sign3A_5 = arith.cmpi slt, %add3A_1, %sign3A_4 : i32
    %sign3A_6 = arith.extui %sign3A_5 : i1 to i32
    %sign3A_7 = arith.subi %sign3A_3, %sign3A_6 : i32
    %sign3A_8 = arith.constant 0 : i32
    %sign3A_9 = arith.cmpi sgt, %jit3A, %sign3A_8 : i32
    %sign3A_10 = arith.extui %sign3A_9 : i1 to i32
    %sign3A_11 = arith.constant 0 : i32
    %sign3A_12 = arith.cmpi slt, %jit3A, %sign3A_11 : i32
    %sign3A_13 = arith.extui %sign3A_12 : i1 to i32
    %sign3A_14 = arith.subi %sign3A_10, %sign3A_13 : i32
    %ne3A = arith.cmpi ne, %sign3A_7, %sign3A_14 : i32
    %rem3A = arith.remsi %add3A_1, %jit3A : i32
    %ne3A_15 = arith.constant 0 : i32
    %ne3A_16 = arith.cmpi ne, %rem3A, %ne3A_15 : i32
    %and3A = arith.andi %ne3A, %ne3A_16 : i1
    %sub3A = arith.constant 1 : i32
    %sub3A_17 = arith.subi %div3A, %sub3A : i32
    %select_n3A = arith.select %and3A, %sub3A_17, %div3A : i32
    %jit3A_18 = arith.constant 2 : i32
    %eq3A = arith.constant 0 : i32
    %eq3A_19 = arith.cmpi eq, %jit3A_18, %eq3A : i32
    %jit3A_20 = arith.constant 1 : i32
    %select_n3A_21 = arith.select %eq3A_19, %jit3A_20, %jit3A_18 : i32
    %rem3A_22 = arith.remsi %add3A_1, %select_n3A_21 : i32
    %ne3A_23 = arith.constant 0 : i32
    %ne3A_24 = arith.cmpi ne, %rem3A_22, %ne3A_23 : i32
    %lt3A = arith.constant 0 : i32
    %lt3A_25 = arith.cmpi slt, %rem3A_22, %lt3A : i32
    %lt3A_26 = arith.constant 0 : i32
    %lt3A_27 = arith.cmpi slt, %select_n3A_21, %lt3A_26 : i32
    %ne3A_28 = arith.xori %lt3A_25, %lt3A_27 : i1
    %and3A_29 = arith.andi %ne3A_28, %ne3A_24 : i1
    %add3A_30 = arith.addi %rem3A_22, %select_n3A_21 : i32
    %select_n3A_31 = arith.select %and3A_29, %add3A_30, %rem3A_22 : i32
    %c0_i32 = arith.constant 0 : i32
    %c0_i32_32 = arith.constant 0 : i32
    return %select_n3A, %select_n3A_31, %c0_i32 : i32, i32, i32
  }
  func.func @transform_2(%arg0: i32) -> (i32, i32, i32) {
    %min3A = arith.constant 15 : i32
    %min3A_0 = arith.minsi %arg0, %min3A : i32
    %add3A = arith.constant 16 : i32
    %add3A_1 = arith.addi %min3A_0, %add3A : i32
    %jit3A = arith.constant 2 : i32
    %div3A = arith.divsi %add3A_1, %jit3A : i32
    %sign3A = arith.constant 0 : i32
    %sign3A_2 = arith.cmpi sgt, %add3A_1, %sign3A : i32
    %sign3A_3 = arith.extui %sign3A_2 : i1 to i32
    %sign3A_4 = arith.constant 0 : i32
    %sign3A_5 = arith.cmpi slt, %add3A_1, %sign3A_4 : i32
    %sign3A_6 = arith.extui %sign3A_5 : i1 to i32
    %sign3A_7 = arith.subi %sign3A_3, %sign3A_6 : i32
    %sign3A_8 = arith.constant 0 : i32
    %sign3A_9 = arith.cmpi sgt, %jit3A, %sign3A_8 : i32
    %sign3A_10 = arith.extui %sign3A_9 : i1 to i32
    %sign3A_11 = arith.constant 0 : i32
    %sign3A_12 = arith.cmpi slt, %jit3A, %sign3A_11 : i32
    %sign3A_13 = arith.extui %sign3A_12 : i1 to i32
    %sign3A_14 = arith.subi %sign3A_10, %sign3A_13 : i32
    %ne3A = arith.cmpi ne, %sign3A_7, %sign3A_14 : i32
    %rem3A = arith.remsi %add3A_1, %jit3A : i32
    %ne3A_15 = arith.constant 0 : i32
    %ne3A_16 = arith.cmpi ne, %rem3A, %ne3A_15 : i32
    %and3A = arith.andi %ne3A, %ne3A_16 : i1
    %sub3A = arith.constant 1 : i32
    %sub3A_17 = arith.subi %div3A, %sub3A : i32
    %select_n3A = arith.select %and3A, %sub3A_17, %div3A : i32
    %jit3A_18 = arith.constant 2 : i32
    %eq3A = arith.constant 0 : i32
    %eq3A_19 = arith.cmpi eq, %jit3A_18, %eq3A : i32
    %jit3A_20 = arith.constant 1 : i32
    %select_n3A_21 = arith.select %eq3A_19, %jit3A_20, %jit3A_18 : i32
    %rem3A_22 = arith.remsi %add3A_1, %select_n3A_21 : i32
    %ne3A_23 = arith.constant 0 : i32
    %ne3A_24 = arith.cmpi ne, %rem3A_22, %ne3A_23 : i32
    %lt3A = arith.constant 0 : i32
    %lt3A_25 = arith.cmpi slt, %rem3A_22, %lt3A : i32
    %lt3A_26 = arith.constant 0 : i32
    %lt3A_27 = arith.cmpi slt, %select_n3A_21, %lt3A_26 : i32
    %ne3A_28 = arith.xori %lt3A_25, %lt3A_27 : i1
    %and3A_29 = arith.andi %ne3A_28, %ne3A_24 : i1
    %add3A_30 = arith.addi %rem3A_22, %select_n3A_21 : i32
    %select_n3A_31 = arith.select %and3A_29, %add3A_30, %rem3A_22 : i32
    %c0_i32 = arith.constant 0 : i32
    %c0_i32_32 = arith.constant 0 : i32
    return %select_n3A, %select_n3A_31, %c0_i32 : i32, i32, i32
  }
  func.func @transform_3(%arg0: i32) -> (i32, i32, i32) {
    %c0_i32 = arith.constant 0 : i32
    %c0_i32_0 = arith.constant 0 : i32
    %c0_i32_1 = arith.constant 0 : i32
    %c0_i32_2 = arith.constant 0 : i32
    return %c0_i32, %c0_i32_0, %c0_i32_1 : i32, i32, i32
  }
  func.func @transform_4(%arg0: i32) -> i32 {
    %c0_i32 = arith.constant 0 : i32
    %c0_i32_0 = arith.constant 0 : i32
    return %c0_i32 : i32
  }
}

</mosaic_0001>

<sc_bundles>
// kernel: kernel.4.cloned.1.call-start
scs
__scs_entry_jumppad:
0x0: {  	(pc) =	sbr.rel $0x88, $3  }
0x1: {  	(tag) =	ssettag $0x0;
	lr =	simm.s32 $0x1  }
0x2: {  	[smem:$0x3F9C] =	sst lr;
	_ =	strace $0xD0000000  }
0x3: {  	_ = 	snop  }
0x4: {  	_ = 	snop  }
0x5: {  	_ = 	snop  }
0x6: {  	_ = 	snop  }
0x7: {  	_ = 	snop  }
__scs_overlays_trampoline_lowered:
0x8: {  	[smem:$0x3FAB] =	sst s0  }
0x9: {  	[smem:$0x3FAC] =	sst s1  }
0xa: {  	[smem:$0x3FAD] =	sst s2  }
0xb: {  	[smem:$0x3FAE] =	sst s3  }
0xc: {  	[smem:$0x3FAF] =	sst s4  }
0xd: {  	[smem:$0x3FB0] =	sst s5  }
0xe: {  	[smem:$0x3FB1] =	sst s6  }
0xf: {  	[smem:$0x3FB2] =	sst s7  }
0x10: {  	[smem:$0x3FB3] =	sst s8  }
0x11: {  	[smem:$0x3FB4] =	sst s9;
	s0 =	simm.s32 @!p0 $0x0  }
0x12: {  	s1 =	sld [smem:$0x3F9A];
	s0 =	simm.s32 @p0 $0x1  }
0x13: {  	[smem:$0x3FB5] =	sst s0;
	s0 =	simm.s32 @!p1 $0x0  }
0x14: {  	s2 =	sld [smem:$0x3F99];
	s0 =	simm.s32 @p1 $0x1  }
0x15: {  	[smem:$0x3FB6] =	sst s0;
	s0 =	simm.s32 @!p2 $0x0  }
0x16: {  	s3 =	sld [smem:$0x3FDB];
	s0 =	simm.s32 @p2 $0x1  }
0x17: {  	s4 =	simm.s32 $0x1BF5;
	[smem:$0x3FB8] =	sst s0  }
0x18: {  	s0 =	sld [smem:$0x3F9B];
	_ =	swait.ge [sflag:s4], $0x0  }
0x19: {  	s7 =	sld [smem:$0x3F9C]  }
0x1a: {  	s8 =	sadd.s32 $0xFFFFE003, lr  }
0x1b: {  	s9 =	sadd.s32 $0xFFFFFEF7, lr;
	s5 =	simm.s32 $0xFFFFFFFF;
	p2 =	slt.u32 s8, $0xFFFFF086  }
0x1c: {  	p1 =	slt.u32 s9, $0xF7A;
	s5 =	simm.s32 @!p2 $0x0  }
0x1d: {  	s5 =	simm.s32 @p1 $0x1;
	p0 =	seq.s32 s7, s2  }
0x1e: {  	s7 =	smul.u32 @!p0 $0xF7A, s2;
	p2 =	seq.s32 @!p0 s5, $0x0  }
0x1f: {  	s9 =	smul.u32 $0xF7A, s1;
	s8 =	simm.s32 @!p0 $0x1BF5;
	p2 =	por !p2, p0  }
0x20: {  	[sflag:s8] =	ssyncset.s32 @!p0 $0xFFFFF086;
	s6 =	sadd.s32 @!p0 s3, s7;
	s7 =	simm.s32 @!p0 $0x108  }
0x21: {  	s3 =	sadd.s32 s3, s9;
	s6 =	sadd.s32 @!p0 $0x88, s6;
	s7 =	simm.s32 @p2 $0x1082  }
0x22: {  	[simem:s7], [sflag:s8] =	dma.local @!p0 [hbm:s6], $0xF7A  }
0x23: {  	s9 =	sor.u32 $0xD0000000, s2;
	s6 =	simm.s32 $0x108;
	_ =	swait.ge @!p0 [sflag:s8], $0x0  }
0x24: {  	s3 =	sadd.s32 $0x88, s3;
	s6 =	simm.s32 @!p1 $0x1082;
	[sflag:s4] =	ssyncset.s32 $0xFFFFF086  }
0x25: {  	[simem:s6], [sflag:s4] =	dma.local [hbm:s3], $0xF7A  }
0x26: {  	[smem:$0x3F9C] =	sst s1;
	(tag) =	ssettag s2;
	_ =	strace s9  }
0x27: {  	s1 =	sld [smem:$0x3FAC]  }
0x28: {  	s2 =	sld [smem:$0x3FAD]  }
0x29: {  	s4 =	sld [smem:$0x3FAF]  }
0x2a: {  	p0 =	seq.s32 s5, $0x0;
	s5 =	sld [smem:$0x3FB0]  }
0x2b: {  	s6 =	sld [smem:$0x3FB1]  }
0x2c: {  	s7 =	sld [smem:$0x3FB2]  }
0x2d: {  	s3 =	simm.s32 $0x108;
	s8 =	sld [smem:$0x3FB3]  }
0x2e: {  	s3 =	simm.s32 @!p0 $0x1082;
	s9 =	sld [smem:$0x3FB4]  }
0x2f: {  	lr =	sadd.s32 s0, s3;
	s0 =	sld [smem:$0x3FAB]  }
0x30: {  	s3 =	sld [smem:$0x3FAE]  }
0x31: {  	[smem:$0x3FB7] =	sst s10  }
0x32: {  	s10 =	sld [smem:$0x3FB5];
	_ =	sdelay $0x3  }
0x33: {  	p0 =	seq.s32 s10, $0x1;
	s10 =	sld [smem:$0x3FB7];
	_ =	sdelay $0x3  }
0x34: {  	[smem:$0x3FB7] =	sst s10  }
0x35: {  	s10 =	sld [smem:$0x3FB6];
	_ =	sdelay $0x3  }
0x36: {  	p1 =	seq.s32 s10, $0x1;
	s10 =	sld [smem:$0x3FB7];
	_ =	sdelay $0x3  }
0x37: {  	[smem:$0x3FB7] =	sst s10  }
0x38: {  	s10 =	sld [smem:$0x3FB8]  }
0x39: {  	_ = 	snop;
	(pc) =	sbr.ind lr, $3  }
0x3a: {  	_ = 	snop  }
0x3b: {  	_ = 	snop  }
0x3c: {  	p2 =	seq.s32 s10, $0x1;
	s10 =	sld [smem:$0x3FB7]  }
0x3d: {  	_ =	shalt  }
0x3e: {  	_ =	shalt  }
0x3f: {  	_ =	shalt  }
0x40: {  	_ =	shalt  }
0x41: {  	_ =	shalt  }
0x42: {  	_ =	shalt  }
0x43: {  	_ =	shalt  }
0x44: {  	_ =	shalt  }
0x45: {  	_ =	shalt  }
0x46: {  	_ =	shalt  }
0x47: {  	_ =	shalt  }
0x48: {  	_ =	shalt  }
0x49: {  	_ =	shalt  }
0x4a: {  	_ =	shalt  }
0x4b: {  	_ =	shalt  }
0x4c: {  	_ =	shalt  }
0x4d: {  	_ =	shalt  }
0x4e: {  	_ =	shalt  }
0x4f: {  	_ =	shalt  }
0x50: {  	_ =	shalt  }
0x51: {  	_ =	shalt  }
0x52: {  	_ =	shalt  }
0x53: {  	_ =	shalt  }
0x54: {  	_ =	shalt  }
0x55: {  	_ =	shalt  }
0x56: {  	_ =	shalt  }
0x57: {  	_ =	shalt  }
0x58: {  	_ =	shalt  }
0x59: {  	_ =	shalt  }
0x5a: {  	_ =	shalt  }
0x5b: {  	_ =	shalt  }
0x5c: {  	_ =	shalt  }
0x5d: {  	_ =	shalt  }
0x5e: {  	_ =	shalt  }
0x5f: {  	_ =	shalt  }
0x60: {  	_ =	shalt  }
0x61: {  	_ =	shalt  }
0x62: {  	_ =	shalt  }
0x63: {  	_ =	shalt  }
0x64: {  	_ =	shalt  }
0x65: {  	_ =	shalt  }
0x66: {  	_ =	shalt  }
0x67: {  	_ =	shalt  }
0x68: {  	_ =	shalt  }
0x69: {  	_ =	shalt  }
0x6a: {  	_ =	shalt  }
0x6b: {  	_ =	shalt  }
0x6c: {  	_ =	shalt  }
0x6d: {  	_ =	shalt  }
0x6e: {  	_ =	shalt  }
0x6f: {  	_ =	shalt  }
0x70: {  	_ =	shalt  }
0x71: {  	_ =	shalt  }
0x72: {  	_ =	shalt  }
0x73: {  	_ =	shalt  }
0x74: {  	_ =	shalt  }
0x75: {  	_ =	shalt  }
0x76: {  	_ =	shalt  }
0x77: {  	_ =	shalt  }
0x78: {  	_ =	shalt  }
0x79: {  	_ =	shalt  }
0x7a: {  	_ =	shalt  }
0x7b: {  	_ =	shalt  }
0x7c: {  	_ =	shalt  }
0x7d: {  	_ =	shalt  }
0x7e: {  	_ =	shalt  }
0x7f: {  	_ =	shalt  }
0x80: {  	_ =	shalt  }
0x81: {  	_ =	shalt  }
0x82: {  	_ =	shalt  }
0x83: {  	_ =	shalt  }
0x84: {  	_ =	shalt  }
0x85: {  	_ =	shalt  }
0x86: {  	_ =	shalt  }
0x87: {  	_ =	shalt  }
.Lfunc_end0:
.L_simem_size_0:
called_computation_lowered:
.L_overlay_start_0:
0x88: {  	s2 =	sld [smem:$0x3FD9]  }
0x89: {  	s3 =	sld [smem:$0x3FFE];
	_ =	sdelay $0x1  }
0x8a: {  	s1 =	srdreg.scid  }
0x8b: {  	s0 =	sand.u32 $0x1, s1  }
0x8c: {  	s16 =	sshll.u32 s0, $0xA;
	s2 =	sadd.s32 s3, s2  }
0x8d: {  	s2 =	sadd.s32 s2, s16  }
0x8e: {  	[smem:$0x3FC3] =	sst s2  }
0x8f: {  	_ = 	snop  }
0x90: {  	(tm) =	ssettm $0x1  }
0x91: {  	s17 =	sld [smem:$0x3FFB];
	_ =	sdelay $0x3  }
0x92: {  	_ =	strace s17  }
0x93: {  	s2 =	sld [smem:$0x3FFC];
	_ =	sdelay $0x3  }
0x94: {  	_ =	strace s2  }
0x95: {  	s2 =	sld [smem:$0x3FFD];
	_ =	sdelay $0x3  }
0x96: {  	_ =	strace s2  }
0x97: {  	_ =	strace $0x8FFFFFFF  }
0x98: {  	s18 =	sld [smem:$0x3FDB];
	_ =	sdelay $0x1  }
0x99: {  	s19 =	simm.s32 $_scs_section_size  }
0x9a: {  	s4 =	simm.s32 $_size__tile_overlayer_lowered;
	s5 =	simm.s32 $_tile_overlayer_lowered  }
0x9b: {  	s22 =	simm.s32 $0x1BFF;
	s21 =	sshll.u32 s5, $0x1;
	s2 =	sadd.s32 s19, s18  }
0x9c: {  	s6 =	simm.s32 $0x0;
	s20 =	sshll.u32 s4, $0x1;
	s4 =	sadd.s32 s21, s2  }
0x9d: {  	[timem:s6], [sflag:s22] =	dma.local [hbm:s4], s20  }
0x9e: {  	_ =	swait.ge [sflag:s22], s20  }
0x9f: {  	s3 =	ssub.s32 $0x0, s20;
	[sflag:s22] =	ssyncset.done $0x0  }
0xa0: {  	[sflag:s22] =	ssyncadd.s32 s3;
	_ =	sdelay $0x1  }
0xa1: {  	s23 =	simm.s32 $0x1B8B  }
0xa2: {  	_ =	swait.ge [sflag:s23], $0x1  }
0xa3: {  	[sflag:s23] =	ssyncset.done $0x0  }
0xa4: {  	s25 =	simm.s32 $0x1B8E;
	s24 =	sld [smem:$0x3FFE];
	[sflag:s23] =	ssyncadd.s32 $0xFFFFFFFF  }
0xa5: {  	s26 =	simm.s32 $execute0_lowered;
	[smem:$0x3FD2] =	sst s25  }
0xa6: {  	s4 =	sshll.u32 s26, $0x1;
	_ =	strace $0x80000046;
	[dreg:$0x1] =	wrdreg $0xFFFFFFFF  }
0xa7: {  	s28 =	simm.s32 $_size_execute0_lowered;
	s2 =	sadd.s32 s2, s4;
	[dreg:$0x0] =	wrdreg $0x0  }
0xa8: {  	s4 =	sshll.u32 s28, $0x1;
	[dreg:$0x2] =	wrdreg s2  }
0xa9: {  	[dreg:$0x3] =	wrdreg s4  }
0xaa: {  	[dreg:$0x4] =	wrdreg $0xC0  }
0xab: {  	_ =	task [dreg:s6], $0x5FFFF  }
0xac: {  	[dreg:$0x1] =	wrdreg $0xFFFFFFFF  }
0xad: {  	[dreg:$0x0] =	wrdreg $0x60  }
0xae: {  	[dreg:$0x2] =	wrdreg s24  }
0xaf: {  	[dreg:$0x3] =	wrdreg $0x9  }
0xb0: {  	_ =	task.clear_ibuf [dreg:s6], $0x4FFFF;
	_ =	strace $0x90000046  }
0xb1: {  	s29 =	simm.s32 $0x9;
	_ =	strace $0x80000048  }
0xb2: {  	_ =	swait.ge [sflag:s29], $0x1  }
0xb3: {  	[sflag:s29] =	ssyncadd.s32 $0xFFFFFFFF  }
0xb4: {  	_ =	strace $0x90000048  }
0xb5: {  	_ =	sfence  }
0xb6: {  	s30 =	sld [smem:$0x0];
	_ =	sdelay $0x2  }
0xb7: {  	s31 =	sshll.u32 s1, $0xD;
	s1 =	sshrl.u32 s1, $0x2  }
0xb8: {  	s3 =	sand.u32 $0x4000, s31;
	s1 =	sadd.s32 s1, s30  }
0xb9: {  	s0 =	sor.u32 s3, s0;
	s1 =	sshll.u32 s1, $0x11  }
0xba: {  	s0 =	sor.u32 s1, s0  }
0xbb: {  	s0 =	sadd.s32 $0x8F2B, s0  }
0xbc: {  	[sflag:s0] =	ssyncadd.remote.s32 $0x1  }
0xbd: {  	_ =	sfence.sel $0xFFFF  }
0xbe: {  	[dreg:$0x0] =	wrdreg $0xFFFFFFFF;
	(pc) =	sbr.abs _section_cstart, $3  }
0xbf: {  	[dreg:$0x1] =	wrdreg $0xFFFFFFFF  }
0xc0: {  	_ =	task.clear_ibuf [dreg:s6], $0x2FFFF;
	_ =	strace $0x9FFFFFFF  }
0xc1: {  	(tm) =	ssettm $0x7FFFFFFF  }
tec
execute0_lowered:
.L_overlay_start_1:
0x0: {  	(tag) =	ssettag $0x1  }
0x1: {  	s1 =	srdreg.scid  }
0x2: {  	s0 =	stileid.u32;
	s4 =	rddreg [dreg:$0x0]  }
0x3: {  	s2 =	simm.s32 $0x0;
	s14 =	simm.s32 $0x1;
	s15 =	simm.s32 $0x4200  }
0x4: {  	s16 =	simm.s32 $0x8400;
	s17 =	simm.s32 $0x9480;
	s18 =	simm.s32 $0xA500  }
0x5: {  	s19 =	simm.s32 $0xB580;
	s3 =	sand.u32 $0x1, s1;
	s31 =	sshll.u32 s0, $0x1  }
0x6: {  	s20 =	simm.s32 $0xC600;
	s21 =	simm.s32 $0xD680;
	s5 =	sor.u32 s3, s31  }
0x7: {  	s22 =	simm.s32 $0xE700;
	s23 =	simm.s32 $0x0;
	s6 =	smul.u32 $0x1068, s5  }
0x8: {  	[smem:$0x7FF] =	sst s2;
	s3 =	ssub.s32 $0x2, s3;
	s5 =	smul.u32 $0x834, s5  }
0x9: {  	s1 =	rddreg [dreg:$0x1];
	_ =	strace $0x80000047;
	s7 =	sshrl.u32 s3, $0x1  }
0xa: {  	v0 =	vlaneseq.u32;
	vm0 =	vcmask $0x300;
	s13 =	ssub.s32 s3, s7;
	s6 =	sshrl.u32 s6, $0x3;
	s5 =	sadd.s32 s5, s4  }
0xb: {  	v4 =	vimm.s32 $0x419F;
	vm1 =	vcmask $0x704;
	vm2 =	vcmask $0xB08;
	s13 =	smax.u32 s13, $0x1;
	s12 =	sadd.s32 s6, s4;
	s3 =	sadd.s32 $0x20D800, s5  }
0xc: {  	vm3 =	vcmask $0xF0C;
	vm4 =	vcmask $0x1310;
	v0 =	vmul.u32 $0x4, v0;
	s4 =	sadd.s32 $0x21E000, s5;
	s5 =	sadd.s32 $0x800, s12;
	s6 =	sadd.s32 $0x4A00, s12  }
0xd: {  	vm5 =	vcmask $0x1714;
	vm6 =	vcmask $0x1B18;
	vm7 =	vcmask $0x1F1C;
	s7 =	sadd.s32 $0x8BA0, s12;
	s8 =	sadd.s32 $0xCD40, s12;
	s9 =	sadd.s32 $0x10EE0, s12  }
0xe: {  	v1 =	vor.u32 $0x1, v0;
	v2 =	vor.u32 $0x2, v0;
	v3 =	vor.u32 $0x3, v0;
	s10 =	sadd.s32 $0x15080, s12;
	s11 =	sadd.s32 $0x19220, s12;
	s12 =	sadd.s32 $0x1D3C0, s12  }
.LBB2_1:
0xf: {  	[tilespmem:s2], [sflag:$0x1] =	stream.linear.gather [hbm4b:s3+s2], $0x41A0, $0x38;
	[tilespmem:$0xF780] =	vst v63  }
0x10: {  	_ =	swait.ge [sflag:s14], $0x41A0  }
0x11: {  	[sflag:s14] =	ssyncset.done $0x0  }
0x12: {  	[sflag:s14] =	ssyncadd.s32 $0xFFFFBE60  }
0x13: {  	[tilespmem:s15], [sflag:$0x1] =	stream.linear.gather [hbm4b:s4+s2], $0x41A0, $0x38;
	[tilespmem:$0xF780] =	vst v63  }
0x14: {  	v5 =	vor.u32 s2, v0;
	_ =	swait.ge [sflag:s14], $0x41A0  }
0x15: {  	vm8 =	vlt.s32 v5, $0x419F;
	[sflag:s14] =	ssyncset.done $0x0  }
0x16: {  	v6 =	vor.u32 s2, v3;
	v5 =	vnsel vm8, $0x419F, v5;
	[sflag:s14] =	ssyncadd.s32 $0xFFFFBE60  }
0x17: {  	vm8 =	vlt.s32 v6, $0x419F;
	[tilespmem:s16], [sflag:$0x1] =	stream.linear.gather [hbm4b:s5+s2], $0x1068, $0x38;
	[tilespmem:$0xF780] =	vst v63  }
0x18: {  	v7 =	vor.u32 s2, v2;
	v6 =	vnsel vm8, $0x419F, v6;
	_ =	swait.ge [sflag:s14], $0x1068  }
0x19: {  	vm8 =	vlt.s32 v7, $0x419F;
	[sflag:s14] =	ssyncset.done $0x0  }
0x1a: {  	v8 =	vor.u32 s2, v1;
	v7 =	vnsel vm8, $0x419F, v7;
	[sflag:s14] =	ssyncadd.s32 $0xFFFFEF98  }
0x1b: {  	vm8 =	vlt.s32 v8, $0x419F;
	v9 =	vld.idx.msk [tilespmem:v5+s15+$0x0], $0xffff  }
0x1c: {  	v8 =	vnsel vm8, $0x419F, v8;
	v5 =	vld.idx.msk [tilespmem:v5+s2+$0x0], $0xffff  }
0x1d: {  	v10 =	vld.idx.msk [tilespmem:v6+s15+$0x0], $0xffff  }
0x1e: {  	v6 =	vld.idx.msk [tilespmem:v6+s2+$0x0], $0xffff  }
0x1f: {  	v11 =	vld.idx.msk [tilespmem:v7+s15+$0x0], $0xffff  }
0x20: {  	v7 =	vld.idx.msk [tilespmem:v7+s2+$0x0], $0xffff  }
0x21: {  	v12 =	vld.idx.msk [tilespmem:v8+s15+$0x0], $0xffff  }
0x22: {  	v8 =	vld.idx.msk [tilespmem:v8+s2+$0x0], $0xffff;
	_ =	sdelay $0x3  }
0x23: {  	v11 =	vsub.f32 v11, v9;
	v7 =	vsub.f32 v7, v5  }
0x24: {  	v10 =	vsub.f32 v10, v12;
	v6 =	vsub.f32 v6, v8  }
0x25: {  	v13 =	vmul.f32 $5.000000000e-01, v11;
	v14 =	vmul.f32 $5.000000000e-01, v7  }
0x26: {  	s24 =	simm.s32 $0x0;
	v15 =	vmul.f32 $5.000000000e-01, v10;
	v16 =	vmul.f32 $5.000000000e-01, v6  }
0x27: {  	[tilespmem:s24+$0xC600] =	vst v7;
	v7 =	vadd.f32 v13, v9;
	v5 =	vadd.f32 v14, v5  }
0x28: {  	v9 =	vadd.f32 v15, v12;
	v8 =	vadd.f32 v16, v8;
	_ =	sdelay $0x1  }
0x29: {  	[tilespmem:s24+$0xD680] =	vst v6;
	v5 =	vsub.f32 v5, v7;
	v6 =	vsub.f32 v8, v9  }
0x2a: {  	s25 =	simm.s32 $0x40;
	v7 =	vld [tilespmem:s24+$0x8400]  }
0x2b: {  	v8 =	vor.u32 s25, v2;
	v5 =	vmul.f32 v5, v5;
	v6 =	vmul.f32 v6, v6  }
0x2c: {  	vm8 =	vlt.s32 v8, $0x419F  }
0x2d: {  	[tilespmem:s24+$0xB580] =	vst v10;
	v10 =	vor.u32 s25, v3;
	v5 =	vadd.f32 v6, v5;
	v6 =	vnsel vm8, $0x419F, v8  }
0x2e: {  	vm8 =	vlt.s32 v10, $0x419F  }
0x2f: {  	[tilespmem:s24+$0x9480] =	vst v9;
	v9 =	vor.u32 s25, v1;
	v8 =	vnsel vm8, $0x419F, v10;
	v5 =	vmul.f32 v5, v7  }
0x30: {  	[tilespmem:s24+$0xA500] =	vst v11;
	vm9 =	vlt.s32 v9, $0x419F  }
0x31: {  	v10 =	vor.u32 s25, v0;
	v7 =	vnsel vm9, $0x419F, v9;
	[tilespmem:s24+$0xE700] =	vst v5  }
0x32: {  	vm8 =	vlt.s32 v10, $0x419F;
	v9 =	vld.idx.msk [tilespmem:v6+s15+$0x0], $0xffff  }
0x33: {  	v5 =	vnsel vm8, $0x419F, v10;
	v6 =	vld.idx.msk [tilespmem:v6+s2+$0x0], $0xffff  }
0x34: {  	v10 =	vld.idx.msk [tilespmem:v8+s15+$0x0], $0xffff  }
0x35: {  	v8 =	vld.idx.msk [tilespmem:v8+s2+$0x0], $0xffff  }
0x36: {  	v11 =	vld.idx.msk [tilespmem:v7+s2+$0x0], $0xffff  }
0x37: {  	v7 =	vld.idx.msk [tilespmem:v7+s15+$0x0], $0xffff  }
0x38: {  	v56 =	vld.idx.msk [tilespmem:v5+s15+$0x0], $0xffff  }
0x39: {  	v5 =	vld.idx.msk [tilespmem:v5+s2+$0x0], $0xffff;
	_ =	sdelay $0x3  }
0x3a: {  	v8 =	vsub.f32 v8, v11;
	v10 =	vsub.f32 v10, v7  }
0x3b: {  	v9 =	vsub.f32 v9, v56;
	v6 =	vsub.f32 v6, v5  }
0x3c: {  	v57 =	vmul.f32 $5.000000000e-01, v8;
	[tilespmem:s24+$0xD690] =	vst v8;
	v59 =	vmul.f32 $5.000000000e-01, v10  }
0x3d: {  	v58 =	vmul.f32 $5.000000000e-01, v9;
	v8 =	vmul.f32 $5.000000000e-01, v6;
	[tilespmem:s24+$0xA510] =	vst v9  }
0x3e: {  	v9 =	vadd.f32 v57, v11;
	[tilespmem:s24+$0xC610] =	vst v6;
	v6 =	vadd.f32 v59, v7  }
0x3f: {  	v11 =	vadd.f32 v58, v56;
	v5 =	vadd.f32 v8, v5;
	_ =	sdelay $0x1  }
0x40: {  	v7 =	vsub.f32 v9, v6;
	v5 =	vsub.f32 v5, v11  }
0x41: {  	s30 =	simm.s32 $0x80;
	[tilespmem:s24+$0x9490] =	vst v6;
	v6 =	vld [tilespmem:s24+$0x8410]  }
0x42: {  	v8 =	vor.u32 s30, v2;
	v7 =	vmul.f32 v7, v7;
	v5 =	vmul.f32 v5, v5  }
0x43: {  	v9 =	vor.u32 s30, v3;
	vm8 =	vlt.s32 v8, $0x419F  }
0x44: {  	vm13 =	vlt.s32 v9, $0x419F;
	v5 =	vadd.f32 v7, v5;
	v7 =	vnsel vm8, $0x419F, v8  }
0x45: {  	v9 =	vnsel vm13, $0x419F, v9  }
0x46: {  	v8 =	vor.u32 s30, v0;
	v5 =	vmul.f32 v5, v6  }
0x47: {  	[tilespmem:s24+$0xB590] =	vst v10;
	vm8 =	vlt.s32 v8, $0x419F  }
0x48: {  	v10 =	vor.u32 s30, v1;
	v6 =	vnsel vm8, $0x419F, v8;
	[tilespmem:s24+$0xE710] =	vst v5  }
0x49: {  	vm14 =	vlt.s32 v10, $0x419F;
	v8 =	vld.idx.msk [tilespmem:v7+s15+$0x0], $0xffff  }
0x4a: {  	v5 =	vnsel vm14, $0x419F, v10;
	v10 =	vld.idx.msk [tilespmem:v9+s15+$0x0], $0xffff  }
0x4b: {  	v7 =	vld.idx.msk [tilespmem:v7+s2+$0x0], $0xffff  }
0x4c: {  	v9 =	vld.idx.msk [tilespmem:v9+s2+$0x0], $0xffff  }
0x4d: {  	v11 =	vld.idx.msk [tilespmem:v6+s15+$0x0], $0xffff  }
0x4e: {  	v6 =	vld.idx.msk [tilespmem:v6+s2+$0x0], $0xffff  }
0x4f: {  	v60 =	vld.idx.msk [tilespmem:v5+s15+$0x0], $0xffff  }
0x50: {  	v5 =	vld.idx.msk [tilespmem:v5+s2+$0x0], $0xffff;
	_ =	sdelay $0x3  }
0x51: {  	v8 =	vsub.f32 v8, v11;
	v7 =	vsub.f32 v7, v6  }
0x52: {  	v10 =	vsub.f32 v10, v60;
	v9 =	vsub.f32 v9, v5  }
0x53: {  	v61 =	vmul.f32 $5.000000000e-01, v8;
	[tilespmem:s24+$0xA520] =	vst v8;
	v8 =	vmul.f32 $5.000000000e-01, v7  }
0x54: {  	v62 =	vmul.f32 $5.000000000e-01, v10;
	v63 =	vmul.f32 $5.000000000e-01, v9  }
0x55: {  	[tilespmem:s24+$0xB5A0] =	vst v10;
	v10 =	vadd.f32 v61, v11;
	v6 =	vadd.f32 v8, v6  }
0x56: {  	v11 =	vadd.f32 v62, v60;
	v5 =	vadd.f32 v63, v5;
	_ =	sdelay $0x1  }
0x57: {  	v6 =	vsub.f32 v6, v10;
	v5 =	vsub.f32 v5, v11  }
0x58: {  	[tilespmem:s24+$0xC620] =	vst v7;
	v7 =	vld [tilespmem:s24+$0x8420]  }
0x59: {  	v6 =	vmul.f32 v6, v6;
	v5 =	vmul.f32 v5, v5  }
0x5a: {  	s31 =	simm.s32 $0xC0  }
0x5b: {  	v8 =	vor.u32 s31, v1;
	v5 =	vadd.f32 v5, v6  }
0x5c: {  	[tilespmem:s24+$0xD6A0] =	vst v9;
	v9 =	vor.u32 s31, v2;
	vm8 =	vlt.s32 v8, $0x419F;
	v6 =	vor.u32 s31, v3  }
0x5d: {  	[tilespmem:s24+$0x94A0] =	vst v11;
	vm15 =	vlt.s32 v6, $0x419F;
	v11 =	vmul.f32 v5, v7;
	v5 =	vnsel vm8, $0x419F, v8  }
0x5e: {  	vm8 =	vlt.s32 v9, $0x419F;
	v6 =	vnsel vm15, $0x419F, v6  }
0x5f: {  	v10 =	vor.u32 s31, v0;
	v7 =	vnsel vm8, $0x419F, v9  }
0x60: {  	vm10 =	vlt.s32 v10, $0x419F  }
0x61: {  	s26 =	simm.s32 $0x0;
	s25 =	simm.s32 $0x0;
	v8 =	vnsel vm10, $0x419F, v10;
	[tilespmem:s24+$0xE720] =	vst v11  }
.LBB2_2:
0x62: {  	s25 =	sadd.s32 $0x4, s25;
	v9 =	vld.idx.msk [tilespmem:v5+s2+$0x0], $0xffff;
	s26 =	sadd.s32 $0x100, s26  }
0x63: {  	p0 =	slt.u32 s25, $0x100;
	v10 =	vld.idx.msk [tilespmem:v6+s15+$0x0], $0xffff  }
0x64: {  	v11 =	vld.idx.msk [tilespmem:v7+s2+$0x0], $0xffff  }
0x65: {  	v7 =	vld.idx.msk [tilespmem:v7+s15+$0x0], $0xffff  }
0x66: {  	v12 =	vld.idx.msk [tilespmem:v8+s2+$0x0], $0xffff  }
0x67: {  	v8 =	vld.idx.msk [tilespmem:v8+s15+$0x0], $0xffff  }
0x68: {  	v5 =	vld.idx.msk [tilespmem:v5+s15+$0x0], $0xffff  }
0x69: {  	v6 =	vld.idx.msk [tilespmem:v6+s2+$0x0], $0xffff;
	_ =	sdelay $0x3  }
0x6a: {  	v7 =	vsub.f32 v7, v8  }
0x6b: {  	v11 =	vsub.f32 v11, v12;
	v10 =	vsub.f32 v10, v5  }
0x6c: {  	v6 =	vsub.f32 v6, v9;
	v13 =	vmul.f32 $5.000000000e-01, v7;
	[tilespmem:s24+$0xA530] =	vst v7  }
0x6d: {  	v7 =	vmul.f32 $5.000000000e-01, v11;
	v14 =	vmul.f32 $5.000000000e-01, v10;
	[tilespmem:s24+$0xB5B0] =	vst v10  }
0x6e: {  	v10 =	vmul.f32 $5.000000000e-01, v6;
	v8 =	vadd.f32 v13, v8;
	[tilespmem:s24+$0xD6B0] =	vst v6  }
0x6f: {  	v6 =	vadd.f32 v7, v12;
	v5 =	vadd.f32 v14, v5;
	[tilespmem:s24+$0xC630] =	vst v11  }
0x70: {  	v7 =	vadd.f32 v10, v9  }
0x71: {  	v6 =	vsub.f32 v6, v8;
	[tilespmem:s24+$0x94B0] =	vst v5  }
0x72: {  	v5 =	vsub.f32 v7, v5;
	v8 =	vld [tilespmem:s24+$0x8430]  }
0x73: {  	v7 =	vor.u32 s26, v0;
	v6 =	vmul.f32 v6, v6  }
0x74: {  	v9 =	vor.u32 s26, v3;
	vm8 =	vlt.s32 v7, $0x419F;
	v5 =	vmul.f32 v5, v5  }
0x75: {  	v10 =	vor.u32 s26, v1;
	v11 =	vor.u32 s26, v2;
	v7 =	vnsel vm8, $0x419F, v7  }
0x76: {  	vm9 =	vlt.s32 v9, $0x419F;
	vm8 =	vlt.s32 v10, $0x419F;
	v5 =	vadd.f32 v5, v6  }
0x77: {  	v9 =	vnsel vm9, $0x419F, v9;
	v6 =	vnsel vm8, $0x419F, v10  }
0x78: {  	vm8 =	vlt.s32 v11, $0x419F;
	v5 =	vmul.f32 v5, v8  }
0x79: {  	v8 =	vnsel vm8, $0x419F, v11  }
0x7a: {  	[tilespmem:s24+$0xE730] =	vst v5  }
0x7b: {  	v5 =	vld.idx.msk [tilespmem:v7+s15+$0x0], $0xffff  }
0x7c: {  	v7 =	vld.idx.msk [tilespmem:v7+s2+$0x0], $0xffff  }
0x7d: {  	v10 =	vld.idx.msk [tilespmem:v9+s15+$0x0], $0xffff  }
0x7e: {  	v9 =	vld.idx.msk [tilespmem:v9+s2+$0x0], $0xffff  }
0x7f: {  	v11 =	vld.idx.msk [tilespmem:v8+s15+$0x0], $0xffff  }
0x80: {  	v8 =	vld.idx.msk [tilespmem:v8+s2+$0x0], $0xffff  }
0x81: {  	v12 =	vld.idx.msk [tilespmem:v6+s15+$0x0], $0xffff  }
0x82: {  	v6 =	vld.idx.msk [tilespmem:v6+s2+$0x0], $0xffff;
	_ =	sdelay $0x2  }
0x83: {  	v11 =	vsub.f32 v11, v5  }
0x84: {  	v8 =	vsub.f32 v8, v7  }
0x85: {  	s24 =	sshra.s32 s26, $0x2;
	v10 =	vsub.f32 v10, v12;
	v13 =	vmul.f32 $5.000000000e-01, v11  }
0x86: {  	v9 =	vsub.f32 v9, v6;
	v14 =	vmul.f32 $5.000000000e-01, v8;
	[tilespmem:s24+$0xC600] =	vst v8  }
0x87: {  	v5 =	vadd.f32 v13, v5;
	v8 =	vmul.f32 $5.000000000e-01, v10;
	[tilespmem:s24+$0xB580] =	vst v10  }
0x88: {  	v7 =	vadd.f32 v14, v7;
	v10 =	vmul.f32 $5.000000000e-01, v9;
	[tilespmem:s24+$0xD680] =	vst v9  }
0x89: {  	v8 =	vadd.f32 v8, v12  }
0x8a: {  	v6 =	vadd.f32 v10, v6;
	v5 =	vsub.f32 v7, v5  }
0x8b: {  	[tilespmem:s24+$0x9480] =	vst v8  }
0x8c: {  	v6 =	vsub.f32 v6, v8  }
0x8d: {  	s28 =	sadd.s32 $0x40, s26;
	v7 =	vld [tilespmem:s24+$0x8400]  }
0x8e: {  	v5 =	vmul.f32 v5, v5;
	v8 =	vor.u32 s28, v2;
	v6 =	vmul.f32 v6, v6  }
0x8f: {  	v9 =	vor.u32 s28, v1;
	v10 =	vor.u32 s28, v3;
	vm8 =	vlt.s32 v8, $0x419F  }
0x90: {  	v5 =	vadd.f32 v6, v5;
	v6 =	vnsel vm8, $0x419F, v8;
	vm8 =	vlt.s32 v10, $0x419F  }
0x91: {  	vm9 =	vlt.s32 v9, $0x419F;
	v8 =	vor.u32 s28, v0;
	v10 =	vnsel vm8, $0x419F, v10  }
0x92: {  	vm8 =	vlt.s32 v8, $0x419F;
	v5 =	vmul.f32 v5, v7;
	v7 =	vnsel vm9, $0x419F, v9  }
0x93: {  	[tilespmem:s24+$0xA500] =	vst v11  }
0x94: {  	[tilespmem:s24+$0xE700] =	vst v5;
	v5 =	vnsel vm8, $0x419F, v8  }
0x95: {  	v8 =	vld.idx.msk [tilespmem:v6+s15+$0x0], $0xffff  }
0x96: {  	v9 =	vld.idx.msk [tilespmem:v10+s15+$0x0], $0xffff  }
0x97: {  	v11 =	vld.idx.msk [tilespmem:v7+s2+$0x0], $0xffff  }
0x98: {  	v10 =	vld.idx.msk [tilespmem:v10+s2+$0x0], $0xffff  }
0x99: {  	v12 =	vld.idx.msk [tilespmem:v5+s15+$0x0], $0xffff  }
0x9a: {  	v5 =	vld.idx.msk [tilespmem:v5+s2+$0x0], $0xffff  }
0x9b: {  	v6 =	vld.idx.msk [tilespmem:v6+s2+$0x0], $0xffff  }
0x9c: {  	v7 =	vld.idx.msk [tilespmem:v7+s15+$0x0], $0xffff;
	_ =	sdelay $0x1  }
0x9d: {  	v10 =	vsub.f32 v10, v11  }
0x9e: {  	v8 =	vsub.f32 v8, v12  }
0x9f: {  	v13 =	vmul.f32 $5.000000000e-01, v10;
	[tilespmem:s24+$0xD690] =	vst v10  }
0xa0: {  	v6 =	vsub.f32 v6, v5;
	v10 =	vmul.f32 $5.000000000e-01, v8;
	[tilespmem:s24+$0xA510] =	vst v8  }
0xa1: {  	v8 =	vadd.f32 v13, v11;
	v9 =	vsub.f32 v9, v7  }
0xa2: {  	v11 =	vmul.f32 $5.000000000e-01, v6;
	v10 =	vadd.f32 v10, v12;
	[tilespmem:s24+$0xC610] =	vst v6  }
0xa3: {  	v6 =	vmul.f32 $5.000000000e-01, v9;
	[tilespmem:s24+$0xB590] =	vst v9  }
0xa4: {  	v5 =	vadd.f32 v11, v5  }
0xa5: {  	v6 =	vadd.f32 v6, v7  }
0xa6: {  	v5 =	vsub.f32 v5, v10  }
0xa7: {  	v7 =	vsub.f32 v8, v6;
	[tilespmem:s24+$0x9490] =	vst v6  }
0xa8: {  	s28 =	sadd.s32 $0x80, s26;
	v5 =	vmul.f32 v5, v5;
	v6 =	vld [tilespmem:s24+$0x8410]  }
0xa9: {  	v9 =	vor.u32 s28, v3;
	v8 =	vor.u32 s28, v2;
	v7 =	vmul.f32 v7, v7  }
0xaa: {  	vm9 =	vlt.s32 v9, $0x419F;
	v10 =	vor.u32 s28, v0;
	vm8 =	vlt.s32 v8, $0x419F  }
0xab: {  	vm10 =	vlt.s32 v10, $0x419F;
	v5 =	vadd.f32 v7, v5;
	v7 =	vnsel vm8, $0x419F, v8  }
0xac: {  	v9 =	vnsel vm9, $0x419F, v9;
	v8 =	vor.u32 s28, v1  }
0xad: {  	vm8 =	vlt.s32 v8, $0x419F;
	v5 =	vmul.f32 v5, v6  }
0xae: {  	v6 =	vnsel vm10, $0x419F, v10  }
0xaf: {  	[tilespmem:s24+$0xE710] =	vst v5;
	v5 =	vnsel vm8, $0x419F, v8  }
0xb0: {  	v8 =	vld.idx.msk [tilespmem:v7+s15+$0x0], $0xffff  }
0xb1: {  	v10 =	vld.idx.msk [tilespmem:v9+s15+$0x0], $0xffff  }
0xb2: {  	v7 =	vld.idx.msk [tilespmem:v7+s2+$0x0], $0xffff  }
0xb3: {  	v11 =	vld.idx.msk [tilespmem:v6+s15+$0x0], $0xffff  }
0xb4: {  	v12 =	vld.idx.msk [tilespmem:v5+s15+$0x0], $0xffff  }
0xb5: {  	v9 =	vld.idx.msk [tilespmem:v9+s2+$0x0], $0xffff  }
0xb6: {  	v6 =	vld.idx.msk [tilespmem:v6+s2+$0x0], $0xffff  }
0xb7: {  	v5 =	vld.idx.msk [tilespmem:v5+s2+$0x0], $0xffff;
	_ =	sdelay $0x1  }
0xb8: {  	v8 =	vsub.f32 v8, v11  }
0xb9: {  	v10 =	vsub.f32 v10, v12  }
0xba: {  	v13 =	vmul.f32 $5.000000000e-01, v8;
	[tilespmem:s24+$0xA520] =	vst v8  }
0xbb: {  	v7 =	vsub.f32 v7, v6;
	v8 =	vmul.f32 $5.000000000e-01, v10;
	[tilespmem:s24+$0xB5A0] =	vst v10  }
0xbc: {  	v9 =	vsub.f32 v9, v5;
	v10 =	vadd.f32 v13, v11  }
0xbd: {  	v11 =	vmul.f32 $5.000000000e-01, v7;
	v8 =	vadd.f32 v8, v12;
	[tilespmem:s24+$0xC620] =	vst v7  }
0xbe: {  	v7 =	vmul.f32 $5.000000000e-01, v9;
	[tilespmem:s24+$0xD6A0] =	vst v9  }
0xbf: {  	v6 =	vadd.f32 v11, v6;
	[tilespmem:s24+$0x94A0] =	vst v8  }
0xc0: {  	v5 =	vadd.f32 v7, v5  }
0xc1: {  	v6 =	vsub.f32 v6, v10  }
0xc2: {  	v5 =	vsub.f32 v5, v8  }
0xc3: {  	s28 =	sadd.s32 $0xC0, s26;
	v6 =	vmul.f32 v6, v6;
	v7 =	vld [tilespmem:s24+$0x8420]  }
0xc4: {  	v9 =	vor.u32 s28, v3;
	v8 =	vor.u32 s28, v1;
	v5 =	vmul.f32 v5, v5  }
0xc5: {  	vm9 =	vlt.s32 v9, $0x419F;
	v10 =	vor.u32 s28, v2;
	vm8 =	vlt.s32 v8, $0x419F  }
.Ltmp0:
0xc6: {  	v11 =	vadd.f32 v5, v6;
	v5 =	vnsel vm8, $0x419F, v8;
	vm8 =	vlt.s32 v10, $0x419F;
	(pc) =	sbr.rel @p0 .LBB2_2-.Ltmp0, $3  }
0xc7: {  	v8 =	vor.u32 s28, v0;
	v6 =	vnsel vm9, $0x419F, v9  }
0xc8: {  	vm9 =	vlt.s32 v8, $0x419F;
	v9 =	vmul.f32 v11, v7;
	v7 =	vnsel vm8, $0x419F, v10;
	_ =	sdelay $0x1  }
0xc9: {  	v8 =	vnsel vm9, $0x419F, v8;
	[tilespmem:s24+$0xE720] =	vst v9  }
0xca: {  	_ =	sdelay $0x3  }
0xcb: {  	v9 =	vld.idx.msk [tilespmem:v5+s2+$0x0], $0xffff  }
0xcc: {  	v10 =	vld.idx.msk [tilespmem:v6+s15+$0x0], $0xffff  }
0xcd: {  	v11 =	vld.idx.msk [tilespmem:v7+s2+$0x0], $0xffff  }
0xce: {  	v7 =	vld.idx.msk [tilespmem:v7+s15+$0x0], $0xffff  }
0xcf: {  	v12 =	vld.idx.msk [tilespmem:v8+s2+$0x0], $0xffff  }
0xd0: {  	v30 =	vld.idx.msk [tilespmem:v8+s15+$0x0], $0xffff  }
0xd1: {  	v5 =	vld.idx.msk [tilespmem:v5+s15+$0x0], $0xffff  }
0xd2: {  	v6 =	vld.idx.msk [tilespmem:v6+s2+$0x0], $0xffff;
	_ =	sdelay $0x3  }
0xd3: {  	v7 =	vsub.f32 v7, v30;
	v11 =	vsub.f32 v11, v12  }
0xd4: {  	v10 =	vsub.f32 v10, v5;
	v6 =	vsub.f32 v6, v9  }
0xd5: {  	v13 =	vmul.f32 $5.000000000e-01, v7;
	v14 =	vmul.f32 $5.000000000e-01, v11  }
0xd6: {  	[tilespmem:s24+$0xA530] =	vst v7;
	v7 =	vmul.f32 $5.000000000e-01, v10;
	v15 =	vmul.f32 $5.000000000e-01, v6  }
0xd7: {  	v8 =	vadd.f32 v13, v30;
	v31 =	vadd.f32 v14, v12  }
0xd8: {  	[tilespmem:s24+$0xD6B0] =	vst v6;
	v5 =	vadd.f32 v7, v5;
	v6 =	vadd.f32 v15, v9;
	_ =	sdelay $0x1  }
0xd9: {  	v7 =	vsub.f32 v31, v8;
	[tilespmem:s24+$0x94B0] =	vst v5;
	v5 =	vsub.f32 v6, v5  }
0xda: {  	v6 =	vld [tilespmem:s24+$0x8430]  }
0xdb: {  	v7 =	vmul.f32 v7, v7;
	v5 =	vmul.f32 v5, v5;
	_ =	sdelay $0x1  }
0xdc: {  	v5 =	vadd.f32 v5, v7;
	v7 =	vor.u32 $0x4100, v0  }
0xdd: {  	v32 =	vor.u32 $0x4101, v0  }
0xde: {  	v33 =	vor.u32 $0x4103, v0;
	[tilespmem:s24+$0xB5B0] =	vst v10;
	v5 =	vmul.f32 v5, v6  }
0xdf: {  	[tilespmem:s24+$0xC630] =	vst v11  }
0xe0: {  	[tilespmem:s24+$0xE730] =	vst v5  }
0xe1: {  	v5 =	vld.idx.msk [tilespmem:v7+s2+$0x0], $0xffff  }
0xe2: {  	v6 =	vor.u32 $0x4102, v0;
	v34 =	vld.idx.msk [tilespmem:v32+s2+$0x0], $0xffff  }
0xe3: {  	v35 =	vld.idx.msk [tilespmem:v33+s2+$0x0], $0xffff  }
0xe4: {  	v7 =	vld.idx.msk [tilespmem:v7+s15+$0x0], $0xffff  }
0xe5: {  	v8 =	vld.idx.msk [tilespmem:v32+s15+$0x0], $0xffff  }
0xe6: {  	v9 =	vld.idx.msk [tilespmem:v33+s15+$0x0], $0xffff  }
0xe7: {  	v11 =	vld.idx.msk [tilespmem:v6+s2+$0x0], $0xffff  }
0xe8: {  	v6 =	vld.idx.msk [tilespmem:v6+s15+$0x0], $0xffff;
	_ =	sdelay $0x3  }
0xe9: {  	v12 =	vsub.f32 v35, v34;
	v9 =	vsub.f32 v9, v8  }
0xea: {  	v11 =	vsub.f32 v11, v5;
	v6 =	vsub.f32 v6, v7  }
0xeb: {  	v37 =	vmul.f32 $5.000000000e-01, v12;
	v16 =	vmul.f32 $5.000000000e-01, v9  }
0xec: {  	v36 =	vmul.f32 $5.000000000e-01, v11;
	v38 =	vmul.f32 $5.000000000e-01, v6  }
0xed: {  	v10 =	vadd.f32 v37, v34;
	v8 =	vadd.f32 v16, v8  }
0xee: {  	v5 =	vadd.f32 v36, v5;
	v7 =	vadd.f32 v38, v7;
	_ =	sdelay $0x1  }
0xef: {  	v5 =	vsub.f32 v5, v7;
	v7 =	vsub.f32 v10, v8  }
0xf0: {  	v39 =	vld [tilespmem:$0x9440]  }
0xf1: {  	v5 =	vmul.f32 v5, v5;
	v7 =	vmul.f32 v7, v7  }
0xf2: {  	[tilespmem:$0xC5C0] =	vst v9  }
0xf3: {  	[tilespmem:$0xB540] =	vst v6;
	v6 =	vor.u32 $0x4140, v0;
	v5 =	vadd.f32 v7, v5  }
0xf4: {  	[tilespmem:$0xE6C0] =	vst v12;
	v7 =	vor.u32 $0x4141, v0  }
0xf5: {  	v40 =	vor.u32 $0x4142, v0;
	[tilespmem:$0xD640] =	vst v11;
	v5 =	vmul.f32 v5, v39  }
0xf6: {  	v41 =	vor.u32 $0x4143, v0;
	[tilespmem:$0xA4C0] =	vst v8  }
0xf7: {  	[tilespmem:$0xF740] =	vst v5  }
0xf8: {  	v5 =	vld.idx.msk [tilespmem:v6+s2+$0x0], $0xffff  }
0xf9: {  	v42 =	vld.idx.msk [tilespmem:v7+s2+$0x0], $0xffff  }
0xfa: {  	v11 =	vld.idx.msk [tilespmem:v40+s2+$0x0], $0xffff  }
0xfb: {  	v12 =	vld.idx.msk [tilespmem:v41+s2+$0x0], $0xffff  }
0xfc: {  	v6 =	vld.idx.msk [tilespmem:v6+s15+$0x0], $0xffff  }
0xfd: {  	v7 =	vld.idx.msk [tilespmem:v7+s15+$0x0], $0xffff  }
0xfe: {  	v8 =	vld.idx.msk [tilespmem:v40+s15+$0x0], $0xffff  }
0xff: {  	v9 =	vld.idx.msk [tilespmem:v41+s15+$0x0], $0xffff;
	_ =	sdelay $0x2  }
0x100: {  	v47 =	vsel vm0, $0x4180, v4;
	v49 =	vsel vm0, $0x4181, v4;
	v50 =	vsel vm0, $0x4182, v4  }
0x101: {  	v52 =	vsel vm0, $0x4183, v4;
	v11 =	vsub.f32 v11, v5;
	v12 =	vsub.f32 v12, v42  }
0x102: {  	v13 =	vsel vm1, $0x4186, v50;
	v8 =	vsub.f32 v8, v6;
	v9 =	vsub.f32 v9, v7  }
0x103: {  	v15 =	vsel vm1, $0x4187, v52;
	v43 =	vmul.f32 $5.000000000e-01, v11;
	v44 =	vmul.f32 $5.000000000e-01, v12  }
0x104: {  	v13 =	vsel vm2, $0x418A, v13;
	v45 =	vmul.f32 $5.000000000e-01, v8;
	v46 =	vmul.f32 $5.000000000e-01, v9  }
0x105: {  	v54 =	vsel vm2, $0x418B, v15;
	v5 =	vadd.f32 v43, v5;
	v10 =	vadd.f32 v44, v42  }
0x106: {  	v13 =	vsel vm3, $0x418E, v13;
	v6 =	vadd.f32 v45, v6;
	v7 =	vadd.f32 v46, v7  }
0x107: {  	v48 =	vsel vm1, $0x4184, v47;
	v56 =	vsel vm3, $0x418F, v54;
	v53 =	vsel vm4, $0x4192, v13  }
0x108: {  	v55 =	vsel vm5, $0x4196, v53;
	v5 =	vsub.f32 v5, v6;
	v6 =	vsub.f32 v10, v7  }
0x109: {  	v57 =	vsel vm4, $0x4193, v56;
	v51 =	vld [tilespmem:$0x9450];
	[tilespmem:$0xB550] =	vst v8;
	v8 =	vsel vm6, $0x419A, v55;
	v10 =	vsel vm2, $0x4188, v48  }
0x10a: {  	v10 =	vsel vm3, $0x418C, v10;
	v5 =	vmul.f32 v5, v5;
	v6 =	vmul.f32 v6, v6  }
0x10b: {  	[tilespmem:$0xC5D0] =	vst v9;
	v9 =	vsel vm5, $0x4197, v57;
	v8 =	vsel vm7, $0x419E, v8;
	v10 =	vsel vm4, $0x4190, v10  }
0x10c: {  	v5 =	vadd.f32 v6, v5;
	v6 =	vsel vm5, $0x4194, v10;
	v10 =	vsel vm1, $0x4185, v49  }
0x10d: {  	[tilespmem:$0xD650] =	vst v11;
	v9 =	vsel vm6, $0x419B, v9;
	v10 =	vsel vm2, $0x4189, v10  }
0x10e: {  	[tilespmem:$0xE6D0] =	vst v12;
	v10 =	vsel vm3, $0x418D, v10;
	v5 =	vmul.f32 v5, v51  }
0x10f: {  	[tilespmem:$0xA4D0] =	vst v7;
	v6 =	vsel vm6, $0x4198, v6;
	v10 =	vsel vm4, $0x4191, v10  }
0x110: {  	v6 =	vsel vm7, $0x419C, v6;
	v7 =	vsel vm5, $0x4195, v10;
	[tilespmem:$0xF750] =	vst v5  }
0x111: {  	v7 =	vsel vm6, $0x4199, v7;
	v11 =	vld.idx.msk [tilespmem:v8+s2+$0x0], $0xffff  }
0x112: {  	v12 =	vld.idx.msk [tilespmem:v9+s2+$0x0], $0xffff;
	v7 =	vsel vm7, $0x419D, v7  }
0x113: {  	v8 =	vld.idx.msk [tilespmem:v8+s15+$0x0], $0xffff  }
0x114: {  	v9 =	vld.idx.msk [tilespmem:v9+s15+$0x0], $0xffff  }
0x115: {  	v5 =	vld.idx.msk [tilespmem:v6+s2+$0x0], $0xffff  }
0x116: {  	v6 =	vld.idx.msk [tilespmem:v6+s15+$0x0], $0xffff  }
0x117: {  	v58 =	vld.idx.msk [tilespmem:v7+s2+$0x0], $0xffff  }
0x118: {  	v7 =	vld.idx.msk [tilespmem:v7+s15+$0x0], $0xffff;
	_ =	sdelay $0x3  }
0x119: {  	v11 =	vsub.f32 v11, v5;
	v8 =	vsub.f32 v8, v6  }
0x11a: {  	v12 =	vsub.f32 v12, v58;
	v9 =	vsub.f32 v9, v7  }
0x11b: {  	v59 =	vmul.f32 $5.000000000e-01, v11;
	v61 =	vmul.f32 $5.000000000e-01, v8  }
0x11c: {  	v60 =	vmul.f32 $5.000000000e-01, v12;
	v62 =	vmul.f32 $5.000000000e-01, v9  }
0x11d: {  	v5 =	vadd.f32 v59, v5;
	v6 =	vadd.f32 v61, v6  }
0x11e: {  	v10 =	vadd.f32 v60, v58;
	v7 =	vadd.f32 v62, v7;
	_ =	sdelay $0x1  }
0x11f: {  	v5 =	vsub.f32 v5, v6;
	v6 =	vsub.f32 v10, v7  }
0x120: {  	v63 =	vld [tilespmem:$0x9460]  }
0x121: {  	v5 =	vmul.f32 v5, v5;
	v6 =	vmul.f32 v6, v6  }
0x122: {  	[tilespmem:$0xB560] =	vst v8  }
0x123: {  	[tilespmem:$0xD660] =	vst v11;
	v5 =	vadd.f32 v6, v5  }
0x124: {  	[tilespmem:$0xC5E0] =	vst v9  }
0x125: {  	[tilespmem:$0xE6E0] =	vst v12;
	v5 =	vmul.f32 v5, v63  }
0x126: {  	[tilespmem:$0xA4E0] =	vst v7  }
0x127: {  	[tilespmem:$0xF760] =	vst v5  }
0x128: {  	[hbm4b:s6+s2] =	stream.linear.scatter [tilespmem:s17], [sflag:$0x1], $0x1068, $0x38;
	[tilespmem:$0xF780] =	vst v63  }
0x129: {  	_ =	swait.ge [sflag:s14], $0x1068  }
0x12a: {  	[sflag:s14] =	ssyncset.done $0x0  }
0x12b: {  	[sflag:s14] =	ssyncadd.s32 $0xFFFFEF98  }
0x12c: {  	[hbm4b:s7+s2] =	stream.linear.scatter [tilespmem:s18], [sflag:$0x1], $0x1068, $0x38;
	[tilespmem:$0xF780] =	vst v63  }
0x12d: {  	_ =	swait.ge [sflag:s14], $0x1068  }
0x12e: {  	[sflag:s14] =	ssyncset.done $0x0  }
0x12f: {  	[sflag:s14] =	ssyncadd.s32 $0xFFFFEF98  }
0x130: {  	[hbm4b:s8+s2] =	stream.linear.scatter [tilespmem:s19], [sflag:$0x1], $0x1068, $0x38;
	[tilespmem:$0xF780] =	vst v63  }
0x131: {  	_ =	swait.ge [sflag:s14], $0x1068  }
0x132: {  	[sflag:s14] =	ssyncset.done $0x0  }
0x133: {  	[sflag:s14] =	ssyncadd.s32 $0xFFFFEF98  }
0x134: {  	[hbm4b:s9+s2] =	stream.linear.scatter [tilespmem:s20], [sflag:$0x1], $0x1068, $0x38;
	[tilespmem:$0xF780] =	vst v63  }
0x135: {  	_ =	swait.ge [sflag:s14], $0x1068  }
0x136: {  	[sflag:s14] =	ssyncset.done $0x0  }
0x137: {  	[sflag:s14] =	ssyncadd.s32 $0xFFFFEF98  }
0x138: {  	[hbm4b:s10+s2] =	stream.linear.scatter [tilespmem:s21], [sflag:$0x1], $0x1068, $0x38;
	[tilespmem:$0xF780] =	vst v63  }
0x139: {  	_ =	swait.ge [sflag:s14], $0x1068  }
0x13a: {  	[sflag:s14] =	ssyncset.done $0x0  }
0x13b: {  	[sflag:s14] =	ssyncadd.s32 $0xFFFFEF98  }
0x13c: {  	[hbm4b:s11+s2] =	stream.linear.scatter [tilespmem:s16], [sflag:$0x1], $0x1068, $0x38;
	[tilespmem:$0xF780] =	vst v63  }
0x13d: {  	s23 =	sadd.s32 $0x1, s23;
	_ =	swait.ge [sflag:s14], $0x1068  }
0x13e: {  	p0 =	sne.s32 s23, s13;
	[sflag:s14] =	ssyncset.done $0x0  }
.Ltmp1:
0x13f: {  	[sflag:s14] =	ssyncadd.s32 $0xFFFFEF98;
	(pc) =	sbr.rel @p0 .LBB2_1-.Ltmp1, $4  }
0x140: {  	[hbm4b:s12+s2] =	stream.linear.scatter [tilespmem:s22], [sflag:$0x1], $0x1068, $0x38;
	[tilespmem:$0xF780] =	vst v63  }
0x141: {  	_ =	swait.ge [sflag:s14], $0x1068  }
0x142: {  	[sflag:s14] =	ssyncset.done $0x0  }
0x143: {  	[sflag:s14] =	ssyncadd.s32 $0xFFFFEF98  }
0x144: {  	_ =	sfence.sel $0x180000  }
0x145: {  	[bflag:$0x0] =	sbarrier.arrive $0xFFFF  }
0x146: {  	p0 =	sne.s32 s0, $0x0;
	_ =	strace $0x90000047  }
0x147: {  	s0 =	sadd.s32 @!p0 $0x100000, s1;
	[bflag:$0x2] =	sbarrier.arrive $0xFFFF  }
0x148: {  	[sflag:s0] =	ssyncadd.tile.s32 @!p0 $0x1;
	_ =	shalt  }
.Lfunc_end2:
_tile_overlayer_lowered:
.L_overlay_start_2:
0x149: {  	(tag) =	ssettag $0x2  }
0x14a: {  	s0 =	rddreg [dreg:$0x0];
	s2 =	stileid.u32  }
0x14b: {  	s1 =	rddreg [dreg:$0x1];
	p0 =	sne.s32 s2, $0x0  }
0x14c: {  	s3 =	rddreg [dreg:$0x2];
	[bflag:$0x3] =	sbarrier.arrive $0xFFFF;
	s2 =	simm.s32 @!p0 $0x1C01  }
0x14d: {  	[timem:s3], [sflag:s2] =	dma.local @!p0 [hbm:s0], s1  }
0x14e: {  	s0 =	simm.s32 @!p0 $0x1  }
0x14f: {  	_ =	swait.ge @!p0 [sflag:s0], s1  }
0x150: {  	s1 =	ssub.s32 @!p0 $0x0, s1;
	[sflag:s0] =	ssyncset.done @!p0 $0x0  }
0x151: {  	[sflag:s0] =	ssyncadd.s32 @!p0 s1  }
0x152: {  	[bflag:$0x3] =	sbarrier.arrive $0xFFFF  }
0x153: {  	_ =	shalt  }

</sc_bundles>
